<compile_context>
chip_gen: v7x
topology: tpu7x:2x2x1
jax: 0.10.2.dev20260603
libtpu: 0.0.44.dev20260713+nightly
codegen_flags: <defaults>
</compile_context>

<pallas_src>
import functools
import math

import jax
import jax.numpy as jnp
from jax import lax
from jax.experimental import pallas as pl
from jax.experimental.pallas import tpu as pltpu
from jax.experimental.pallas import tpu_sc as plsc

DIM = 64
SCALE = math.sqrt(DIM)
NC = 2
NS = 16
NW = NC * NS
LANES = 16
NA = 4096
NB = 200
ABLK = NA // NW
NBUF = 4


@jax.jit
def _sc_embed(ids2d, table2):
    mesh = plsc.VectorSubcoreMesh(core_axis_name="c", subcore_axis_name="s")

    @functools.partial(
        pl.kernel,
        mesh=mesh,
        out_type=jax.ShapeDtypeStruct((NB, 8, NW, 1024), jnp.float32),
        scratch_types=(
            [pltpu.VMEM((NB, ABLK), jnp.int32)]
            + [pltpu.VMEM((ABLK, DIM), jnp.float32) for _ in range(NBUF)]
            + [pltpu.VMEM((DIM * ABLK,), jnp.float32) for _ in range(2)]
            + [pltpu.SemaphoreType.DMA for _ in range(NBUF + 2)]
        ),
        compiler_params=pltpu.CompilerParams(
            needs_layout_passes=False, use_tc_tiling_on_sc=False),
    )
    def k(ids_hbm, table_hbm, out_hbm, idsv, *bufs):
        rows = bufs[:NBUF]
        outb = bufs[NBUF:NBUF + 2]
        gsem = bufs[NBUF + 2:2 * NBUF + 2]
        ssem = bufs[2 * NBUF + 2:]
        wid = lax.axis_index("s") * NC + lax.axis_index("c")
        pltpu.sync_copy(ids_hbm.at[:, pl.ds(wid * ABLK, ABLK)], idsv)
        iota = lax.iota(jnp.int32, LANES)

        def gather(buf, b):
            pltpu.async_copy(table_hbm.at[idsv.at[b]], rows[buf], gsem[buf])

        def wait_gather(buf):
            pltpu.make_async_copy(
                table_hbm.at[pl.ds(0, ABLK)], rows[buf], gsem[buf]).wait()

        def wait_store(ob):
            for gg in range(8):
                pltpu.make_async_copy(
                    outb[ob].at[pl.ds(gg * 1024, 1024)],
                    out_hbm.at[0, gg, wid], ssem[ob]).wait()

        zerov = iota * 0
        for b in range(NBUF - 1):
            gather(b, b)

        def outer(gi, carry):
            for kk in range(NBUF):
                g = gi * NBUF + kk
                ob = kk % 2
                wait_gather(kk)
                src = rows[kk]
                dst = outb[ob]

                @pl.when(g >= 2)
                def _():
                    wait_store(ob)

                @plsc.parallel_loop(0, ABLK, step=1, unroll=4)
                def sweep(t):
                    for j in range(DIM // LANES):
                        vals = src[t, pl.ds(j * LANES, LANES)]
                        idxv = (j * LANES + iota) * 128 + t
                        plsc.store_scatter(dst, [idxv], vals * SCALE)

                for gg in range(8):
                    pltpu.async_copy(outb[ob].at[pl.ds(gg * 1024, 1024)],
                                     out_hbm.at[g, gg, wid], ssem[ob])

                @pl.when(g + NBUF - 1 < NB)
                def _():
                    bp = (kk - 1) % NBUF
                    gather(bp, g + NBUF - 1)
            return carry

        lax.fori_loop(0, NB // NBUF, outer, 0)
        wait_store((NB - 2) % 2)
        wait_store((NB - 1) % 2)

    return k(ids2d, table2)


def kernel(token_ids, table):
    ids2d = token_ids.T.astype(jnp.int32)
    out4 = _sc_embed(ids2d, table)
    out5 = out4.reshape(NB, 8, NW, 8, 128)
    return out5.transpose(2, 4, 0, 1, 3).reshape(NA, NB, DIM)

# --- scband reference (transcript-rebuilt; emitter-appended) ---
"""Pipeline reference for scband-token-embedding-31430570672407 (READ-ONLY COPY).

The authoritative reference and input builder live on the scoring server;
editing this copy changes nothing except your own understanding.
"""

import jax, jax.numpy as jnp
import numpy as np
import math

VOCAB = 1000000
DIM = 64
PAD_IDX = 0

def setup_inputs(seed: int = 0) -> dict:
    key = jax.random.key(seed)
    k_idx, k_tab = jax.random.split(key)
    token_ids = jax.random.randint(k_idx, (4096, 200), 0, VOCAB, dtype=jnp.int64)
    # GPT-2 style init: normal(0, 0.02), padding row zeroed
    table = jax.random.normal(k_tab, (VOCAB, DIM), dtype=jnp.float32) * 0.02
    table = table.at[PAD_IDX].set(0.0)
    return {"token_ids": token_ids, "table": table}

def reference(token_ids, table):
    # embedding lookup (gather) followed by sqrt(d) scaling, as in GPT-2/3
    emb = jnp.take(table, token_ids, axis=0)
    return emb * math.sqrt(DIM)

if __name__ == "__main__":
    import jax
    _d = setup_inputs()
    print(jax.jit(kernel)(*tuple(_d.values())))

</pallas_src>

<mosaic_0001>
#map = affine_map<(d0, d1) -> (0, 0)>
#map1 = affine_map<(d0, d1) -> (0, 0, 0, 0)>
module attributes {stable_mosaic.version = 14 : i64} {
  func.func @k(%arg0: i32, %arg1: i32, %arg2: memref<200x4096xi32, #tpu.memory_space<hbm>>, %arg3: memref<1000000x64xf32, #tpu.memory_space<hbm>>, %arg4: memref<200x8x32x1024xf32, #tpu.memory_space<hbm>>, %arg5: memref<200x128xi32, #tpu.memory_space<vmem>>, %arg6: memref<128x64xf32, #tpu.memory_space<vmem>>, %arg7: memref<128x64xf32, #tpu.memory_space<vmem>>, %arg8: memref<128x64xf32, #tpu.memory_space<vmem>>, %arg9: memref<128x64xf32, #tpu.memory_space<vmem>>, %arg10: memref<8192xf32, #tpu.memory_space<vmem>>, %arg11: memref<8192xf32, #tpu.memory_space<vmem>>, %arg12: memref<!tpu.dma_semaphore, #tpu.memory_space<semaphore_mem>>, %arg13: memref<!tpu.dma_semaphore, #tpu.memory_space<semaphore_mem>>, %arg14: memref<!tpu.dma_semaphore, #tpu.memory_space<semaphore_mem>>, %arg15: memref<!tpu.dma_semaphore, #tpu.memory_space<semaphore_mem>>, %arg16: memref<!tpu.dma_semaphore, #tpu.memory_space<semaphore_mem>>, %arg17: memref<!tpu.dma_semaphore, #tpu.memory_space<semaphore_mem>>) attributes {dimension_semantics = [#tpu.dimension_semantics<core_parallel>, #tpu.dimension_semantics<subcore_parallel>], iteration_bounds = array<i64: 2, 16>, scalar_prefetch = 0 : i64, scratch_operands = 13 : i64, tpu.core_type = #tpu.core_type<sc_vector_subcore>, window_params = [{transform_indices = #map}, {transform_indices = #map}, {transform_indices = #map1}]} {
    %mul3A = arith.constant 2 : i32
    %mul3A_0 = arith.muli %arg1, %mul3A : i32
    %add3A = arith.addi %mul3A_0, %arg0 : i32
    %mul3A_1 = arith.constant 128 : i32
    %mul3A_2 = arith.muli %add3A, %mul3A_1 : i32
    "tpu.region"() ({
      %run_scoped3A = tpu.sem_alloc : memref<!tpu.dma_semaphore, #tpu.memory_space<semaphore_mem>>
      %dma_start3A_222 = arith.constant 0 : i32
      %dma_start3A_223 = tpu.memref_slice %arg2[%dma_start3A_222, %mul3A_2] : memref<200x4096xi32, #tpu.memory_space<hbm>> -> memref<200x128xi32, #tpu.memory_space<hbm>>
      %dma_start3A_224 = arith.constant 0 : i32
      %dma_start3A_225 = tpu.memref_slice %arg2[%dma_start3A_224, %mul3A_2] : memref<200x4096xi32, #tpu.memory_space<hbm>> -> memref<200x128xi32, #tpu.memory_space<hbm>>
      tpu.enqueue_dma source(%dma_start3A_225 : memref<200x128xi32, #tpu.memory_space<hbm>>) target(%arg5 : memref<200x128xi32, #tpu.memory_space<vmem>>) target_semaphore(%run_scoped3A : memref<!tpu.dma_semaphore, #tpu.memory_space<semaphore_mem>>)
      %dma_wait3A_226 = arith.constant 0 : i32
      %dma_wait3A_227 = tpu.memref_slice %arg2[%dma_wait3A_226, %mul3A_2] : memref<200x4096xi32, #tpu.memory_space<hbm>> -> memref<200x128xi32, #tpu.memory_space<hbm>>
      %dma_wait3A_228 = arith.constant 0 : i32
      %dma_wait3A_229 = tpu.memref_slice %arg2[%dma_wait3A_228, %mul3A_2] : memref<200x4096xi32, #tpu.memory_space<hbm>> -> memref<200x128xi32, #tpu.memory_space<hbm>>
      tpu.wait_dma2 semaphore(%run_scoped3A : memref<!tpu.dma_semaphore, #tpu.memory_space<semaphore_mem>>) src(%dma_wait3A_229 : memref<200x128xi32, #tpu.memory_space<hbm>>) dst(%arg5 : memref<200x128xi32, #tpu.memory_space<vmem>>)
      tpu.yield
    }) : () -> ()
    %iota3A = tpu.iota {dimensions = array<i32: 0>} : vector<16xi32>
    %mul3A_3 = arith.constant 0 : i32
    %mul3A_4 = vector.broadcast %mul3A_3 : i32 to vector<16xi32>
    %mul3A_5 = arith.muli %iota3A, %mul3A_4 : vector<16xi32>
    %dma_start3A = arith.constant 0 : i32
    %dma_start3A_6 = arith.constant 0 : i32
    %dma_start3A_7 = tpu.memref_slice %arg5[%dma_start3A, %dma_start3A_6] : memref<200x128xi32, #tpu.memory_space<vmem>> -> memref<1x128xi32, #tpu.memory_space<vmem>>
    %dma_start3A_8 = tpu.memref_squeeze %dma_start3A_7 : memref<1x128xi32, #tpu.memory_space<vmem>> -> memref<128xi32, #tpu.memory_space<vmem>>
    %dma_start3A_9 = arith.constant 0 : i32
    %dma_start3A_10 = arith.constant 0 : i32
    %dma_start3A_11 = tpu.memref_slice %arg3[%dma_start3A_9, %dma_start3A_10] : memref<1000000x64xf32, #tpu.memory_space<hbm>> -> memref<1000000x64xf32, #tpu.memory_space<hbm>>
    tpu.enqueue_indirect_dma source(%dma_start3A_11 : memref<1000000x64xf32, #tpu.memory_space<hbm>>) target(%arg6 : memref<128x64xf32, #tpu.memory_space<vmem>>) offsets(%dma_start3A_8 : memref<128xi32, #tpu.memory_space<vmem>>) semaphore(%arg12 : memref<!tpu.dma_semaphore, #tpu.memory_space<semaphore_mem>>)
    %dma_start3A_12 = arith.constant 1 : i32
    %dma_start3A_13 = arith.constant 0 : i32
    %dma_start3A_14 = tpu.memref_slice %arg5[%dma_start3A_12, %dma_start3A_13] : memref<200x128xi32, #tpu.memory_space<vmem>> -> memref<1x128xi32, #tpu.memory_space<vmem>>
    %dma_start3A_15 = tpu.memref_squeeze %dma_start3A_14 : memref<1x128xi32, #tpu.memory_space<vmem>> -> memref<128xi32, #tpu.memory_space<vmem>>
    %dma_start3A_16 = arith.constant 0 : i32
    %dma_start3A_17 = arith.constant 0 : i32
    %dma_start3A_18 = tpu.memref_slice %arg3[%dma_start3A_16, %dma_start3A_17] : memref<1000000x64xf32, #tpu.memory_space<hbm>> -> memref<1000000x64xf32, #tpu.memory_space<hbm>>
    tpu.enqueue_indirect_dma source(%dma_start3A_18 : memref<1000000x64xf32, #tpu.memory_space<hbm>>) target(%arg7 : memref<128x64xf32, #tpu.memory_space<vmem>>) offsets(%dma_start3A_15 : memref<128xi32, #tpu.memory_space<vmem>>) semaphore(%arg13 : memref<!tpu.dma_semaphore, #tpu.memory_space<semaphore_mem>>)
    %dma_start3A_19 = arith.constant 2 : i32
    %dma_start3A_20 = arith.constant 0 : i32
    %dma_start3A_21 = tpu.memref_slice %arg5[%dma_start3A_19, %dma_start3A_20] : memref<200x128xi32, #tpu.memory_space<vmem>> -> memref<1x128xi32, #tpu.memory_space<vmem>>
    %dma_start3A_22 = tpu.memref_squeeze %dma_start3A_21 : memref<1x128xi32, #tpu.memory_space<vmem>> -> memref<128xi32, #tpu.memory_space<vmem>>
    %dma_start3A_23 = arith.constant 0 : i32
    %dma_start3A_24 = arith.constant 0 : i32
    %dma_start3A_25 = tpu.memref_slice %arg3[%dma_start3A_23, %dma_start3A_24] : memref<1000000x64xf32, #tpu.memory_space<hbm>> -> memref<1000000x64xf32, #tpu.memory_space<hbm>>
    tpu.enqueue_indirect_dma source(%dma_start3A_25 : memref<1000000x64xf32, #tpu.memory_space<hbm>>) target(%arg8 : memref<128x64xf32, #tpu.memory_space<vmem>>) offsets(%dma_start3A_22 : memref<128xi32, #tpu.memory_space<vmem>>) semaphore(%arg14 : memref<!tpu.dma_semaphore, #tpu.memory_space<semaphore_mem>>)
    %scan3A = arith.constant 0 : i32
    %scan3A_26 = arith.constant 0 : i32
    %scan3A_27 = arith.constant 50 : i32
    %scan3A_28 = arith.addi %scan3A_26, %scan3A_27 : i32
    %scan3A_29 = arith.constant 1 : i32
    scf.for %scan3A_222 = %scan3A_26 to %scan3A_28 step %scan3A_29  : i32 {
      %mul3A_223 = arith.constant 4 : i32
      %mul3A_224 = arith.muli %scan3A_222, %mul3A_223 : i32
      %add3A_225 = arith.constant 0 : i32
      %add3A_226 = arith.addi %mul3A_224, %add3A_225 : i32
      %dma_wait3A_227 = arith.constant 0 : i32
      %dma_wait3A_228 = arith.constant 0 : i32
      %dma_wait3A_229 = tpu.memref_slice %arg3[%dma_wait3A_227, %dma_wait3A_228] : memref<1000000x64xf32, #tpu.memory_space<hbm>> -> memref<128x64xf32, #tpu.memory_space<hbm>>
      %dma_wait3A_230 = arith.constant 0 : i32
      %dma_wait3A_231 = arith.constant 0 : i32
      %dma_wait3A_232 = tpu.memref_slice %arg3[%dma_wait3A_230, %dma_wait3A_231] : memref<1000000x64xf32, #tpu.memory_space<hbm>> -> memref<128x64xf32, #tpu.memory_space<hbm>>
      tpu.wait_dma2 semaphore(%arg12 : memref<!tpu.dma_semaphore, #tpu.memory_space<semaphore_mem>>) src(%dma_wait3A_232 : memref<128x64xf32, #tpu.memory_space<hbm>>) dst(%arg6 : memref<128x64xf32, #tpu.memory_space<vmem>>)
      %ge3A = arith.constant 2 : i32
      %ge3A_233 = arith.cmpi sge, %add3A_226, %ge3A : i32
      %convert_element_type3A = arith.extui %ge3A_233 : i1 to i32
      %cond3A = arith.constant 0 : i32
      %cond3A_234 = arith.cmpi ne, %convert_element_type3A, %cond3A : i32
      scf.if %cond3A_234 {
        %dma_wait3A_677 = arith.constant 0 : i32
        %dma_wait3A_678 = arith.constant 0 : i32
        %dma_wait3A_679 = arith.constant 0 : i32
        %dma_wait3A_680 = tpu.memref_slice %arg10[%dma_wait3A_679] : memref<8192xf32, #tpu.memory_space<vmem>> -> memref<1024xf32, #tpu.memory_space<vmem>>
        %dma_wait3A_681 = arith.constant 0 : i32
        %dma_wait3A_682 = tpu.memref_slice %arg4[%dma_wait3A_677, %dma_wait3A_678, %add3A, %dma_wait3A_681] : memref<200x8x32x1024xf32, #tpu.memory_space<hbm>> -> memref<1x1x1x1024xf32, #tpu.memory_space<hbm>>
        %dma_wait3A_683 = tpu.memref_squeeze %dma_wait3A_682 : memref<1x1x1x1024xf32, #tpu.memory_space<hbm>> -> memref<1024xf32, #tpu.memory_space<hbm>>
        %dma_wait3A_684 = arith.constant 0 : i32
        %dma_wait3A_685 = tpu.memref_slice %arg4[%dma_wait3A_677, %dma_wait3A_678, %add3A, %dma_wait3A_684] : memref<200x8x32x1024xf32, #tpu.memory_space<hbm>> -> memref<1x1x1x1024xf32, #tpu.memory_space<hbm>>
        %dma_wait3A_686 = tpu.memref_squeeze %dma_wait3A_685 : memref<1x1x1x1024xf32, #tpu.memory_space<hbm>> -> memref<1024xf32, #tpu.memory_space<hbm>>
        %dma_wait3A_687 = arith.constant 0 : i32
        %dma_wait3A_688 = tpu.memref_slice %arg10[%dma_wait3A_687] : memref<8192xf32, #tpu.memory_space<vmem>> -> memref<1024xf32, #tpu.memory_space<vmem>>
        tpu.wait_dma2 semaphore(%arg16 : memref<!tpu.dma_semaphore, #tpu.memory_space<semaphore_mem>>) src(%dma_wait3A_688 : memref<1024xf32, #tpu.memory_space<vmem>>) dst(%dma_wait3A_686 : memref<1024xf32, #tpu.memory_space<hbm>>)
        %dma_wait3A_689 = arith.constant 0 : i32
        %dma_wait3A_690 = arith.constant 1 : i32
        %dma_wait3A_691 = arith.constant 1024 : i32
        %dma_wait3A_692 = tpu.memref_slice %arg10[%dma_wait3A_691] : memref<8192xf32, #tpu.memory_space<vmem>> -> memref<1024xf32, #tpu.memory_space<vmem>>
        %dma_wait3A_693 = arith.constant 0 : i32
        %dma_wait3A_694 = tpu.memref_slice %arg4[%dma_wait3A_689, %dma_wait3A_690, %add3A, %dma_wait3A_693] : memref<200x8x32x1024xf32, #tpu.memory_space<hbm>> -> memref<1x1x1x1024xf32, #tpu.memory_space<hbm>>
        %dma_wait3A_695 = tpu.memref_squeeze %dma_wait3A_694 : memref<1x1x1x1024xf32, #tpu.memory_space<hbm>> -> memref<1024xf32, #tpu.memory_space<hbm>>
        %dma_wait3A_696 = arith.constant 0 : i32
        %dma_wait3A_697 = tpu.memref_slice %arg4[%dma_wait3A_689, %dma_wait3A_690, %add3A, %dma_wait3A_696] : memref<200x8x32x1024xf32, #tpu.memory_space<hbm>> -> memref<1x1x1x1024xf32, #tpu.memory_space<hbm>>
        %dma_wait3A_698 = tpu.memref_squeeze %dma_wait3A_697 : memref<1x1x1x1024xf32, #tpu.memory_space<hbm>> -> memref<1024xf32, #tpu.memory_space<hbm>>
        %dma_wait3A_699 = arith.constant 1024 : i32
        %dma_wait3A_700 = tpu.memref_slice %arg10[%dma_wait3A_699] : memref<8192xf32, #tpu.memory_space<vmem>> -> memref<1024xf32, #tpu.memory_space<vmem>>
        tpu.wait_dma2 semaphore(%arg16 : memref<!tpu.dma_semaphore, #tpu.memory_space<semaphore_mem>>) src(%dma_wait3A_700 : memref<1024xf32, #tpu.memory_space<vmem>>) dst(%dma_wait3A_698 : memref<1024xf32, #tpu.memory_space<hbm>>)
        %dma_wait3A_701 = arith.constant 0 : i32
        %dma_wait3A_702 = arith.constant 2 : i32
        %dma_wait3A_703 = arith.constant 2048 : i32
        %dma_wait3A_704 = tpu.memref_slice %arg10[%dma_wait3A_703] : memref<8192xf32, #tpu.memory_space<vmem>> -> memref<1024xf32, #tpu.memory_space<vmem>>
        %dma_wait3A_705 = arith.constant 0 : i32
        %dma_wait3A_706 = tpu.memref_slice %arg4[%dma_wait3A_701, %dma_wait3A_702, %add3A, %dma_wait3A_705] : memref<200x8x32x1024xf32, #tpu.memory_space<hbm>> -> memref<1x1x1x1024xf32, #tpu.memory_space<hbm>>
        %dma_wait3A_707 = tpu.memref_squeeze %dma_wait3A_706 : memref<1x1x1x1024xf32, #tpu.memory_space<hbm>> -> memref<1024xf32, #tpu.memory_space<hbm>>
        %dma_wait3A_708 = arith.constant 0 : i32
        %dma_wait3A_709 = tpu.memref_slice %arg4[%dma_wait3A_701, %dma_wait3A_702, %add3A, %dma_wait3A_708] : memref<200x8x32x1024xf32, #tpu.memory_space<hbm>> -> memref<1x1x1x1024xf32, #tpu.memory_space<hbm>>
        %dma_wait3A_710 = tpu.memref_squeeze %dma_wait3A_709 : memref<1x1x1x1024xf32, #tpu.memory_space<hbm>> -> memref<1024xf32, #tpu.memory_space<hbm>>
        %dma_wait3A_711 = arith.constant 2048 : i32
        %dma_wait3A_712 = tpu.memref_slice %arg10[%dma_wait3A_711] : memref<8192xf32, #tpu.memory_space<vmem>> -> memref<1024xf32, #tpu.memory_space<vmem>>
        tpu.wait_dma2 semaphore(%arg16 : memref<!tpu.dma_semaphore, #tpu.memory_space<semaphore_mem>>) src(%dma_wait3A_712 : memref<1024xf32, #tpu.memory_space<vmem>>) dst(%dma_wait3A_710 : memref<1024xf32, #tpu.memory_space<hbm>>)
        %dma_wait3A_713 = arith.constant 0 : i32
        %dma_wait3A_714 = arith.constant 3 : i32
        %dma_wait3A_715 = arith.constant 3072 : i32
        %dma_wait3A_716 = tpu.memref_slice %arg10[%dma_wait3A_715] : memref<8192xf32, #tpu.memory_space<vmem>> -> memref<1024xf32, #tpu.memory_space<vmem>>
        %dma_wait3A_717 = arith.constant 0 : i32
        %dma_wait3A_718 = tpu.memref_slice %arg4[%dma_wait3A_713, %dma_wait3A_714, %add3A, %dma_wait3A_717] : memref<200x8x32x1024xf32, #tpu.memory_space<hbm>> -> memref<1x1x1x1024xf32, #tpu.memory_space<hbm>>
        %dma_wait3A_719 = tpu.memref_squeeze %dma_wait3A_718 : memref<1x1x1x1024xf32, #tpu.memory_space<hbm>> -> memref<1024xf32, #tpu.memory_space<hbm>>
        %dma_wait3A_720 = arith.constant 0 : i32
        %dma_wait3A_721 = tpu.memref_slice %arg4[%dma_wait3A_713, %dma_wait3A_714, %add3A, %dma_wait3A_720] : memref<200x8x32x1024xf32, #tpu.memory_space<hbm>> -> memref<1x1x1x1024xf32, #tpu.memory_space<hbm>>
        %dma_wait3A_722 = tpu.memref_squeeze %dma_wait3A_721 : memref<1x1x1x1024xf32, #tpu.memory_space<hbm>> -> memref<1024xf32, #tpu.memory_space<hbm>>
        %dma_wait3A_723 = arith.constant 3072 : i32
        %dma_wait3A_724 = tpu.memref_slice %arg10[%dma_wait3A_723] : memref<8192xf32, #tpu.memory_space<vmem>> -> memref<1024xf32, #tpu.memory_space<vmem>>
        tpu.wait_dma2 semaphore(%arg16 : memref<!tpu.dma_semaphore, #tpu.memory_space<semaphore_mem>>) src(%dma_wait3A_724 : memref<1024xf32, #tpu.memory_space<vmem>>) dst(%dma_wait3A_722 : memref<1024xf32, #tpu.memory_space<hbm>>)
        %dma_wait3A_725 = arith.constant 0 : i32
        %dma_wait3A_726 = arith.constant 4 : i32
        %dma_wait3A_727 = arith.constant 4096 : i32
        %dma_wait3A_728 = tpu.memref_slice %arg10[%dma_wait3A_727] : memref<8192xf32, #tpu.memory_space<vmem>> -> memref<1024xf32, #tpu.memory_space<vmem>>
        %dma_wait3A_729 = arith.constant 0 : i32
        %dma_wait3A_730 = tpu.memref_slice %arg4[%dma_wait3A_725, %dma_wait3A_726, %add3A, %dma_wait3A_729] : memref<200x8x32x1024xf32, #tpu.memory_space<hbm>> -> memref<1x1x1x1024xf32, #tpu.memory_space<hbm>>
        %dma_wait3A_731 = tpu.memref_squeeze %dma_wait3A_730 : memref<1x1x1x1024xf32, #tpu.memory_space<hbm>> -> memref<1024xf32, #tpu.memory_space<hbm>>
        %dma_wait3A_732 = arith.constant 0 : i32
        %dma_wait3A_733 = tpu.memref_slice %arg4[%dma_wait3A_725, %dma_wait3A_726, %add3A, %dma_wait3A_732] : memref<200x8x32x1024xf32, #tpu.memory_space<hbm>> -> memref<1x1x1x1024xf32, #tpu.memory_space<hbm>>
        %dma_wait3A_734 = tpu.memref_squeeze %dma_wait3A_733 : memref<1x1x1x1024xf32, #tpu.memory_space<hbm>> -> memref<1024xf32, #tpu.memory_space<hbm>>
        %dma_wait3A_735 = arith.constant 4096 : i32
        %dma_wait3A_736 = tpu.memref_slice %arg10[%dma_wait3A_735] : memref<8192xf32, #tpu.memory_space<vmem>> -> memref<1024xf32, #tpu.memory_space<vmem>>
        tpu.wait_dma2 semaphore(%arg16 : memref<!tpu.dma_semaphore, #tpu.memory_space<semaphore_mem>>) src(%dma_wait3A_736 : memref<1024xf32, #tpu.memory_space<vmem>>) dst(%dma_wait3A_734 : memref<1024xf32, #tpu.memory_space<hbm>>)
        %dma_wait3A_737 = arith.constant 0 : i32
        %dma_wait3A_738 = arith.constant 5 : i32
        %dma_wait3A_739 = arith.constant 5120 : i32
        %dma_wait3A_740 = tpu.memref_slice %arg10[%dma_wait3A_739] : memref<8192xf32, #tpu.memory_space<vmem>> -> memref<1024xf32, #tpu.memory_space<vmem>>
        %dma_wait3A_741 = arith.constant 0 : i32
        %dma_wait3A_742 = tpu.memref_slice %arg4[%dma_wait3A_737, %dma_wait3A_738, %add3A, %dma_wait3A_741] : memref<200x8x32x1024xf32, #tpu.memory_space<hbm>> -> memref<1x1x1x1024xf32, #tpu.memory_space<hbm>>
        %dma_wait3A_743 = tpu.memref_squeeze %dma_wait3A_742 : memref<1x1x1x1024xf32, #tpu.memory_space<hbm>> -> memref<1024xf32, #tpu.memory_space<hbm>>
        %dma_wait3A_744 = arith.constant 0 : i32
        %dma_wait3A_745 = tpu.memref_slice %arg4[%dma_wait3A_737, %dma_wait3A_738, %add3A, %dma_wait3A_744] : memref<200x8x32x1024xf32, #tpu.memory_space<hbm>> -> memref<1x1x1x1024xf32, #tpu.memory_space<hbm>>
        %dma_wait3A_746 = tpu.memref_squeeze %dma_wait3A_745 : memref<1x1x1x1024xf32, #tpu.memory_space<hbm>> -> memref<1024xf32, #tpu.memory_space<hbm>>
        %dma_wait3A_747 = arith.constant 5120 : i32
        %dma_wait3A_748 = tpu.memref_slice %arg10[%dma_wait3A_747] : memref<8192xf32, #tpu.memory_space<vmem>> -> memref<1024xf32, #tpu.memory_space<vmem>>
        tpu.wait_dma2 semaphore(%arg16 : memref<!tpu.dma_semaphore, #tpu.memory_space<semaphore_mem>>) src(%dma_wait3A_748 : memref<1024xf32, #tpu.memory_space<vmem>>) dst(%dma_wait3A_746 : memref<1024xf32, #tpu.memory_space<hbm>>)
        %dma_wait3A_749 = arith.constant 0 : i32
        %dma_wait3A_750 = arith.constant 6 : i32
        %dma_wait3A_751 = arith.constant 6144 : i32
        %dma_wait3A_752 = tpu.memref_slice %arg10[%dma_wait3A_751] : memref<8192xf32, #tpu.memory_space<vmem>> -> memref<1024xf32, #tpu.memory_space<vmem>>
        %dma_wait3A_753 = arith.constant 0 : i32
        %dma_wait3A_754 = tpu.memref_slice %arg4[%dma_wait3A_749, %dma_wait3A_750, %add3A, %dma_wait3A_753] : memref<200x8x32x1024xf32, #tpu.memory_space<hbm>> -> memref<1x1x1x1024xf32, #tpu.memory_space<hbm>>
        %dma_wait3A_755 = tpu.memref_squeeze %dma_wait3A_754 : memref<1x1x1x1024xf32, #tpu.memory_space<hbm>> -> memref<1024xf32, #tpu.memory_space<hbm>>
        %dma_wait3A_756 = arith.constant 0 : i32
        %dma_wait3A_757 = tpu.memref_slice %arg4[%dma_wait3A_749, %dma_wait3A_750, %add3A, %dma_wait3A_756] : memref<200x8x32x1024xf32, #tpu.memory_space<hbm>> -> memref<1x1x1x1024xf32, #tpu.memory_space<hbm>>
        %dma_wait3A_758 = tpu.memref_squeeze %dma_wait3A_757 : memref<1x1x1x1024xf32, #tpu.memory_space<hbm>> -> memref<1024xf32, #tpu.memory_space<hbm>>
        %dma_wait3A_759 = arith.constant 6144 : i32
        %dma_wait3A_760 = tpu.memref_slice %arg10[%dma_wait3A_759] : memref<8192xf32, #tpu.memory_space<vmem>> -> memref<1024xf32, #tpu.memory_space<vmem>>
        tpu.wait_dma2 semaphore(%arg16 : memref<!tpu.dma_semaphore, #tpu.memory_space<semaphore_mem>>) src(%dma_wait3A_760 : memref<1024xf32, #tpu.memory_space<vmem>>) dst(%dma_wait3A_758 : memref<1024xf32, #tpu.memory_space<hbm>>)
        %dma_wait3A_761 = arith.constant 0 : i32
        %dma_wait3A_762 = arith.constant 7 : i32
        %dma_wait3A_763 = arith.constant 7168 : i32
        %dma_wait3A_764 = tpu.memref_slice %arg10[%dma_wait3A_763] : memref<8192xf32, #tpu.memory_space<vmem>> -> memref<1024xf32, #tpu.memory_space<vmem>>
        %dma_wait3A_765 = arith.constant 0 : i32
        %dma_wait3A_766 = tpu.memref_slice %arg4[%dma_wait3A_761, %dma_wait3A_762, %add3A, %dma_wait3A_765] : memref<200x8x32x1024xf32, #tpu.memory_space<hbm>> -> memref<1x1x1x1024xf32, #tpu.memory_space<hbm>>
        %dma_wait3A_767 = tpu.memref_squeeze %dma_wait3A_766 : memref<1x1x1x1024xf32, #tpu.memory_space<hbm>> -> memref<1024xf32, #tpu.memory_space<hbm>>
        %dma_wait3A_768 = arith.constant 0 : i32
        %dma_wait3A_769 = tpu.memref_slice %arg4[%dma_wait3A_761, %dma_wait3A_762, %add3A, %dma_wait3A_768] : memref<200x8x32x1024xf32, #tpu.memory_space<hbm>> -> memref<1x1x1x1024xf32, #tpu.memory_space<hbm>>
        %dma_wait3A_770 = tpu.memref_squeeze %dma_wait3A_769 : memref<1x1x1x1024xf32, #tpu.memory_space<hbm>> -> memref<1024xf32, #tpu.memory_space<hbm>>
        %dma_wait3A_771 = arith.constant 7168 : i32
        %dma_wait3A_772 = tpu.memref_slice %arg10[%dma_wait3A_771] : memref<8192xf32, #tpu.memory_space<vmem>> -> memref<1024xf32, #tpu.memory_space<vmem>>
        tpu.wait_dma2 semaphore(%arg16 : memref<!tpu.dma_semaphore, #tpu.memory_space<semaphore_mem>>) src(%dma_wait3A_772 : memref<1024xf32, #tpu.memory_space<vmem>>) dst(%dma_wait3A_770 : memref<1024xf32, #tpu.memory_space<hbm>>)
      } else {
      }
      %parallel_loop3A = arith.constant 0 : i32
      %parallel_loop3A_235 = arith.constant 128 : i32
      %parallel_loop3A_236 = arith.constant 1 : i32
      scf.for %parallel_loop3A_677 = %parallel_loop3A to %parallel_loop3A_235 step %parallel_loop3A_236  : i32 {
        %parallel_loop3A_678 = arith.index_cast %parallel_loop3A_677 : i32 to index
        %parallel_loop3A_679 = arith.constant 0 : index
        %parallel_loop3A_680 = tpu.vector_load %arg6[%parallel_loop3A_678, %parallel_loop3A_679] {strides = array<i32>} : memref<128x64xf32, #tpu.memory_space<vmem>>, vector<16xf32>,
        %parallel_loop3A_681 = arith.constant 0 : i32
        %parallel_loop3A_682 = vector.broadcast %parallel_loop3A_681 : i32 to vector<16xi32>
        %parallel_loop3A_683 = arith.addi %parallel_loop3A_682, %iota3A : vector<16xi32>
        %parallel_loop3A_684 = arith.constant 128 : i32
        %parallel_loop3A_685 = vector.broadcast %parallel_loop3A_684 : i32 to vector<16xi32>
        %parallel_loop3A_686 = arith.muli %parallel_loop3A_683, %parallel_loop3A_685 : vector<16xi32>
        %parallel_loop3A_687 = vector.broadcast %parallel_loop3A_677 : i32 to vector<16xi32>
        %parallel_loop3A_688 = arith.addi %parallel_loop3A_686, %parallel_loop3A_687 : vector<16xi32>
        %parallel_loop3A_689 = arith.constant 8.000000e+00 : f32
        %parallel_loop3A_690 = vector.broadcast %parallel_loop3A_689 : f32 to vector<16xf32>
        %parallel_loop3A_691 = arith.mulf %parallel_loop3A_680, %parallel_loop3A_690 : vector<16xf32>
        tpu.vector_store_idx %arg10[%parallel_loop3A_688], %parallel_loop3A_691 : memref<8192xf32, #tpu.memory_space<vmem>>[vector<16xi32>], vector<16xf32>,
        %parallel_loop3A_692 = arith.index_cast %parallel_loop3A_677 : i32 to index
        %parallel_loop3A_693 = arith.constant 16 : index
        %parallel_loop3A_694 = tpu.vector_load %arg6[%parallel_loop3A_692, %parallel_loop3A_693] {strides = array<i32>} : memref<128x64xf32, #tpu.memory_space<vmem>>, vector<16xf32>,
        %parallel_loop3A_695 = arith.constant 16 : i32
        %parallel_loop3A_696 = vector.broadcast %parallel_loop3A_695 : i32 to vector<16xi32>
        %parallel_loop3A_697 = arith.addi %parallel_loop3A_696, %iota3A : vector<16xi32>
        %parallel_loop3A_698 = arith.constant 128 : i32
        %parallel_loop3A_699 = vector.broadcast %parallel_loop3A_698 : i32 to vector<16xi32>
        %parallel_loop3A_700 = arith.muli %parallel_loop3A_697, %parallel_loop3A_699 : vector<16xi32>
        %parallel_loop3A_701 = vector.broadcast %parallel_loop3A_677 : i32 to vector<16xi32>
        %parallel_loop3A_702 = arith.addi %parallel_loop3A_700, %parallel_loop3A_701 : vector<16xi32>
        %parallel_loop3A_703 = arith.constant 8.000000e+00 : f32
        %parallel_loop3A_704 = vector.broadcast %parallel_loop3A_703 : f32 to vector<16xf32>
        %parallel_loop3A_705 = arith.mulf %parallel_loop3A_694, %parallel_loop3A_704 : vector<16xf32>
        tpu.vector_store_idx %arg10[%parallel_loop3A_702], %parallel_loop3A_705 : memref<8192xf32, #tpu.memory_space<vmem>>[vector<16xi32>], vector<16xf32>,
        %parallel_loop3A_706 = arith.index_cast %parallel_loop3A_677 : i32 to index
        %parallel_loop3A_707 = arith.constant 32 : index
        %parallel_loop3A_708 = tpu.vector_load %arg6[%parallel_loop3A_706, %parallel_loop3A_707] {strides = array<i32>} : memref<128x64xf32, #tpu.memory_space<vmem>>, vector<16xf32>,
        %parallel_loop3A_709 = arith.constant 32 : i32
        %parallel_loop3A_710 = vector.broadcast %parallel_loop3A_709 : i32 to vector<16xi32>
        %parallel_loop3A_711 = arith.addi %parallel_loop3A_710, %iota3A : vector<16xi32>
        %parallel_loop3A_712 = arith.constant 128 : i32
        %parallel_loop3A_713 = vector.broadcast %parallel_loop3A_712 : i32 to vector<16xi32>
        %parallel_loop3A_714 = arith.muli %parallel_loop3A_711, %parallel_loop3A_713 : vector<16xi32>
        %parallel_loop3A_715 = vector.broadcast %parallel_loop3A_677 : i32 to vector<16xi32>
        %parallel_loop3A_716 = arith.addi %parallel_loop3A_714, %parallel_loop3A_715 : vector<16xi32>
        %parallel_loop3A_717 = arith.constant 8.000000e+00 : f32
        %parallel_loop3A_718 = vector.broadcast %parallel_loop3A_717 : f32 to vector<16xf32>
        %parallel_loop3A_719 = arith.mulf %parallel_loop3A_708, %parallel_loop3A_718 : vector<16xf32>
        tpu.vector_store_idx %arg10[%parallel_loop3A_716], %parallel_loop3A_719 : memref<8192xf32, #tpu.memory_space<vmem>>[vector<16xi32>], vector<16xf32>,
        %parallel_loop3A_720 = arith.index_cast %parallel_loop3A_677 : i32 to index
        %parallel_loop3A_721 = arith.constant 48 : index
        %parallel_loop3A_722 = tpu.vector_load %arg6[%parallel_loop3A_720, %parallel_loop3A_721] {strides = array<i32>} : memref<128x64xf32, #tpu.memory_space<vmem>>, vector<16xf32>,
        %parallel_loop3A_723 = arith.constant 48 : i32
        %parallel_loop3A_724 = vector.broadcast %parallel_loop3A_723 : i32 to vector<16xi32>
        %parallel_loop3A_725 = arith.addi %parallel_loop3A_724, %iota3A : vector<16xi32>
        %parallel_loop3A_726 = arith.constant 128 : i32
        %parallel_loop3A_727 = vector.broadcast %parallel_loop3A_726 : i32 to vector<16xi32>
        %parallel_loop3A_728 = arith.muli %parallel_loop3A_725, %parallel_loop3A_727 : vector<16xi32>
        %parallel_loop3A_729 = vector.broadcast %parallel_loop3A_677 : i32 to vector<16xi32>
        %parallel_loop3A_730 = arith.addi %parallel_loop3A_728, %parallel_loop3A_729 : vector<16xi32>
        %parallel_loop3A_731 = arith.constant 8.000000e+00 : f32
        %parallel_loop3A_732 = vector.broadcast %parallel_loop3A_731 : f32 to vector<16xf32>
        %parallel_loop3A_733 = arith.mulf %parallel_loop3A_722, %parallel_loop3A_732 : vector<16xf32>
        tpu.vector_store_idx %arg10[%parallel_loop3A_730], %parallel_loop3A_733 : memref<8192xf32, #tpu.memory_space<vmem>>[vector<16xi32>], vector<16xf32>,
      } {sc.loop_unroll_factor = 4 : i64, sc.parallel_access}
      %dma_start3A_237 = arith.constant 0 : i32
      %dma_start3A_238 = arith.constant 0 : i32
      %dma_start3A_239 = tpu.memref_slice %arg10[%dma_start3A_238] : memref<8192xf32, #tpu.memory_space<vmem>> -> memref<1024xf32, #tpu.memory_space<vmem>>
      %dma_start3A_240 = arith.constant 0 : i32
      %dma_start3A_241 = tpu.memref_slice %arg4[%add3A_226, %dma_start3A_237, %add3A, %dma_start3A_240] : memref<200x8x32x1024xf32, #tpu.memory_space<hbm>> -> memref<1x1x1x1024xf32, #tpu.memory_space<hbm>>
      %dma_start3A_242 = tpu.memref_squeeze %dma_start3A_241 : memref<1x1x1x1024xf32, #tpu.memory_space<hbm>> -> memref<1024xf32, #tpu.memory_space<hbm>>
      %dma_start3A_243 = arith.constant 0 : i32
      %dma_start3A_244 = tpu.memref_slice %arg4[%add3A_226, %dma_start3A_237, %add3A, %dma_start3A_243] : memref<200x8x32x1024xf32, #tpu.memory_space<hbm>> -> memref<1x1x1x1024xf32, #tpu.memory_space<hbm>>
      %dma_start3A_245 = tpu.memref_squeeze %dma_start3A_244 : memref<1x1x1x1024xf32, #tpu.memory_space<hbm>> -> memref<1024xf32, #tpu.memory_space<hbm>>
      %dma_start3A_246 = arith.constant 0 : i32
      %dma_start3A_247 = tpu.memref_slice %arg10[%dma_start3A_246] : memref<8192xf32, #tpu.memory_space<vmem>> -> memref<1024xf32, #tpu.memory_space<vmem>>
      tpu.enqueue_dma source(%dma_start3A_247 : memref<1024xf32, #tpu.memory_space<vmem>>) target(%dma_start3A_245 : memref<1024xf32, #tpu.memory_space<hbm>>) target_semaphore(%arg16 : memref<!tpu.dma_semaphore, #tpu.memory_space<semaphore_mem>>)
      %dma_start3A_248 = arith.constant 1 : i32
      %dma_start3A_249 = arith.constant 1024 : i32
      %dma_start3A_250 = tpu.memref_slice %arg10[%dma_start3A_249] : memref<8192xf32, #tpu.memory_space<vmem>> -> memref<1024xf32, #tpu.memory_space<vmem>>
      %dma_start3A_251 = arith.constant 0 : i32
      %dma_start3A_252 = tpu.memref_slice %arg4[%add3A_226, %dma_start3A_248, %add3A, %dma_start3A_251] : memref<200x8x32x1024xf32, #tpu.memory_space<hbm>> -> memref<1x1x1x1024xf32, #tpu.memory_space<hbm>>
      %dma_start3A_253 = tpu.memref_squeeze %dma_start3A_252 : memref<1x1x1x1024xf32, #tpu.memory_space<hbm>> -> memref<1024xf32, #tpu.memory_space<hbm>>
      %dma_start3A_254 = arith.constant 0 : i32
      %dma_start3A_255 = tpu.memref_slice %arg4[%add3A_226, %dma_start3A_248, %add3A, %dma_start3A_254] : memref<200x8x32x1024xf32, #tpu.memory_space<hbm>> -> memref<1x1x1x1024xf32, #tpu.memory_space<hbm>>
      %dma_start3A_256 = tpu.memref_squeeze %dma_start3A_255 : memref<1x1x1x1024xf32, #tpu.memory_space<hbm>> -> memref<1024xf32, #tpu.memory_space<hbm>>
      %dma_start3A_257 = arith.constant 1024 : i32
      %dma_start3A_258 = tpu.memref_slice %arg10[%dma_start3A_257] : memref<8192xf32, #tpu.memory_space<vmem>> -> memref<1024xf32, #tpu.memory_space<vmem>>
      tpu.enqueue_dma source(%dma_start3A_258 : memref<1024xf32, #tpu.memory_space<vmem>>) target(%dma_start3A_256 : memref<1024xf32, #tpu.memory_space<hbm>>) target_semaphore(%arg16 : memref<!tpu.dma_semaphore, #tpu.memory_space<semaphore_mem>>)
      %dma_start3A_259 = arith.constant 2 : i32
      %dma_start3A_260 = arith.constant 2048 : i32
      %dma_start3A_261 = tpu.memref_slice %arg10[%dma_start3A_260] : memref<8192xf32, #tpu.memory_space<vmem>> -> memref<1024xf32, #tpu.memory_space<vmem>>
      %dma_start3A_262 = arith.constant 0 : i32
      %dma_start3A_263 = tpu.memref_slice %arg4[%add3A_226, %dma_start3A_259, %add3A, %dma_start3A_262] : memref<200x8x32x1024xf32, #tpu.memory_space<hbm>> -> memref<1x1x1x1024xf32, #tpu.memory_space<hbm>>
      %dma_start3A_264 = tpu.memref_squeeze %dma_start3A_263 : memref<1x1x1x1024xf32, #tpu.memory_space<hbm>> -> memref<1024xf32, #tpu.memory_space<hbm>>
      %dma_start3A_265 = arith.constant 0 : i32
      %dma_start3A_266 = tpu.memref_slice %arg4[%add3A_226, %dma_start3A_259, %add3A, %dma_start3A_265] : memref<200x8x32x1024xf32, #tpu.memory_space<hbm>> -> memref<1x1x1x1024xf32, #tpu.memory_space<hbm>>
      %dma_start3A_267 = tpu.memref_squeeze %dma_start3A_266 : memref<1x1x1x1024xf32, #tpu.memory_space<hbm>> -> memref<1024xf32, #tpu.memory_space<hbm>>
      %dma_start3A_268 = arith.constant 2048 : i32
      %dma_start3A_269 = tpu.memref_slice %arg10[%dma_start3A_268] : memref<8192xf32, #tpu.memory_space<vmem>> -> memref<1024xf32, #tpu.memory_space<vmem>>
      tpu.enqueue_dma source(%dma_start3A_269 : memref<1024xf32, #tpu.memory_space<vmem>>) target(%dma_start3A_267 : memref<1024xf32, #tpu.memory_space<hbm>>) target_semaphore(%arg16 : memref<!tpu.dma_semaphore, #tpu.memory_space<semaphore_mem>>)
      %dma_start3A_270 = arith.constant 3 : i32
      %dma_start3A_271 = arith.constant 3072 : i32
      %dma_start3A_272 = tpu.memref_slice %arg10[%dma_start3A_271] : memref<8192xf32, #tpu.memory_space<vmem>> -> memref<1024xf32, #tpu.memory_space<vmem>>
      %dma_start3A_273 = arith.constant 0 : i32
      %dma_start3A_274 = tpu.memref_slice %arg4[%add3A_226, %dma_start3A_270, %add3A, %dma_start3A_273] : memref<200x8x32x1024xf32, #tpu.memory_space<hbm>> -> memref<1x1x1x1024xf32, #tpu.memory_space<hbm>>
      %dma_start3A_275 = tpu.memref_squeeze %dma_start3A_274 : memref<1x1x1x1024xf32, #tpu.memory_space<hbm>> -> memref<1024xf32, #tpu.memory_space<hbm>>
      %dma_start3A_276 = arith.constant 0 : i32
      %dma_start3A_277 = tpu.memref_slice %arg4[%add3A_226, %dma_start3A_270, %add3A, %dma_start3A_276] : memref<200x8x32x1024xf32, #tpu.memory_space<hbm>> -> memref<1x1x1x1024xf32, #tpu.memory_space<hbm>>
      %dma_start3A_278 = tpu.memref_squeeze %dma_start3A_277 : memref<1x1x1x1024xf32, #tpu.memory_space<hbm>> -> memref<1024xf32, #tpu.memory_space<hbm>>
      %dma_start3A_279 = arith.constant 3072 : i32
      %dma_start3A_280 = tpu.memref_slice %arg10[%dma_start3A_279] : memref<8192xf32, #tpu.memory_space<vmem>> -> memref<1024xf32, #tpu.memory_space<vmem>>
      tpu.enqueue_dma source(%dma_start3A_280 : memref<1024xf32, #tpu.memory_space<vmem>>) target(%dma_start3A_278 : memref<1024xf32, #tpu.memory_space<hbm>>) target_semaphore(%arg16 : memref<!tpu.dma_semaphore, #tpu.memory_space<semaphore_mem>>)
      %dma_start3A_281 = arith.constant 4 : i32
      %dma_start3A_282 = arith.constant 4096 : i32
      %dma_start3A_283 = tpu.memref_slice %arg10[%dma_start3A_282] : memref<8192xf32, #tpu.memory_space<vmem>> -> memref<1024xf32, #tpu.memory_space<vmem>>
      %dma_start3A_284 = arith.constant 0 : i32
      %dma_start3A_285 = tpu.memref_slice %arg4[%add3A_226, %dma_start3A_281, %add3A, %dma_start3A_284] : memref<200x8x32x1024xf32, #tpu.memory_space<hbm>> -> memref<1x1x1x1024xf32, #tpu.memory_space<hbm>>
      %dma_start3A_286 = tpu.memref_squeeze %dma_start3A_285 : memref<1x1x1x1024xf32, #tpu.memory_space<hbm>> -> memref<1024xf32, #tpu.memory_space<hbm>>
      %dma_start3A_287 = arith.constant 0 : i32
      %dma_start3A_288 = tpu.memref_slice %arg4[%add3A_226, %dma_start3A_281, %add3A, %dma_start3A_287] : memref<200x8x32x1024xf32, #tpu.memory_space<hbm>> -> memref<1x1x1x1024xf32, #tpu.memory_space<hbm>>
      %dma_start3A_289 = tpu.memref_squeeze %dma_start3A_288 : memref<1x1x1x1024xf32, #tpu.memory_space<hbm>> -> memref<1024xf32, #tpu.memory_space<hbm>>
      %dma_start3A_290 = arith.constant 4096 : i32
      %dma_start3A_291 = tpu.memref_slice %arg10[%dma_start3A_290] : memref<8192xf32, #tpu.memory_space<vmem>> -> memref<1024xf32, #tpu.memory_space<vmem>>
      tpu.enqueue_dma source(%dma_start3A_291 : memref<1024xf32, #tpu.memory_space<vmem>>) target(%dma_start3A_289 : memref<1024xf32, #tpu.memory_space<hbm>>) target_semaphore(%arg16 : memref<!tpu.dma_semaphore, #tpu.memory_space<semaphore_mem>>)
      %dma_start3A_292 = arith.constant 5 : i32
      %dma_start3A_293 = arith.constant 5120 : i32
      %dma_start3A_294 = tpu.memref_slice %arg10[%dma_start3A_293] : memref<8192xf32, #tpu.memory_space<vmem>> -> memref<1024xf32, #tpu.memory_space<vmem>>
      %dma_start3A_295 = arith.constant 0 : i32
      %dma_start3A_296 = tpu.memref_slice %arg4[%add3A_226, %dma_start3A_292, %add3A, %dma_start3A_295] : memref<200x8x32x1024xf32, #tpu.memory_space<hbm>> -> memref<1x1x1x1024xf32, #tpu.memory_space<hbm>>
      %dma_start3A_297 = tpu.memref_squeeze %dma_start3A_296 : memref<1x1x1x1024xf32, #tpu.memory_space<hbm>> -> memref<1024xf32, #tpu.memory_space<hbm>>
      %dma_start3A_298 = arith.constant 0 : i32
      %dma_start3A_299 = tpu.memref_slice %arg4[%add3A_226, %dma_start3A_292, %add3A, %dma_start3A_298] : memref<200x8x32x1024xf32, #tpu.memory_space<hbm>> -> memref<1x1x1x1024xf32, #tpu.memory_space<hbm>>
      %dma_start3A_300 = tpu.memref_squeeze %dma_start3A_299 : memref<1x1x1x1024xf32, #tpu.memory_space<hbm>> -> memref<1024xf32, #tpu.memory_space<hbm>>
      %dma_start3A_301 = arith.constant 5120 : i32
      %dma_start3A_302 = tpu.memref_slice %arg10[%dma_start3A_301] : memref<8192xf32, #tpu.memory_space<vmem>> -> memref<1024xf32, #tpu.memory_space<vmem>>
      tpu.enqueue_dma source(%dma_start3A_302 : memref<1024xf32, #tpu.memory_space<vmem>>) target(%dma_start3A_300 : memref<1024xf32, #tpu.memory_space<hbm>>) target_semaphore(%arg16 : memref<!tpu.dma_semaphore, #tpu.memory_space<semaphore_mem>>)
      %dma_start3A_303 = arith.constant 6 : i32
      %dma_start3A_304 = arith.constant 6144 : i32
      %dma_start3A_305 = tpu.memref_slice %arg10[%dma_start3A_304] : memref<8192xf32, #tpu.memory_space<vmem>> -> memref<1024xf32, #tpu.memory_space<vmem>>
      %dma_start3A_306 = arith.constant 0 : i32
      %dma_start3A_307 = tpu.memref_slice %arg4[%add3A_226, %dma_start3A_303, %add3A, %dma_start3A_306] : memref<200x8x32x1024xf32, #tpu.memory_space<hbm>> -> memref<1x1x1x1024xf32, #tpu.memory_space<hbm>>
      %dma_start3A_308 = tpu.memref_squeeze %dma_start3A_307 : memref<1x1x1x1024xf32, #tpu.memory_space<hbm>> -> memref<1024xf32, #tpu.memory_space<hbm>>
      %dma_start3A_309 = arith.constant 0 : i32
      %dma_start3A_310 = tpu.memref_slice %arg4[%add3A_226, %dma_start3A_303, %add3A, %dma_start3A_309] : memref<200x8x32x1024xf32, #tpu.memory_space<hbm>> -> memref<1x1x1x1024xf32, #tpu.memory_space<hbm>>
      %dma_start3A_311 = tpu.memref_squeeze %dma_start3A_310 : memref<1x1x1x1024xf32, #tpu.memory_space<hbm>> -> memref<1024xf32, #tpu.memory_space<hbm>>
      %dma_start3A_312 = arith.constant 6144 : i32
      %dma_start3A_313 = tpu.memref_slice %arg10[%dma_start3A_312] : memref<8192xf32, #tpu.memory_space<vmem>> -> memref<1024xf32, #tpu.memory_space<vmem>>
      tpu.enqueue_dma source(%dma_start3A_313 : memref<1024xf32, #tpu.memory_space<vmem>>) target(%dma_start3A_311 : memref<1024xf32, #tpu.memory_space<hbm>>) target_semaphore(%arg16 : memref<!tpu.dma_semaphore, #tpu.memory_space<semaphore_mem>>)
      %dma_start3A_314 = arith.constant 7 : i32
      %dma_start3A_315 = arith.constant 7168 : i32
      %dma_start3A_316 = tpu.memref_slice %arg10[%dma_start3A_315] : memref<8192xf32, #tpu.memory_space<vmem>> -> memref<1024xf32, #tpu.memory_space<vmem>>
      %dma_start3A_317 = arith.constant 0 : i32
      %dma_start3A_318 = tpu.memref_slice %arg4[%add3A_226, %dma_start3A_314, %add3A, %dma_start3A_317] : memref<200x8x32x1024xf32, #tpu.memory_space<hbm>> -> memref<1x1x1x1024xf32, #tpu.memory_space<hbm>>
      %dma_start3A_319 = tpu.memref_squeeze %dma_start3A_318 : memref<1x1x1x1024xf32, #tpu.memory_space<hbm>> -> memref<1024xf32, #tpu.memory_space<hbm>>
      %dma_start3A_320 = arith.constant 0 : i32
      %dma_start3A_321 = tpu.memref_slice %arg4[%add3A_226, %dma_start3A_314, %add3A, %dma_start3A_320] : memref<200x8x32x1024xf32, #tpu.memory_space<hbm>> -> memref<1x1x1x1024xf32, #tpu.memory_space<hbm>>
      %dma_start3A_322 = tpu.memref_squeeze %dma_start3A_321 : memref<1x1x1x1024xf32, #tpu.memory_space<hbm>> -> memref<1024xf32, #tpu.memory_space<hbm>>
      %dma_start3A_323 = arith.constant 7168 : i32
      %dma_start3A_324 = tpu.memref_slice %arg10[%dma_start3A_323] : memref<8192xf32, #tpu.memory_space<vmem>> -> memref<1024xf32, #tpu.memory_space<vmem>>
      tpu.enqueue_dma source(%dma_start3A_324 : memref<1024xf32, #tpu.memory_space<vmem>>) target(%dma_start3A_322 : memref<1024xf32, #tpu.memory_space<hbm>>) target_semaphore(%arg16 : memref<!tpu.dma_semaphore, #tpu.memory_space<semaphore_mem>>)
      %add3A_325 = arith.constant 4 : i32
      %add3A_326 = arith.addi %add3A_226, %add3A_325 : i32
      %sub3A = arith.constant 1 : i32
      %sub3A_327 = arith.subi %add3A_326, %sub3A : i32
      %lt3A = arith.constant 200 : i32
      %lt3A_328 = arith.cmpi slt, %sub3A_327, %lt3A : i32
      %convert_element_type3A_329 = arith.extui %lt3A_328 : i1 to i32
      %cond3A_330 = arith.constant 0 : i32
      %cond3A_331 = arith.cmpi ne, %convert_element_type3A_329, %cond3A_330 : i32
      scf.if %cond3A_331 {
        %add3A_677 = arith.constant 4 : i32
        %add3A_678 = arith.addi %add3A_226, %add3A_677 : i32
        %sub3A_679 = arith.constant 1 : i32
        %sub3A_680 = arith.subi %add3A_678, %sub3A_679 : i32
        %dma_start3A_681 = arith.constant 0 : i32
        %dma_start3A_682 = tpu.memref_slice %arg5[%sub3A_680, %dma_start3A_681] : memref<200x128xi32, #tpu.memory_space<vmem>> -> memref<1x128xi32, #tpu.memory_space<vmem>>
        %dma_start3A_683 = tpu.memref_squeeze %dma_start3A_682 : memref<1x128xi32, #tpu.memory_space<vmem>> -> memref<128xi32, #tpu.memory_space<vmem>>
        %dma_start3A_684 = arith.constant 0 : i32
        %dma_start3A_685 = arith.constant 0 : i32
        %dma_start3A_686 = tpu.memref_slice %arg3[%dma_start3A_684, %dma_start3A_685] : memref<1000000x64xf32, #tpu.memory_space<hbm>> -> memref<1000000x64xf32, #tpu.memory_space<hbm>>
        tpu.enqueue_indirect_dma source(%dma_start3A_686 : memref<1000000x64xf32, #tpu.memory_space<hbm>>) target(%arg9 : memref<128x64xf32, #tpu.memory_space<vmem>>) offsets(%dma_start3A_683 : memref<128xi32, #tpu.memory_space<vmem>>) semaphore(%arg15 : memref<!tpu.dma_semaphore, #tpu.memory_space<semaphore_mem>>)
      } else {
      }
      %mul3A_332 = arith.constant 4 : i32
      %mul3A_333 = arith.muli %scan3A_222, %mul3A_332 : i32
      %add3A_334 = arith.constant 1 : i32
      %add3A_335 = arith.addi %mul3A_333, %add3A_334 : i32
      %dma_wait3A_336 = arith.constant 0 : i32
      %dma_wait3A_337 = arith.constant 0 : i32
      %dma_wait3A_338 = tpu.memref_slice %arg3[%dma_wait3A_336, %dma_wait3A_337] : memref<1000000x64xf32, #tpu.memory_space<hbm>> -> memref<128x64xf32, #tpu.memory_space<hbm>>
      %dma_wait3A_339 = arith.constant 0 : i32
      %dma_wait3A_340 = arith.constant 0 : i32
      %dma_wait3A_341 = tpu.memref_slice %arg3[%dma_wait3A_339, %dma_wait3A_340] : memref<1000000x64xf32, #tpu.memory_space<hbm>> -> memref<128x64xf32, #tpu.memory_space<hbm>>
      tpu.wait_dma2 semaphore(%arg13 : memref<!tpu.dma_semaphore, #tpu.memory_space<semaphore_mem>>) src(%dma_wait3A_341 : memref<128x64xf32, #tpu.memory_space<hbm>>) dst(%arg7 : memref<128x64xf32, #tpu.memory_space<vmem>>)
      %ge3A_342 = arith.constant 2 : i32
      %ge3A_343 = arith.cmpi sge, %add3A_335, %ge3A_342 : i32
      %convert_element_type3A_344 = arith.extui %ge3A_343 : i1 to i32
      %cond3A_345 = arith.constant 0 : i32
      %cond3A_346 = arith.cmpi ne, %convert_element_type3A_344, %cond3A_345 : i32
      scf.if %cond3A_346 {
        %dma_wait3A_677 = arith.constant 0 : i32
        %dma_wait3A_678 = arith.constant 0 : i32
        %dma_wait3A_679 = arith.constant 0 : i32
        %dma_wait3A_680 = tpu.memref_slice %arg11[%dma_wait3A_679] : memref<8192xf32, #tpu.memory_space<vmem>> -> memref<1024xf32, #tpu.memory_space<vmem>>
        %dma_wait3A_681 = arith.constant 0 : i32
        %dma_wait3A_682 = tpu.memref_slice %arg4[%dma_wait3A_677, %dma_wait3A_678, %add3A, %dma_wait3A_681] : memref<200x8x32x1024xf32, #tpu.memory_space<hbm>> -> memref<1x1x1x1024xf32, #tpu.memory_space<hbm>>
        %dma_wait3A_683 = tpu.memref_squeeze %dma_wait3A_682 : memref<1x1x1x1024xf32, #tpu.memory_space<hbm>> -> memref<1024xf32, #tpu.memory_space<hbm>>
        %dma_wait3A_684 = arith.constant 0 : i32
        %dma_wait3A_685 = tpu.memref_slice %arg4[%dma_wait3A_677, %dma_wait3A_678, %add3A, %dma_wait3A_684] : memref<200x8x32x1024xf32, #tpu.memory_space<hbm>> -> memref<1x1x1x1024xf32, #tpu.memory_space<hbm>>
        %dma_wait3A_686 = tpu.memref_squeeze %dma_wait3A_685 : memref<1x1x1x1024xf32, #tpu.memory_space<hbm>> -> memref<1024xf32, #tpu.memory_space<hbm>>
        %dma_wait3A_687 = arith.constant 0 : i32
        %dma_wait3A_688 = tpu.memref_slice %arg11[%dma_wait3A_687] : memref<8192xf32, #tpu.memory_space<vmem>> -> memref<1024xf32, #tpu.memory_space<vmem>>
        tpu.wait_dma2 semaphore(%arg17 : memref<!tpu.dma_semaphore, #tpu.memory_space<semaphore_mem>>) src(%dma_wait3A_688 : memref<1024xf32, #tpu.memory_space<vmem>>) dst(%dma_wait3A_686 : memref<1024xf32, #tpu.memory_space<hbm>>)
        %dma_wait3A_689 = arith.constant 0 : i32
        %dma_wait3A_690 = arith.constant 1 : i32
        %dma_wait3A_691 = arith.constant 1024 : i32
        %dma_wait3A_692 = tpu.memref_slice %arg11[%dma_wait3A_691] : memref<8192xf32, #tpu.memory_space<vmem>> -> memref<1024xf32, #tpu.memory_space<vmem>>
        %dma_wait3A_693 = arith.constant 0 : i32
        %dma_wait3A_694 = tpu.memref_slice %arg4[%dma_wait3A_689, %dma_wait3A_690, %add3A, %dma_wait3A_693] : memref<200x8x32x1024xf32, #tpu.memory_space<hbm>> -> memref<1x1x1x1024xf32, #tpu.memory_space<hbm>>
        %dma_wait3A_695 = tpu.memref_squeeze %dma_wait3A_694 : memref<1x1x1x1024xf32, #tpu.memory_space<hbm>> -> memref<1024xf32, #tpu.memory_space<hbm>>
        %dma_wait3A_696 = arith.constant 0 : i32
        %dma_wait3A_697 = tpu.memref_slice %arg4[%dma_wait3A_689, %dma_wait3A_690, %add3A, %dma_wait3A_696] : memref<200x8x32x1024xf32, #tpu.memory_space<hbm>> -> memref<1x1x1x1024xf32, #tpu.memory_space<hbm>>
        %dma_wait3A_698 = tpu.memref_squeeze %dma_wait3A_697 : memref<1x1x1x1024xf32, #tpu.memory_space<hbm>> -> memref<1024xf32, #tpu.memory_space<hbm>>
        %dma_wait3A_699 = arith.constant 1024 : i32
        %dma_wait3A_700 = tpu.memref_slice %arg11[%dma_wait3A_699] : memref<8192xf32, #tpu.memory_space<vmem>> -> memref<1024xf32, #tpu.memory_space<vmem>>
        tpu.wait_dma2 semaphore(%arg17 : memref<!tpu.dma_semaphore, #tpu.memory_space<semaphore_mem>>) src(%dma_wait3A_700 : memref<1024xf32, #tpu.memory_space<vmem>>) dst(%dma_wait3A_698 : memref<1024xf32, #tpu.memory_space<hbm>>)
        %dma_wait3A_701 = arith.constant 0 : i32
        %dma_wait3A_702 = arith.constant 2 : i32
        %dma_wait3A_703 = arith.constant 2048 : i32
        %dma_wait3A_704 = tpu.memref_slice %arg11[%dma_wait3A_703] : memref<8192xf32, #tpu.memory_space<vmem>> -> memref<1024xf32, #tpu.memory_space<vmem>>
        %dma_wait3A_705 = arith.constant 0 : i32
        %dma_wait3A_706 = tpu.memref_slice %arg4[%dma_wait3A_701, %dma_wait3A_702, %add3A, %dma_wait3A_705] : memref<200x8x32x1024xf32, #tpu.memory_space<hbm>> -> memref<1x1x1x1024xf32, #tpu.memory_space<hbm>>
        %dma_wait3A_707 = tpu.memref_squeeze %dma_wait3A_706 : memref<1x1x1x1024xf32, #tpu.memory_space<hbm>> -> memref<1024xf32, #tpu.memory_space<hbm>>
        %dma_wait3A_708 = arith.constant 0 : i32
        %dma_wait3A_709 = tpu.memref_slice %arg4[%dma_wait3A_701, %dma_wait3A_702, %add3A, %dma_wait3A_708] : memref<200x8x32x1024xf32, #tpu.memory_space<hbm>> -> memref<1x1x1x1024xf32, #tpu.memory_space<hbm>>
        %dma_wait3A_710 = tpu.memref_squeeze %dma_wait3A_709 : memref<1x1x1x1024xf32, #tpu.memory_space<hbm>> -> memref<1024xf32, #tpu.memory_space<hbm>>
        %dma_wait3A_711 = arith.constant 2048 : i32
        %dma_wait3A_712 = tpu.memref_slice %arg11[%dma_wait3A_711] : memref<8192xf32, #tpu.memory_space<vmem>> -> memref<1024xf32, #tpu.memory_space<vmem>>
        tpu.wait_dma2 semaphore(%arg17 : memref<!tpu.dma_semaphore, #tpu.memory_space<semaphore_mem>>) src(%dma_wait3A_712 : memref<1024xf32, #tpu.memory_space<vmem>>) dst(%dma_wait3A_710 : memref<1024xf32, #tpu.memory_space<hbm>>)
        %dma_wait3A_713 = arith.constant 0 : i32
        %dma_wait3A_714 = arith.constant 3 : i32
        %dma_wait3A_715 = arith.constant 3072 : i32
        %dma_wait3A_716 = tpu.memref_slice %arg11[%dma_wait3A_715] : memref<8192xf32, #tpu.memory_space<vmem>> -> memref<1024xf32, #tpu.memory_space<vmem>>
        %dma_wait3A_717 = arith.constant 0 : i32
        %dma_wait3A_718 = tpu.memref_slice %arg4[%dma_wait3A_713, %dma_wait3A_714, %add3A, %dma_wait3A_717] : memref<200x8x32x1024xf32, #tpu.memory_space<hbm>> -> memref<1x1x1x1024xf32, #tpu.memory_space<hbm>>
        %dma_wait3A_719 = tpu.memref_squeeze %dma_wait3A_718 : memref<1x1x1x1024xf32, #tpu.memory_space<hbm>> -> memref<1024xf32, #tpu.memory_space<hbm>>
        %dma_wait3A_720 = arith.constant 0 : i32
        %dma_wait3A_721 = tpu.memref_slice %arg4[%dma_wait3A_713, %dma_wait3A_714, %add3A, %dma_wait3A_720] : memref<200x8x32x1024xf32, #tpu.memory_space<hbm>> -> memref<1x1x1x1024xf32, #tpu.memory_space<hbm>>
        %dma_wait3A_722 = tpu.memref_squeeze %dma_wait3A_721 : memref<1x1x1x1024xf32, #tpu.memory_space<hbm>> -> memref<1024xf32, #tpu.memory_space<hbm>>
        %dma_wait3A_723 = arith.constant 3072 : i32
        %dma_wait3A_724 = tpu.memref_slice %arg11[%dma_wait3A_723] : memref<8192xf32, #tpu.memory_space<vmem>> -> memref<1024xf32, #tpu.memory_space<vmem>>
        tpu.wait_dma2 semaphore(%arg17 : memref<!tpu.dma_semaphore, #tpu.memory_space<semaphore_mem>>) src(%dma_wait3A_724 : memref<1024xf32, #tpu.memory_space<vmem>>) dst(%dma_wait3A_722 : memref<1024xf32, #tpu.memory_space<hbm>>)
        %dma_wait3A_725 = arith.constant 0 : i32
        %dma_wait3A_726 = arith.constant 4 : i32
        %dma_wait3A_727 = arith.constant 4096 : i32
        %dma_wait3A_728 = tpu.memref_slice %arg11[%dma_wait3A_727] : memref<8192xf32, #tpu.memory_space<vmem>> -> memref<1024xf32, #tpu.memory_space<vmem>>
        %dma_wait3A_729 = arith.constant 0 : i32
        %dma_wait3A_730 = tpu.memref_slice %arg4[%dma_wait3A_725, %dma_wait3A_726, %add3A, %dma_wait3A_729] : memref<200x8x32x1024xf32, #tpu.memory_space<hbm>> -> memref<1x1x1x1024xf32, #tpu.memory_space<hbm>>
        %dma_wait3A_731 = tpu.memref_squeeze %dma_wait3A_730 : memref<1x1x1x1024xf32, #tpu.memory_space<hbm>> -> memref<1024xf32, #tpu.memory_space<hbm>>
        %dma_wait3A_732 = arith.constant 0 : i32
        %dma_wait3A_733 = tpu.memref_slice %arg4[%dma_wait3A_725, %dma_wait3A_726, %add3A, %dma_wait3A_732] : memref<200x8x32x1024xf32, #tpu.memory_space<hbm>> -> memref<1x1x1x1024xf32, #tpu.memory_space<hbm>>
        %dma_wait3A_734 = tpu.memref_squeeze %dma_wait3A_733 : memref<1x1x1x1024xf32, #tpu.memory_space<hbm>> -> memref<1024xf32, #tpu.memory_space<hbm>>
        %dma_wait3A_735 = arith.constant 4096 : i32
        %dma_wait3A_736 = tpu.memref_slice %arg11[%dma_wait3A_735] : memref<8192xf32, #tpu.memory_space<vmem>> -> memref<1024xf32, #tpu.memory_space<vmem>>
        tpu.wait_dma2 semaphore(%arg17 : memref<!tpu.dma_semaphore, #tpu.memory_space<semaphore_mem>>) src(%dma_wait3A_736 : memref<1024xf32, #tpu.memory_space<vmem>>) dst(%dma_wait3A_734 : memref<1024xf32, #tpu.memory_space<hbm>>)
        %dma_wait3A_737 = arith.constant 0 : i32
        %dma_wait3A_738 = arith.constant 5 : i32
        %dma_wait3A_739 = arith.constant 5120 : i32
        %dma_wait3A_740 = tpu.memref_slice %arg11[%dma_wait3A_739] : memref<8192xf32, #tpu.memory_space<vmem>> -> memref<1024xf32, #tpu.memory_space<vmem>>
        %dma_wait3A_741 = arith.constant 0 : i32
        %dma_wait3A_742 = tpu.memref_slice %arg4[%dma_wait3A_737, %dma_wait3A_738, %add3A, %dma_wait3A_741] : memref<200x8x32x1024xf32, #tpu.memory_space<hbm>> -> memref<1x1x1x1024xf32, #tpu.memory_space<hbm>>
        %dma_wait3A_743 = tpu.memref_squeeze %dma_wait3A_742 : memref<1x1x1x1024xf32, #tpu.memory_space<hbm>> -> memref<1024xf32, #tpu.memory_space<hbm>>
        %dma_wait3A_744 = arith.constant 0 : i32
        %dma_wait3A_745 = tpu.memref_slice %arg4[%dma_wait3A_737, %dma_wait3A_738, %add3A, %dma_wait3A_744] : memref<200x8x32x1024xf32, #tpu.memory_space<hbm>> -> memref<1x1x1x1024xf32, #tpu.memory_space<hbm>>
        %dma_wait3A_746 = tpu.memref_squeeze %dma_wait3A_745 : memref<1x1x1x1024xf32, #tpu.memory_space<hbm>> -> memref<1024xf32, #tpu.memory_space<hbm>>
        %dma_wait3A_747 = arith.constant 5120 : i32
        %dma_wait3A_748 = tpu.memref_slice %arg11[%dma_wait3A_747] : memref<8192xf32, #tpu.memory_space<vmem>> -> memref<1024xf32, #tpu.memory_space<vmem>>
        tpu.wait_dma2 semaphore(%arg17 : memref<!tpu.dma_semaphore, #tpu.memory_space<semaphore_mem>>) src(%dma_wait3A_748 : memref<1024xf32, #tpu.memory_space<vmem>>) dst(%dma_wait3A_746 : memref<1024xf32, #tpu.memory_space<hbm>>)
        %dma_wait3A_749 = arith.constant 0 : i32
        %dma_wait3A_750 = arith.constant 6 : i32
        %dma_wait3A_751 = arith.constant 6144 : i32
        %dma_wait3A_752 = tpu.memref_slice %arg11[%dma_wait3A_751] : memref<8192xf32, #tpu.memory_space<vmem>> -> memref<1024xf32, #tpu.memory_space<vmem>>
        %dma_wait3A_753 = arith.constant 0 : i32
        %dma_wait3A_754 = tpu.memref_slice %arg4[%dma_wait3A_749, %dma_wait3A_750, %add3A, %dma_wait3A_753] : memref<200x8x32x1024xf32, #tpu.memory_space<hbm>> -> memref<1x1x1x1024xf32, #tpu.memory_space<hbm>>
        %dma_wait3A_755 = tpu.memref_squeeze %dma_wait3A_754 : memref<1x1x1x1024xf32, #tpu.memory_space<hbm>> -> memref<1024xf32, #tpu.memory_space<hbm>>
        %dma_wait3A_756 = arith.constant 0 : i32
        %dma_wait3A_757 = tpu.memref_slice %arg4[%dma_wait3A_749, %dma_wait3A_750, %add3A, %dma_wait3A_756] : memref<200x8x32x1024xf32, #tpu.memory_space<hbm>> -> memref<1x1x1x1024xf32, #tpu.memory_space<hbm>>
        %dma_wait3A_758 = tpu.memref_squeeze %dma_wait3A_757 : memref<1x1x1x1024xf32, #tpu.memory_space<hbm>> -> memref<1024xf32, #tpu.memory_space<hbm>>
        %dma_wait3A_759 = arith.constant 6144 : i32
        %dma_wait3A_760 = tpu.memref_slice %arg11[%dma_wait3A_759] : memref<8192xf32, #tpu.memory_space<vmem>> -> memref<1024xf32, #tpu.memory_space<vmem>>
        tpu.wait_dma2 semaphore(%arg17 : memref<!tpu.dma_semaphore, #tpu.memory_space<semaphore_mem>>) src(%dma_wait3A_760 : memref<1024xf32, #tpu.memory_space<vmem>>) dst(%dma_wait3A_758 : memref<1024xf32, #tpu.memory_space<hbm>>)
        %dma_wait3A_761 = arith.constant 0 : i32
        %dma_wait3A_762 = arith.constant 7 : i32
        %dma_wait3A_763 = arith.constant 7168 : i32
        %dma_wait3A_764 = tpu.memref_slice %arg11[%dma_wait3A_763] : memref<8192xf32, #tpu.memory_space<vmem>> -> memref<1024xf32, #tpu.memory_space<vmem>>
        %dma_wait3A_765 = arith.constant 0 : i32
        %dma_wait3A_766 = tpu.memref_slice %arg4[%dma_wait3A_761, %dma_wait3A_762, %add3A, %dma_wait3A_765] : memref<200x8x32x1024xf32, #tpu.memory_space<hbm>> -> memref<1x1x1x1024xf32, #tpu.memory_space<hbm>>
        %dma_wait3A_767 = tpu.memref_squeeze %dma_wait3A_766 : memref<1x1x1x1024xf32, #tpu.memory_space<hbm>> -> memref<1024xf32, #tpu.memory_space<hbm>>
        %dma_wait3A_768 = arith.constant 0 : i32
        %dma_wait3A_769 = tpu.memref_slice %arg4[%dma_wait3A_761, %dma_wait3A_762, %add3A, %dma_wait3A_768] : memref<200x8x32x1024xf32, #tpu.memory_space<hbm>> -> memref<1x1x1x1024xf32, #tpu.memory_space<hbm>>
        %dma_wait3A_770 = tpu.memref_squeeze %dma_wait3A_769 : memref<1x1x1x1024xf32, #tpu.memory_space<hbm>> -> memref<1024xf32, #tpu.memory_space<hbm>>
        %dma_wait3A_771 = arith.constant 7168 : i32
        %dma_wait3A_772 = tpu.memref_slice %arg11[%dma_wait3A_771] : memref<8192xf32, #tpu.memory_space<vmem>> -> memref<1024xf32, #tpu.memory_space<vmem>>
        tpu.wait_dma2 semaphore(%arg17 : memref<!tpu.dma_semaphore, #tpu.memory_space<semaphore_mem>>) src(%dma_wait3A_772 : memref<1024xf32, #tpu.memory_space<vmem>>) dst(%dma_wait3A_770 : memref<1024xf32, #tpu.memory_space<hbm>>)
      } else {
      }
      %parallel_loop3A_347 = arith.constant 0 : i32
      %parallel_loop3A_348 = arith.constant 128 : i32
      %parallel_loop3A_349 = arith.constant 1 : i32
      scf.for %parallel_loop3A_677 = %parallel_loop3A_347 to %parallel_loop3A_348 step %parallel_loop3A_349  : i32 {
        %parallel_loop3A_678 = arith.index_cast %parallel_loop3A_677 : i32 to index
        %parallel_loop3A_679 = arith.constant 0 : index
        %parallel_loop3A_680 = tpu.vector_load %arg7[%parallel_loop3A_678, %parallel_loop3A_679] {strides = array<i32>} : memref<128x64xf32, #tpu.memory_space<vmem>>, vector<16xf32>,
        %parallel_loop3A_681 = arith.constant 0 : i32
        %parallel_loop3A_682 = vector.broadcast %parallel_loop3A_681 : i32 to vector<16xi32>
        %parallel_loop3A_683 = arith.addi %parallel_loop3A_682, %iota3A : vector<16xi32>
        %parallel_loop3A_684 = arith.constant 128 : i32
        %parallel_loop3A_685 = vector.broadcast %parallel_loop3A_684 : i32 to vector<16xi32>
        %parallel_loop3A_686 = arith.muli %parallel_loop3A_683, %parallel_loop3A_685 : vector<16xi32>
        %parallel_loop3A_687 = vector.broadcast %parallel_loop3A_677 : i32 to vector<16xi32>
        %parallel_loop3A_688 = arith.addi %parallel_loop3A_686, %parallel_loop3A_687 : vector<16xi32>
        %parallel_loop3A_689 = arith.constant 8.000000e+00 : f32
        %parallel_loop3A_690 = vector.broadcast %parallel_loop3A_689 : f32 to vector<16xf32>
        %parallel_loop3A_691 = arith.mulf %parallel_loop3A_680, %parallel_loop3A_690 : vector<16xf32>
        tpu.vector_store_idx %arg11[%parallel_loop3A_688], %parallel_loop3A_691 : memref<8192xf32, #tpu.memory_space<vmem>>[vector<16xi32>], vector<16xf32>,
        %parallel_loop3A_692 = arith.index_cast %parallel_loop3A_677 : i32 to index
        %parallel_loop3A_693 = arith.constant 16 : index
        %parallel_loop3A_694 = tpu.vector_load %arg7[%parallel_loop3A_692, %parallel_loop3A_693] {strides = array<i32>} : memref<128x64xf32, #tpu.memory_space<vmem>>, vector<16xf32>,
        %parallel_loop3A_695 = arith.constant 16 : i32
        %parallel_loop3A_696 = vector.broadcast %parallel_loop3A_695 : i32 to vector<16xi32>
        %parallel_loop3A_697 = arith.addi %parallel_loop3A_696, %iota3A : vector<16xi32>
        %parallel_loop3A_698 = arith.constant 128 : i32
        %parallel_loop3A_699 = vector.broadcast %parallel_loop3A_698 : i32 to vector<16xi32>
        %parallel_loop3A_700 = arith.muli %parallel_loop3A_697, %parallel_loop3A_699 : vector<16xi32>
        %parallel_loop3A_701 = vector.broadcast %parallel_loop3A_677 : i32 to vector<16xi32>
        %parallel_loop3A_702 = arith.addi %parallel_loop3A_700, %parallel_loop3A_701 : vector<16xi32>
        %parallel_loop3A_703 = arith.constant 8.000000e+00 : f32
        %parallel_loop3A_704 = vector.broadcast %parallel_loop3A_703 : f32 to vector<16xf32>
        %parallel_loop3A_705 = arith.mulf %parallel_loop3A_694, %parallel_loop3A_704 : vector<16xf32>
        tpu.vector_store_idx %arg11[%parallel_loop3A_702], %parallel_loop3A_705 : memref<8192xf32, #tpu.memory_space<vmem>>[vector<16xi32>], vector<16xf32>,
        %parallel_loop3A_706 = arith.index_cast %parallel_loop3A_677 : i32 to index
        %parallel_loop3A_707 = arith.constant 32 : index
        %parallel_loop3A_708 = tpu.vector_load %arg7[%parallel_loop3A_706, %parallel_loop3A_707] {strides = array<i32>} : memref<128x64xf32, #tpu.memory_space<vmem>>, vector<16xf32>,
        %parallel_loop3A_709 = arith.constant 32 : i32
        %parallel_loop3A_710 = vector.broadcast %parallel_loop3A_709 : i32 to vector<16xi32>
        %parallel_loop3A_711 = arith.addi %parallel_loop3A_710, %iota3A : vector<16xi32>
        %parallel_loop3A_712 = arith.constant 128 : i32
        %parallel_loop3A_713 = vector.broadcast %parallel_loop3A_712 : i32 to vector<16xi32>
        %parallel_loop3A_714 = arith.muli %parallel_loop3A_711, %parallel_loop3A_713 : vector<16xi32>
        %parallel_loop3A_715 = vector.broadcast %parallel_loop3A_677 : i32 to vector<16xi32>
        %parallel_loop3A_716 = arith.addi %parallel_loop3A_714, %parallel_loop3A_715 : vector<16xi32>
        %parallel_loop3A_717 = arith.constant 8.000000e+00 : f32
        %parallel_loop3A_718 = vector.broadcast %parallel_loop3A_717 : f32 to vector<16xf32>
        %parallel_loop3A_719 = arith.mulf %parallel_loop3A_708, %parallel_loop3A_718 : vector<16xf32>
        tpu.vector_store_idx %arg11[%parallel_loop3A_716], %parallel_loop3A_719 : memref<8192xf32, #tpu.memory_space<vmem>>[vector<16xi32>], vector<16xf32>,
        %parallel_loop3A_720 = arith.index_cast %parallel_loop3A_677 : i32 to index
        %parallel_loop3A_721 = arith.constant 48 : index
        %parallel_loop3A_722 = tpu.vector_load %arg7[%parallel_loop3A_720, %parallel_loop3A_721] {strides = array<i32>} : memref<128x64xf32, #tpu.memory_space<vmem>>, vector<16xf32>,
        %parallel_loop3A_723 = arith.constant 48 : i32
        %parallel_loop3A_724 = vector.broadcast %parallel_loop3A_723 : i32 to vector<16xi32>
        %parallel_loop3A_725 = arith.addi %parallel_loop3A_724, %iota3A : vector<16xi32>
        %parallel_loop3A_726 = arith.constant 128 : i32
        %parallel_loop3A_727 = vector.broadcast %parallel_loop3A_726 : i32 to vector<16xi32>
        %parallel_loop3A_728 = arith.muli %parallel_loop3A_725, %parallel_loop3A_727 : vector<16xi32>
        %parallel_loop3A_729 = vector.broadcast %parallel_loop3A_677 : i32 to vector<16xi32>
        %parallel_loop3A_730 = arith.addi %parallel_loop3A_728, %parallel_loop3A_729 : vector<16xi32>
        %parallel_loop3A_731 = arith.constant 8.000000e+00 : f32
        %parallel_loop3A_732 = vector.broadcast %parallel_loop3A_731 : f32 to vector<16xf32>
        %parallel_loop3A_733 = arith.mulf %parallel_loop3A_722, %parallel_loop3A_732 : vector<16xf32>
        tpu.vector_store_idx %arg11[%parallel_loop3A_730], %parallel_loop3A_733 : memref<8192xf32, #tpu.memory_space<vmem>>[vector<16xi32>], vector<16xf32>,
      } {sc.loop_unroll_factor = 4 : i64, sc.parallel_access}
      %dma_start3A_350 = arith.constant 0 : i32
      %dma_start3A_351 = arith.constant 0 : i32
      %dma_start3A_352 = tpu.memref_slice %arg11[%dma_start3A_351] : memref<8192xf32, #tpu.memory_space<vmem>> -> memref<1024xf32, #tpu.memory_space<vmem>>
      %dma_start3A_353 = arith.constant 0 : i32
      %dma_start3A_354 = tpu.memref_slice %arg4[%add3A_335, %dma_start3A_350, %add3A, %dma_start3A_353] : memref<200x8x32x1024xf32, #tpu.memory_space<hbm>> -> memref<1x1x1x1024xf32, #tpu.memory_space<hbm>>
      %dma_start3A_355 = tpu.memref_squeeze %dma_start3A_354 : memref<1x1x1x1024xf32, #tpu.memory_space<hbm>> -> memref<1024xf32, #tpu.memory_space<hbm>>
      %dma_start3A_356 = arith.constant 0 : i32
      %dma_start3A_357 = tpu.memref_slice %arg4[%add3A_335, %dma_start3A_350, %add3A, %dma_start3A_356] : memref<200x8x32x1024xf32, #tpu.memory_space<hbm>> -> memref<1x1x1x1024xf32, #tpu.memory_space<hbm>>
      %dma_start3A_358 = tpu.memref_squeeze %dma_start3A_357 : memref<1x1x1x1024xf32, #tpu.memory_space<hbm>> -> memref<1024xf32, #tpu.memory_space<hbm>>
      %dma_start3A_359 = arith.constant 0 : i32
      %dma_start3A_360 = tpu.memref_slice %arg11[%dma_start3A_359] : memref<8192xf32, #tpu.memory_space<vmem>> -> memref<1024xf32, #tpu.memory_space<vmem>>
      tpu.enqueue_dma source(%dma_start3A_360 : memref<1024xf32, #tpu.memory_space<vmem>>) target(%dma_start3A_358 : memref<1024xf32, #tpu.memory_space<hbm>>) target_semaphore(%arg17 : memref<!tpu.dma_semaphore, #tpu.memory_space<semaphore_mem>>)
      %dma_start3A_361 = arith.constant 1 : i32
      %dma_start3A_362 = arith.constant 1024 : i32
      %dma_start3A_363 = tpu.memref_slice %arg11[%dma_start3A_362] : memref<8192xf32, #tpu.memory_space<vmem>> -> memref<1024xf32, #tpu.memory_space<vmem>>
      %dma_start3A_364 = arith.constant 0 : i32
      %dma_start3A_365 = tpu.memref_slice %arg4[%add3A_335, %dma_start3A_361, %add3A, %dma_start3A_364] : memref<200x8x32x1024xf32, #tpu.memory_space<hbm>> -> memref<1x1x1x1024xf32, #tpu.memory_space<hbm>>
      %dma_start3A_366 = tpu.memref_squeeze %dma_start3A_365 : memref<1x1x1x1024xf32, #tpu.memory_space<hbm>> -> memref<1024xf32, #tpu.memory_space<hbm>>
      %dma_start3A_367 = arith.constant 0 : i32
      %dma_start3A_368 = tpu.memref_slice %arg4[%add3A_335, %dma_start3A_361, %add3A, %dma_start3A_367] : memref<200x8x32x1024xf32, #tpu.memory_space<hbm>> -> memref<1x1x1x1024xf32, #tpu.memory_space<hbm>>
      %dma_start3A_369 = tpu.memref_squeeze %dma_start3A_368 : memref<1x1x1x1024xf32, #tpu.memory_space<hbm>> -> memref<1024xf32, #tpu.memory_space<hbm>>
      %dma_start3A_370 = arith.constant 1024 : i32
      %dma_start3A_371 = tpu.memref_slice %arg11[%dma_start3A_370] : memref<8192xf32, #tpu.memory_space<vmem>> -> memref<1024xf32, #tpu.memory_space<vmem>>
      tpu.enqueue_dma source(%dma_start3A_371 : memref<1024xf32, #tpu.memory_space<vmem>>) target(%dma_start3A_369 : memref<1024xf32, #tpu.memory_space<hbm>>) target_semaphore(%arg17 : memref<!tpu.dma_semaphore, #tpu.memory_space<semaphore_mem>>)
      %dma_start3A_372 = arith.constant 2 : i32
      %dma_start3A_373 = arith.constant 2048 : i32
      %dma_start3A_374 = tpu.memref_slice %arg11[%dma_start3A_373] : memref<8192xf32, #tpu.memory_space<vmem>> -> memref<1024xf32, #tpu.memory_space<vmem>>
      %dma_start3A_375 = arith.constant 0 : i32
      %dma_start3A_376 = tpu.memref_slice %arg4[%add3A_335, %dma_start3A_372, %add3A, %dma_start3A_375] : memref<200x8x32x1024xf32, #tpu.memory_space<hbm>> -> memref<1x1x1x1024xf32, #tpu.memory_space<hbm>>
      %dma_start3A_377 = tpu.memref_squeeze %dma_start3A_376 : memref<1x1x1x1024xf32, #tpu.memory_space<hbm>> -> memref<1024xf32, #tpu.memory_space<hbm>>
      %dma_start3A_378 = arith.constant 0 : i32
      %dma_start3A_379 = tpu.memref_slice %arg4[%add3A_335, %dma_start3A_372, %add3A, %dma_start3A_378] : memref<200x8x32x1024xf32, #tpu.memory_space<hbm>> -> memref<1x1x1x1024xf32, #tpu.memory_space<hbm>>
      %dma_start3A_380 = tpu.memref_squeeze %dma_start3A_379 : memref<1x1x1x1024xf32, #tpu.memory_space<hbm>> -> memref<1024xf32, #tpu.memory_space<hbm>>
      %dma_start3A_381 = arith.constant 2048 : i32
      %dma_start3A_382 = tpu.memref_slice %arg11[%dma_start3A_381] : memref<8192xf32, #tpu.memory_space<vmem>> -> memref<1024xf32, #tpu.memory_space<vmem>>
      tpu.enqueue_dma source(%dma_start3A_382 : memref<1024xf32, #tpu.memory_space<vmem>>) target(%dma_start3A_380 : memref<1024xf32, #tpu.memory_space<hbm>>) target_semaphore(%arg17 : memref<!tpu.dma_semaphore, #tpu.memory_space<semaphore_mem>>)
      %dma_start3A_383 = arith.constant 3 : i32
      %dma_start3A_384 = arith.constant 3072 : i32
      %dma_start3A_385 = tpu.memref_slice %arg11[%dma_start3A_384] : memref<8192xf32, #tpu.memory_space<vmem>> -> memref<1024xf32, #tpu.memory_space<vmem>>
      %dma_start3A_386 = arith.constant 0 : i32
      %dma_start3A_387 = tpu.memref_slice %arg4[%add3A_335, %dma_start3A_383, %add3A, %dma_start3A_386] : memref<200x8x32x1024xf32, #tpu.memory_space<hbm>> -> memref<1x1x1x1024xf32, #tpu.memory_space<hbm>>
      %dma_start3A_388 = tpu.memref_squeeze %dma_start3A_387 : memref<1x1x1x1024xf32, #tpu.memory_space<hbm>> -> memref<1024xf32, #tpu.memory_space<hbm>>
      %dma_start3A_389 = arith.constant 0 : i32
      %dma_start3A_390 = tpu.memref_slice %arg4[%add3A_335, %dma_start3A_383, %add3A, %dma_start3A_389] : memref<200x8x32x1024xf32, #tpu.memory_space<hbm>> -> memref<1x1x1x1024xf32, #tpu.memory_space<hbm>>
      %dma_start3A_391 = tpu.memref_squeeze %dma_start3A_390 : memref<1x1x1x1024xf32, #tpu.memory_space<hbm>> -> memref<1024xf32, #tpu.memory_space<hbm>>
      %dma_start3A_392 = arith.constant 3072 : i32
      %dma_start3A_393 = tpu.memref_slice %arg11[%dma_start3A_392] : memref<8192xf32, #tpu.memory_space<vmem>> -> memref<1024xf32, #tpu.memory_space<vmem>>
      tpu.enqueue_dma source(%dma_start3A_393 : memref<1024xf32, #tpu.memory_space<vmem>>) target(%dma_start3A_391 : memref<1024xf32, #tpu.memory_space<hbm>>) target_semaphore(%arg17 : memref<!tpu.dma_semaphore, #tpu.memory_space<semaphore_mem>>)
      %dma_start3A_394 = arith.constant 4 : i32
      %dma_start3A_395 = arith.constant 4096 : i32
      %dma_start3A_396 = tpu.memref_slice %arg11[%dma_start3A_395] : memref<8192xf32, #tpu.memory_space<vmem>> -> memref<1024xf32, #tpu.memory_space<vmem>>
      %dma_start3A_397 = arith.constant 0 : i32
      %dma_start3A_398 = tpu.memref_slice %arg4[%add3A_335, %dma_start3A_394, %add3A, %dma_start3A_397] : memref<200x8x32x1024xf32, #tpu.memory_space<hbm>> -> memref<1x1x1x1024xf32, #tpu.memory_space<hbm>>
      %dma_start3A_399 = tpu.memref_squeeze %dma_start3A_398 : memref<1x1x1x1024xf32, #tpu.memory_space<hbm>> -> memref<1024xf32, #tpu.memory_space<hbm>>
      %dma_start3A_400 = arith.constant 0 : i32
      %dma_start3A_401 = tpu.memref_slice %arg4[%add3A_335, %dma_start3A_394, %add3A, %dma_start3A_400] : memref<200x8x32x1024xf32, #tpu.memory_space<hbm>> -> memref<1x1x1x1024xf32, #tpu.memory_space<hbm>>
      %dma_start3A_402 = tpu.memref_squeeze %dma_start3A_401 : memref<1x1x1x1024xf32, #tpu.memory_space<hbm>> -> memref<1024xf32, #tpu.memory_space<hbm>>
      %dma_start3A_403 = arith.constant 4096 : i32
      %dma_start3A_404 = tpu.memref_slice %arg11[%dma_start3A_403] : memref<8192xf32, #tpu.memory_space<vmem>> -> memref<1024xf32, #tpu.memory_space<vmem>>
      tpu.enqueue_dma source(%dma_start3A_404 : memref<1024xf32, #tpu.memory_space<vmem>>) target(%dma_start3A_402 : memref<1024xf32, #tpu.memory_space<hbm>>) target_semaphore(%arg17 : memref<!tpu.dma_semaphore, #tpu.memory_space<semaphore_mem>>)
      %dma_start3A_405 = arith.constant 5 : i32
      %dma_start3A_406 = arith.constant 5120 : i32
      %dma_start3A_407 = tpu.memref_slice %arg11[%dma_start3A_406] : memref<8192xf32, #tpu.memory_space<vmem>> -> memref<1024xf32, #tpu.memory_space<vmem>>
      %dma_start3A_408 = arith.constant 0 : i32
      %dma_start3A_409 = tpu.memref_slice %arg4[%add3A_335, %dma_start3A_405, %add3A, %dma_start3A_408] : memref<200x8x32x1024xf32, #tpu.memory_space<hbm>> -> memref<1x1x1x1024xf32, #tpu.memory_space<hbm>>
      %dma_start3A_410 = tpu.memref_squeeze %dma_start3A_409 : memref<1x1x1x1024xf32, #tpu.memory_space<hbm>> -> memref<1024xf32, #tpu.memory_space<hbm>>
      %dma_start3A_411 = arith.constant 0 : i32
      %dma_start3A_412 = tpu.memref_slice %arg4[%add3A_335, %dma_start3A_405, %add3A, %dma_start3A_411] : memref<200x8x32x1024xf32, #tpu.memory_space<hbm>> -> memref<1x1x1x1024xf32, #tpu.memory_space<hbm>>
      %dma_start3A_413 = tpu.memref_squeeze %dma_start3A_412 : memref<1x1x1x1024xf32, #tpu.memory_space<hbm>> -> memref<1024xf32, #tpu.memory_space<hbm>>
      %dma_start3A_414 = arith.constant 5120 : i32
      %dma_start3A_415 = tpu.memref_slice %arg11[%dma_start3A_414] : memref<8192xf32, #tpu.memory_space<vmem>> -> memref<1024xf32, #tpu.memory_space<vmem>>
      tpu.enqueue_dma source(%dma_start3A_415 : memref<1024xf32, #tpu.memory_space<vmem>>) target(%dma_start3A_413 : memref<1024xf32, #tpu.memory_space<hbm>>) target_semaphore(%arg17 : memref<!tpu.dma_semaphore, #tpu.memory_space<semaphore_mem>>)
      %dma_start3A_416 = arith.constant 6 : i32
      %dma_start3A_417 = arith.constant 6144 : i32
      %dma_start3A_418 = tpu.memref_slice %arg11[%dma_start3A_417] : memref<8192xf32, #tpu.memory_space<vmem>> -> memref<1024xf32, #tpu.memory_space<vmem>>
      %dma_start3A_419 = arith.constant 0 : i32
      %dma_start3A_420 = tpu.memref_slice %arg4[%add3A_335, %dma_start3A_416, %add3A, %dma_start3A_419] : memref<200x8x32x1024xf32, #tpu.memory_space<hbm>> -> memref<1x1x1x1024xf32, #tpu.memory_space<hbm>>
      %dma_start3A_421 = tpu.memref_squeeze %dma_start3A_420 : memref<1x1x1x1024xf32, #tpu.memory_space<hbm>> -> memref<1024xf32, #tpu.memory_space<hbm>>
      %dma_start3A_422 = arith.constant 0 : i32
      %dma_start3A_423 = tpu.memref_slice %arg4[%add3A_335, %dma_start3A_416, %add3A, %dma_start3A_422] : memref<200x8x32x1024xf32, #tpu.memory_space<hbm>> -> memref<1x1x1x1024xf32, #tpu.memory_space<hbm>>
      %dma_start3A_424 = tpu.memref_squeeze %dma_start3A_423 : memref<1x1x1x1024xf32, #tpu.memory_space<hbm>> -> memref<1024xf32, #tpu.memory_space<hbm>>
      %dma_start3A_425 = arith.constant 6144 : i32
      %dma_start3A_426 = tpu.memref_slice %arg11[%dma_start3A_425] : memref<8192xf32, #tpu.memory_space<vmem>> -> memref<1024xf32, #tpu.memory_space<vmem>>
      tpu.enqueue_dma source(%dma_start3A_426 : memref<1024xf32, #tpu.memory_space<vmem>>) target(%dma_start3A_424 : memref<1024xf32, #tpu.memory_space<hbm>>) target_semaphore(%arg17 : memref<!tpu.dma_semaphore, #tpu.memory_space<semaphore_mem>>)
      %dma_start3A_427 = arith.constant 7 : i32
      %dma_start3A_428 = arith.constant 7168 : i32
      %dma_start3A_429 = tpu.memref_slice %arg11[%dma_start3A_428] : memref<8192xf32, #tpu.memory_space<vmem>> -> memref<1024xf32, #tpu.memory_space<vmem>>
      %dma_start3A_430 = arith.constant 0 : i32
      %dma_start3A_431 = tpu.memref_slice %arg4[%add3A_335, %dma_start3A_427, %add3A, %dma_start3A_430] : memref<200x8x32x1024xf32, #tpu.memory_space<hbm>> -> memref<1x1x1x1024xf32, #tpu.memory_space<hbm>>
      %dma_start3A_432 = tpu.memref_squeeze %dma_start3A_431 : memref<1x1x1x1024xf32, #tpu.memory_space<hbm>> -> memref<1024xf32, #tpu.memory_space<hbm>>
      %dma_start3A_433 = arith.constant 0 : i32
      %dma_start3A_434 = tpu.memref_slice %arg4[%add3A_335, %dma_start3A_427, %add3A, %dma_start3A_433] : memref<200x8x32x1024xf32, #tpu.memory_space<hbm>> -> memref<1x1x1x1024xf32, #tpu.memory_space<hbm>>
      %dma_start3A_435 = tpu.memref_squeeze %dma_start3A_434 : memref<1x1x1x1024xf32, #tpu.memory_space<hbm>> -> memref<1024xf32, #tpu.memory_space<hbm>>
      %dma_start3A_436 = arith.constant 7168 : i32
      %dma_start3A_437 = tpu.memref_slice %arg11[%dma_start3A_436] : memref<8192xf32, #tpu.memory_space<vmem>> -> memref<1024xf32, #tpu.memory_space<vmem>>
      tpu.enqueue_dma source(%dma_start3A_437 : memref<1024xf32, #tpu.memory_space<vmem>>) target(%dma_start3A_435 : memref<1024xf32, #tpu.memory_space<hbm>>) target_semaphore(%arg17 : memref<!tpu.dma_semaphore, #tpu.memory_space<semaphore_mem>>)
      %add3A_438 = arith.constant 4 : i32
      %add3A_439 = arith.addi %add3A_335, %add3A_438 : i32
      %sub3A_440 = arith.constant 1 : i32
      %sub3A_441 = arith.subi %add3A_439, %sub3A_440 : i32
      %lt3A_442 = arith.constant 200 : i32
      %lt3A_443 = arith.cmpi slt, %sub3A_441, %lt3A_442 : i32
      %convert_element_type3A_444 = arith.extui %lt3A_443 : i1 to i32
      %cond3A_445 = arith.constant 0 : i32
      %cond3A_446 = arith.cmpi ne, %convert_element_type3A_444, %cond3A_445 : i32
      scf.if %cond3A_446 {
        %add3A_677 = arith.constant 4 : i32
        %add3A_678 = arith.addi %add3A_335, %add3A_677 : i32
        %sub3A_679 = arith.constant 1 : i32
        %sub3A_680 = arith.subi %add3A_678, %sub3A_679 : i32
        %dma_start3A_681 = arith.constant 0 : i32
        %dma_start3A_682 = tpu.memref_slice %arg5[%sub3A_680, %dma_start3A_681] : memref<200x128xi32, #tpu.memory_space<vmem>> -> memref<1x128xi32, #tpu.memory_space<vmem>>
        %dma_start3A_683 = tpu.memref_squeeze %dma_start3A_682 : memref<1x128xi32, #tpu.memory_space<vmem>> -> memref<128xi32, #tpu.memory_space<vmem>>
        %dma_start3A_684 = arith.constant 0 : i32
        %dma_start3A_685 = arith.constant 0 : i32
        %dma_start3A_686 = tpu.memref_slice %arg3[%dma_start3A_684, %dma_start3A_685] : memref<1000000x64xf32, #tpu.memory_space<hbm>> -> memref<1000000x64xf32, #tpu.memory_space<hbm>>
        tpu.enqueue_indirect_dma source(%dma_start3A_686 : memref<1000000x64xf32, #tpu.memory_space<hbm>>) target(%arg6 : memref<128x64xf32, #tpu.memory_space<vmem>>) offsets(%dma_start3A_683 : memref<128xi32, #tpu.memory_space<vmem>>) semaphore(%arg12 : memref<!tpu.dma_semaphore, #tpu.memory_space<semaphore_mem>>)
      } else {
      }
      %mul3A_447 = arith.constant 4 : i32
      %mul3A_448 = arith.muli %scan3A_222, %mul3A_447 : i32
      %add3A_449 = arith.constant 2 : i32
      %add3A_450 = arith.addi %mul3A_448, %add3A_449 : i32
      %dma_wait3A_451 = arith.constant 0 : i32
      %dma_wait3A_452 = arith.constant 0 : i32
      %dma_wait3A_453 = tpu.memref_slice %arg3[%dma_wait3A_451, %dma_wait3A_452] : memref<1000000x64xf32, #tpu.memory_space<hbm>> -> memref<128x64xf32, #tpu.memory_space<hbm>>
      %dma_wait3A_454 = arith.constant 0 : i32
      %dma_wait3A_455 = arith.constant 0 : i32
      %dma_wait3A_456 = tpu.memref_slice %arg3[%dma_wait3A_454, %dma_wait3A_455] : memref<1000000x64xf32, #tpu.memory_space<hbm>> -> memref<128x64xf32, #tpu.memory_space<hbm>>
      tpu.wait_dma2 semaphore(%arg14 : memref<!tpu.dma_semaphore, #tpu.memory_space<semaphore_mem>>) src(%dma_wait3A_456 : memref<128x64xf32, #tpu.memory_space<hbm>>) dst(%arg8 : memref<128x64xf32, #tpu.memory_space<vmem>>)
      %ge3A_457 = arith.constant 2 : i32
      %ge3A_458 = arith.cmpi sge, %add3A_450, %ge3A_457 : i32
      %convert_element_type3A_459 = arith.extui %ge3A_458 : i1 to i32
      %cond3A_460 = arith.constant 0 : i32
      %cond3A_461 = arith.cmpi ne, %convert_element_type3A_459, %cond3A_460 : i32
      scf.if %cond3A_461 {
        %dma_wait3A_677 = arith.constant 0 : i32
        %dma_wait3A_678 = arith.constant 0 : i32
        %dma_wait3A_679 = arith.constant 0 : i32
        %dma_wait3A_680 = tpu.memref_slice %arg10[%dma_wait3A_679] : memref<8192xf32, #tpu.memory_space<vmem>> -> memref<1024xf32, #tpu.memory_space<vmem>>
        %dma_wait3A_681 = arith.constant 0 : i32
        %dma_wait3A_682 = tpu.memref_slice %arg4[%dma_wait3A_677, %dma_wait3A_678, %add3A, %dma_wait3A_681] : memref<200x8x32x1024xf32, #tpu.memory_space<hbm>> -> memref<1x1x1x1024xf32, #tpu.memory_space<hbm>>
        %dma_wait3A_683 = tpu.memref_squeeze %dma_wait3A_682 : memref<1x1x1x1024xf32, #tpu.memory_space<hbm>> -> memref<1024xf32, #tpu.memory_space<hbm>>
        %dma_wait3A_684 = arith.constant 0 : i32
        %dma_wait3A_685 = tpu.memref_slice %arg4[%dma_wait3A_677, %dma_wait3A_678, %add3A, %dma_wait3A_684] : memref<200x8x32x1024xf32, #tpu.memory_space<hbm>> -> memref<1x1x1x1024xf32, #tpu.memory_space<hbm>>
        %dma_wait3A_686 = tpu.memref_squeeze %dma_wait3A_685 : memref<1x1x1x1024xf32, #tpu.memory_space<hbm>> -> memref<1024xf32, #tpu.memory_space<hbm>>
        %dma_wait3A_687 = arith.constant 0 : i32
        %dma_wait3A_688 = tpu.memref_slice %arg10[%dma_wait3A_687] : memref<8192xf32, #tpu.memory_space<vmem>> -> memref<1024xf32, #tpu.memory_space<vmem>>
        tpu.wait_dma2 semaphore(%arg16 : memref<!tpu.dma_semaphore, #tpu.memory_space<semaphore_mem>>) src(%dma_wait3A_688 : memref<1024xf32, #tpu.memory_space<vmem>>) dst(%dma_wait3A_686 : memref<1024xf32, #tpu.memory_space<hbm>>)
        %dma_wait3A_689 = arith.constant 0 : i32
        %dma_wait3A_690 = arith.constant 1 : i32
        %dma_wait3A_691 = arith.constant 1024 : i32
        %dma_wait3A_692 = tpu.memref_slice %arg10[%dma_wait3A_691] : memref<8192xf32, #tpu.memory_space<vmem>> -> memref<1024xf32, #tpu.memory_space<vmem>>
        %dma_wait3A_693 = arith.constant 0 : i32
        %dma_wait3A_694 = tpu.memref_slice %arg4[%dma_wait3A_689, %dma_wait3A_690, %add3A, %dma_wait3A_693] : memref<200x8x32x1024xf32, #tpu.memory_space<hbm>> -> memref<1x1x1x1024xf32, #tpu.memory_space<hbm>>
        %dma_wait3A_695 = tpu.memref_squeeze %dma_wait3A_694 : memref<1x1x1x1024xf32, #tpu.memory_space<hbm>> -> memref<1024xf32, #tpu.memory_space<hbm>>
        %dma_wait3A_696 = arith.constant 0 : i32
        %dma_wait3A_697 = tpu.memref_slice %arg4[%dma_wait3A_689, %dma_wait3A_690, %add3A, %dma_wait3A_696] : memref<200x8x32x1024xf32, #tpu.memory_space<hbm>> -> memref<1x1x1x1024xf32, #tpu.memory_space<hbm>>
        %dma_wait3A_698 = tpu.memref_squeeze %dma_wait3A_697 : memref<1x1x1x1024xf32, #tpu.memory_space<hbm>> -> memref<1024xf32, #tpu.memory_space<hbm>>
        %dma_wait3A_699 = arith.constant 1024 : i32
        %dma_wait3A_700 = tpu.memref_slice %arg10[%dma_wait3A_699] : memref<8192xf32, #tpu.memory_space<vmem>> -> memref<1024xf32, #tpu.memory_space<vmem>>
        tpu.wait_dma2 semaphore(%arg16 : memref<!tpu.dma_semaphore, #tpu.memory_space<semaphore_mem>>) src(%dma_wait3A_700 : memref<1024xf32, #tpu.memory_space<vmem>>) dst(%dma_wait3A_698 : memref<1024xf32, #tpu.memory_space<hbm>>)
        %dma_wait3A_701 = arith.constant 0 : i32
        %dma_wait3A_702 = arith.constant 2 : i32
        %dma_wait3A_703 = arith.constant 2048 : i32
        %dma_wait3A_704 = tpu.memref_slice %arg10[%dma_wait3A_703] : memref<8192xf32, #tpu.memory_space<vmem>> -> memref<1024xf32, #tpu.memory_space<vmem>>
        %dma_wait3A_705 = arith.constant 0 : i32
        %dma_wait3A_706 = tpu.memref_slice %arg4[%dma_wait3A_701, %dma_wait3A_702, %add3A, %dma_wait3A_705] : memref<200x8x32x1024xf32, #tpu.memory_space<hbm>> -> memref<1x1x1x1024xf32, #tpu.memory_space<hbm>>
        %dma_wait3A_707 = tpu.memref_squeeze %dma_wait3A_706 : memref<1x1x1x1024xf32, #tpu.memory_space<hbm>> -> memref<1024xf32, #tpu.memory_space<hbm>>
        %dma_wait3A_708 = arith.constant 0 : i32
        %dma_wait3A_709 = tpu.memref_slice %arg4[%dma_wait3A_701, %dma_wait3A_702, %add3A, %dma_wait3A_708] : memref<200x8x32x1024xf32, #tpu.memory_space<hbm>> -> memref<1x1x1x1024xf32, #tpu.memory_space<hbm>>
        %dma_wait3A_710 = tpu.memref_squeeze %dma_wait3A_709 : memref<1x1x1x1024xf32, #tpu.memory_space<hbm>> -> memref<1024xf32, #tpu.memory_space<hbm>>
        %dma_wait3A_711 = arith.constant 2048 : i32
        %dma_wait3A_712 = tpu.memref_slice %arg10[%dma_wait3A_711] : memref<8192xf32, #tpu.memory_space<vmem>> -> memref<1024xf32, #tpu.memory_space<vmem>>
        tpu.wait_dma2 semaphore(%arg16 : memref<!tpu.dma_semaphore, #tpu.memory_space<semaphore_mem>>) src(%dma_wait3A_712 : memref<1024xf32, #tpu.memory_space<vmem>>) dst(%dma_wait3A_710 : memref<1024xf32, #tpu.memory_space<hbm>>)
        %dma_wait3A_713 = arith.constant 0 : i32
        %dma_wait3A_714 = arith.constant 3 : i32
        %dma_wait3A_715 = arith.constant 3072 : i32
        %dma_wait3A_716 = tpu.memref_slice %arg10[%dma_wait3A_715] : memref<8192xf32, #tpu.memory_space<vmem>> -> memref<1024xf32, #tpu.memory_space<vmem>>
        %dma_wait3A_717 = arith.constant 0 : i32
        %dma_wait3A_718 = tpu.memref_slice %arg4[%dma_wait3A_713, %dma_wait3A_714, %add3A, %dma_wait3A_717] : memref<200x8x32x1024xf32, #tpu.memory_space<hbm>> -> memref<1x1x1x1024xf32, #tpu.memory_space<hbm>>
        %dma_wait3A_719 = tpu.memref_squeeze %dma_wait3A_718 : memref<1x1x1x1024xf32, #tpu.memory_space<hbm>> -> memref<1024xf32, #tpu.memory_space<hbm>>
        %dma_wait3A_720 = arith.constant 0 : i32
        %dma_wait3A_721 = tpu.memref_slice %arg4[%dma_wait3A_713, %dma_wait3A_714, %add3A, %dma_wait3A_720] : memref<200x8x32x1024xf32, #tpu.memory_space<hbm>> -> memref<1x1x1x1024xf32, #tpu.memory_space<hbm>>
        %dma_wait3A_722 = tpu.memref_squeeze %dma_wait3A_721 : memref<1x1x1x1024xf32, #tpu.memory_space<hbm>> -> memref<1024xf32, #tpu.memory_space<hbm>>
        %dma_wait3A_723 = arith.constant 3072 : i32
        %dma_wait3A_724 = tpu.memref_slice %arg10[%dma_wait3A_723] : memref<8192xf32, #tpu.memory_space<vmem>> -> memref<1024xf32, #tpu.memory_space<vmem>>
        tpu.wait_dma2 semaphore(%arg16 : memref<!tpu.dma_semaphore, #tpu.memory_space<semaphore_mem>>) src(%dma_wait3A_724 : memref<1024xf32, #tpu.memory_space<vmem>>) dst(%dma_wait3A_722 : memref<1024xf32, #tpu.memory_space<hbm>>)
        %dma_wait3A_725 = arith.constant 0 : i32
        %dma_wait3A_726 = arith.constant 4 : i32
        %dma_wait3A_727 = arith.constant 4096 : i32
        %dma_wait3A_728 = tpu.memref_slice %arg10[%dma_wait3A_727] : memref<8192xf32, #tpu.memory_space<vmem>> -> memref<1024xf32, #tpu.memory_space<vmem>>
        %dma_wait3A_729 = arith.constant 0 : i32
        %dma_wait3A_730 = tpu.memref_slice %arg4[%dma_wait3A_725, %dma_wait3A_726, %add3A, %dma_wait3A_729] : memref<200x8x32x1024xf32, #tpu.memory_space<hbm>> -> memref<1x1x1x1024xf32, #tpu.memory_space<hbm>>
        %dma_wait3A_731 = tpu.memref_squeeze %dma_wait3A_730 : memref<1x1x1x1024xf32, #tpu.memory_space<hbm>> -> memref<1024xf32, #tpu.memory_space<hbm>>
        %dma_wait3A_732 = arith.constant 0 : i32
        %dma_wait3A_733 = tpu.memref_slice %arg4[%dma_wait3A_725, %dma_wait3A_726, %add3A, %dma_wait3A_732] : memref<200x8x32x1024xf32, #tpu.memory_space<hbm>> -> memref<1x1x1x1024xf32, #tpu.memory_space<hbm>>
        %dma_wait3A_734 = tpu.memref_squeeze %dma_wait3A_733 : memref<1x1x1x1024xf32, #tpu.memory_space<hbm>> -> memref<1024xf32, #tpu.memory_space<hbm>>
        %dma_wait3A_735 = arith.constant 4096 : i32
        %dma_wait3A_736 = tpu.memref_slice %arg10[%dma_wait3A_735] : memref<8192xf32, #tpu.memory_space<vmem>> -> memref<1024xf32, #tpu.memory_space<vmem>>
        tpu.wait_dma2 semaphore(%arg16 : memref<!tpu.dma_semaphore, #tpu.memory_space<semaphore_mem>>) src(%dma_wait3A_736 : memref<1024xf32, #tpu.memory_space<vmem>>) dst(%dma_wait3A_734 : memref<1024xf32, #tpu.memory_space<hbm>>)
        %dma_wait3A_737 = arith.constant 0 : i32
        %dma_wait3A_738 = arith.constant 5 : i32
        %dma_wait3A_739 = arith.constant 5120 : i32
        %dma_wait3A_740 = tpu.memref_slice %arg10[%dma_wait3A_739] : memref<8192xf32, #tpu.memory_space<vmem>> -> memref<1024xf32, #tpu.memory_space<vmem>>
        %dma_wait3A_741 = arith.constant 0 : i32
        %dma_wait3A_742 = tpu.memref_slice %arg4[%dma_wait3A_737, %dma_wait3A_738, %add3A, %dma_wait3A_741] : memref<200x8x32x1024xf32, #tpu.memory_space<hbm>> -> memref<1x1x1x1024xf32, #tpu.memory_space<hbm>>
        %dma_wait3A_743 = tpu.memref_squeeze %dma_wait3A_742 : memref<1x1x1x1024xf32, #tpu.memory_space<hbm>> -> memref<1024xf32, #tpu.memory_space<hbm>>
        %dma_wait3A_744 = arith.constant 0 : i32
        %dma_wait3A_745 = tpu.memref_slice %arg4[%dma_wait3A_737, %dma_wait3A_738, %add3A, %dma_wait3A_744] : memref<200x8x32x1024xf32, #tpu.memory_space<hbm>> -> memref<1x1x1x1024xf32, #tpu.memory_space<hbm>>
        %dma_wait3A_746 = tpu.memref_squeeze %dma_wait3A_745 : memref<1x1x1x1024xf32, #tpu.memory_space<hbm>> -> memref<1024xf32, #tpu.memory_space<hbm>>
        %dma_wait3A_747 = arith.constant 5120 : i32
        %dma_wait3A_748 = tpu.memref_slice %arg10[%dma_wait3A_747] : memref<8192xf32, #tpu.memory_space<vmem>> -> memref<1024xf32, #tpu.memory_space<vmem>>
        tpu.wait_dma2 semaphore(%arg16 : memref<!tpu.dma_semaphore, #tpu.memory_space<semaphore_mem>>) src(%dma_wait3A_748 : memref<1024xf32, #tpu.memory_space<vmem>>) dst(%dma_wait3A_746 : memref<1024xf32, #tpu.memory_space<hbm>>)
        %dma_wait3A_749 = arith.constant 0 : i32
        %dma_wait3A_750 = arith.constant 6 : i32
        %dma_wait3A_751 = arith.constant 6144 : i32
        %dma_wait3A_752 = tpu.memref_slice %arg10[%dma_wait3A_751] : memref<8192xf32, #tpu.memory_space<vmem>> -> memref<1024xf32, #tpu.memory_space<vmem>>
        %dma_wait3A_753 = arith.constant 0 : i32
        %dma_wait3A_754 = tpu.memref_slice %arg4[%dma_wait3A_749, %dma_wait3A_750, %add3A, %dma_wait3A_753] : memref<200x8x32x1024xf32, #tpu.memory_space<hbm>> -> memref<1x1x1x1024xf32, #tpu.memory_space<hbm>>
        %dma_wait3A_755 = tpu.memref_squeeze %dma_wait3A_754 : memref<1x1x1x1024xf32, #tpu.memory_space<hbm>> -> memref<1024xf32, #tpu.memory_space<hbm>>
        %dma_wait3A_756 = arith.constant 0 : i32
        %dma_wait3A_757 = tpu.memref_slice %arg4[%dma_wait3A_749, %dma_wait3A_750, %add3A, %dma_wait3A_756] : memref<200x8x32x1024xf32, #tpu.memory_space<hbm>> -> memref<1x1x1x1024xf32, #tpu.memory_space<hbm>>
        %dma_wait3A_758 = tpu.memref_squeeze %dma_wait3A_757 : memref<1x1x1x1024xf32, #tpu.memory_space<hbm>> -> memref<1024xf32, #tpu.memory_space<hbm>>
        %dma_wait3A_759 = arith.constant 6144 : i32
        %dma_wait3A_760 = tpu.memref_slice %arg10[%dma_wait3A_759] : memref<8192xf32, #tpu.memory_space<vmem>> -> memref<1024xf32, #tpu.memory_space<vmem>>
        tpu.wait_dma2 semaphore(%arg16 : memref<!tpu.dma_semaphore, #tpu.memory_space<semaphore_mem>>) src(%dma_wait3A_760 : memref<1024xf32, #tpu.memory_space<vmem>>) dst(%dma_wait3A_758 : memref<1024xf32, #tpu.memory_space<hbm>>)
        %dma_wait3A_761 = arith.constant 0 : i32
        %dma_wait3A_762 = arith.constant 7 : i32
        %dma_wait3A_763 = arith.constant 7168 : i32
        %dma_wait3A_764 = tpu.memref_slice %arg10[%dma_wait3A_763] : memref<8192xf32, #tpu.memory_space<vmem>> -> memref<1024xf32, #tpu.memory_space<vmem>>
        %dma_wait3A_765 = arith.constant 0 : i32
        %dma_wait3A_766 = tpu.memref_slice %arg4[%dma_wait3A_761, %dma_wait3A_762, %add3A, %dma_wait3A_765] : memref<200x8x32x1024xf32, #tpu.memory_space<hbm>> -> memref<1x1x1x1024xf32, #tpu.memory_space<hbm>>
        %dma_wait3A_767 = tpu.memref_squeeze %dma_wait3A_766 : memref<1x1x1x1024xf32, #tpu.memory_space<hbm>> -> memref<1024xf32, #tpu.memory_space<hbm>>
        %dma_wait3A_768 = arith.constant 0 : i32
        %dma_wait3A_769 = tpu.memref_slice %arg4[%dma_wait3A_761, %dma_wait3A_762, %add3A, %dma_wait3A_768] : memref<200x8x32x1024xf32, #tpu.memory_space<hbm>> -> memref<1x1x1x1024xf32, #tpu.memory_space<hbm>>
        %dma_wait3A_770 = tpu.memref_squeeze %dma_wait3A_769 : memref<1x1x1x1024xf32, #tpu.memory_space<hbm>> -> memref<1024xf32, #tpu.memory_space<hbm>>
        %dma_wait3A_771 = arith.constant 7168 : i32
        %dma_wait3A_772 = tpu.memref_slice %arg10[%dma_wait3A_771] : memref<8192xf32, #tpu.memory_space<vmem>> -> memref<1024xf32, #tpu.memory_space<vmem>>
        tpu.wait_dma2 semaphore(%arg16 : memref<!tpu.dma_semaphore, #tpu.memory_space<semaphore_mem>>) src(%dma_wait3A_772 : memref<1024xf32, #tpu.memory_space<vmem>>) dst(%dma_wait3A_770 : memref<1024xf32, #tpu.memory_space<hbm>>)
      } else {
      }
      %parallel_loop3A_462 = arith.constant 0 : i32
      %parallel_loop3A_463 = arith.constant 128 : i32
      %parallel_loop3A_464 = arith.constant 1 : i32
      scf.for %parallel_loop3A_677 = %parallel_loop3A_462 to %parallel_loop3A_463 step %parallel_loop3A_464  : i32 {
        %parallel_loop3A_678 = arith.index_cast %parallel_loop3A_677 : i32 to index
        %parallel_loop3A_679 = arith.constant 0 : index
        %parallel_loop3A_680 = tpu.vector_load %arg8[%parallel_loop3A_678, %parallel_loop3A_679] {strides = array<i32>} : memref<128x64xf32, #tpu.memory_space<vmem>>, vector<16xf32>,
        %parallel_loop3A_681 = arith.constant 0 : i32
        %parallel_loop3A_682 = vector.broadcast %parallel_loop3A_681 : i32 to vector<16xi32>
        %parallel_loop3A_683 = arith.addi %parallel_loop3A_682, %iota3A : vector<16xi32>
        %parallel_loop3A_684 = arith.constant 128 : i32
        %parallel_loop3A_685 = vector.broadcast %parallel_loop3A_684 : i32 to vector<16xi32>
        %parallel_loop3A_686 = arith.muli %parallel_loop3A_683, %parallel_loop3A_685 : vector<16xi32>
        %parallel_loop3A_687 = vector.broadcast %parallel_loop3A_677 : i32 to vector<16xi32>
        %parallel_loop3A_688 = arith.addi %parallel_loop3A_686, %parallel_loop3A_687 : vector<16xi32>
        %parallel_loop3A_689 = arith.constant 8.000000e+00 : f32
        %parallel_loop3A_690 = vector.broadcast %parallel_loop3A_689 : f32 to vector<16xf32>
        %parallel_loop3A_691 = arith.mulf %parallel_loop3A_680, %parallel_loop3A_690 : vector<16xf32>
        tpu.vector_store_idx %arg10[%parallel_loop3A_688], %parallel_loop3A_691 : memref<8192xf32, #tpu.memory_space<vmem>>[vector<16xi32>], vector<16xf32>,
        %parallel_loop3A_692 = arith.index_cast %parallel_loop3A_677 : i32 to index
        %parallel_loop3A_693 = arith.constant 16 : index
        %parallel_loop3A_694 = tpu.vector_load %arg8[%parallel_loop3A_692, %parallel_loop3A_693] {strides = array<i32>} : memref<128x64xf32, #tpu.memory_space<vmem>>, vector<16xf32>,
        %parallel_loop3A_695 = arith.constant 16 : i32
        %parallel_loop3A_696 = vector.broadcast %parallel_loop3A_695 : i32 to vector<16xi32>
        %parallel_loop3A_697 = arith.addi %parallel_loop3A_696, %iota3A : vector<16xi32>
        %parallel_loop3A_698 = arith.constant 128 : i32
        %parallel_loop3A_699 = vector.broadcast %parallel_loop3A_698 : i32 to vector<16xi32>
        %parallel_loop3A_700 = arith.muli %parallel_loop3A_697, %parallel_loop3A_699 : vector<16xi32>
        %parallel_loop3A_701 = vector.broadcast %parallel_loop3A_677 : i32 to vector<16xi32>
        %parallel_loop3A_702 = arith.addi %parallel_loop3A_700, %parallel_loop3A_701 : vector<16xi32>
        %parallel_loop3A_703 = arith.constant 8.000000e+00 : f32
        %parallel_loop3A_704 = vector.broadcast %parallel_loop3A_703 : f32 to vector<16xf32>
        %parallel_loop3A_705 = arith.mulf %parallel_loop3A_694, %parallel_loop3A_704 : vector<16xf32>
        tpu.vector_store_idx %arg10[%parallel_loop3A_702], %parallel_loop3A_705 : memref<8192xf32, #tpu.memory_space<vmem>>[vector<16xi32>], vector<16xf32>,
        %parallel_loop3A_706 = arith.index_cast %parallel_loop3A_677 : i32 to index
        %parallel_loop3A_707 = arith.constant 32 : index
        %parallel_loop3A_708 = tpu.vector_load %arg8[%parallel_loop3A_706, %parallel_loop3A_707] {strides = array<i32>} : memref<128x64xf32, #tpu.memory_space<vmem>>, vector<16xf32>,
        %parallel_loop3A_709 = arith.constant 32 : i32
        %parallel_loop3A_710 = vector.broadcast %parallel_loop3A_709 : i32 to vector<16xi32>
        %parallel_loop3A_711 = arith.addi %parallel_loop3A_710, %iota3A : vector<16xi32>
        %parallel_loop3A_712 = arith.constant 128 : i32
        %parallel_loop3A_713 = vector.broadcast %parallel_loop3A_712 : i32 to vector<16xi32>
        %parallel_loop3A_714 = arith.muli %parallel_loop3A_711, %parallel_loop3A_713 : vector<16xi32>
        %parallel_loop3A_715 = vector.broadcast %parallel_loop3A_677 : i32 to vector<16xi32>
        %parallel_loop3A_716 = arith.addi %parallel_loop3A_714, %parallel_loop3A_715 : vector<16xi32>
        %parallel_loop3A_717 = arith.constant 8.000000e+00 : f32
        %parallel_loop3A_718 = vector.broadcast %parallel_loop3A_717 : f32 to vector<16xf32>
        %parallel_loop3A_719 = arith.mulf %parallel_loop3A_708, %parallel_loop3A_718 : vector<16xf32>
        tpu.vector_store_idx %arg10[%parallel_loop3A_716], %parallel_loop3A_719 : memref<8192xf32, #tpu.memory_space<vmem>>[vector<16xi32>], vector<16xf32>,
        %parallel_loop3A_720 = arith.index_cast %parallel_loop3A_677 : i32 to index
        %parallel_loop3A_721 = arith.constant 48 : index
        %parallel_loop3A_722 = tpu.vector_load %arg8[%parallel_loop3A_720, %parallel_loop3A_721] {strides = array<i32>} : memref<128x64xf32, #tpu.memory_space<vmem>>, vector<16xf32>,
        %parallel_loop3A_723 = arith.constant 48 : i32
        %parallel_loop3A_724 = vector.broadcast %parallel_loop3A_723 : i32 to vector<16xi32>
        %parallel_loop3A_725 = arith.addi %parallel_loop3A_724, %iota3A : vector<16xi32>
        %parallel_loop3A_726 = arith.constant 128 : i32
        %parallel_loop3A_727 = vector.broadcast %parallel_loop3A_726 : i32 to vector<16xi32>
        %parallel_loop3A_728 = arith.muli %parallel_loop3A_725, %parallel_loop3A_727 : vector<16xi32>
        %parallel_loop3A_729 = vector.broadcast %parallel_loop3A_677 : i32 to vector<16xi32>
        %parallel_loop3A_730 = arith.addi %parallel_loop3A_728, %parallel_loop3A_729 : vector<16xi32>
        %parallel_loop3A_731 = arith.constant 8.000000e+00 : f32
        %parallel_loop3A_732 = vector.broadcast %parallel_loop3A_731 : f32 to vector<16xf32>
        %parallel_loop3A_733 = arith.mulf %parallel_loop3A_722, %parallel_loop3A_732 : vector<16xf32>
        tpu.vector_store_idx %arg10[%parallel_loop3A_730], %parallel_loop3A_733 : memref<8192xf32, #tpu.memory_space<vmem>>[vector<16xi32>], vector<16xf32>,
      } {sc.loop_unroll_factor = 4 : i64, sc.parallel_access}
      %dma_start3A_465 = arith.constant 0 : i32
      %dma_start3A_466 = arith.constant 0 : i32
      %dma_start3A_467 = tpu.memref_slice %arg10[%dma_start3A_466] : memref<8192xf32, #tpu.memory_space<vmem>> -> memref<1024xf32, #tpu.memory_space<vmem>>
      %dma_start3A_468 = arith.constant 0 : i32
      %dma_start3A_469 = tpu.memref_slice %arg4[%add3A_450, %dma_start3A_465, %add3A, %dma_start3A_468] : memref<200x8x32x1024xf32, #tpu.memory_space<hbm>> -> memref<1x1x1x1024xf32, #tpu.memory_space<hbm>>
      %dma_start3A_470 = tpu.memref_squeeze %dma_start3A_469 : memref<1x1x1x1024xf32, #tpu.memory_space<hbm>> -> memref<1024xf32, #tpu.memory_space<hbm>>
      %dma_start3A_471 = arith.constant 0 : i32
      %dma_start3A_472 = tpu.memref_slice %arg4[%add3A_450, %dma_start3A_465, %add3A, %dma_start3A_471] : memref<200x8x32x1024xf32, #tpu.memory_space<hbm>> -> memref<1x1x1x1024xf32, #tpu.memory_space<hbm>>
      %dma_start3A_473 = tpu.memref_squeeze %dma_start3A_472 : memref<1x1x1x1024xf32, #tpu.memory_space<hbm>> -> memref<1024xf32, #tpu.memory_space<hbm>>
      %dma_start3A_474 = arith.constant 0 : i32
      %dma_start3A_475 = tpu.memref_slice %arg10[%dma_start3A_474] : memref<8192xf32, #tpu.memory_space<vmem>> -> memref<1024xf32, #tpu.memory_space<vmem>>
      tpu.enqueue_dma source(%dma_start3A_475 : memref<1024xf32, #tpu.memory_space<vmem>>) target(%dma_start3A_473 : memref<1024xf32, #tpu.memory_space<hbm>>) target_semaphore(%arg16 : memref<!tpu.dma_semaphore, #tpu.memory_space<semaphore_mem>>)
      %dma_start3A_476 = arith.constant 1 : i32
      %dma_start3A_477 = arith.constant 1024 : i32
      %dma_start3A_478 = tpu.memref_slice %arg10[%dma_start3A_477] : memref<8192xf32, #tpu.memory_space<vmem>> -> memref<1024xf32, #tpu.memory_space<vmem>>
      %dma_start3A_479 = arith.constant 0 : i32
      %dma_start3A_480 = tpu.memref_slice %arg4[%add3A_450, %dma_start3A_476, %add3A, %dma_start3A_479] : memref<200x8x32x1024xf32, #tpu.memory_space<hbm>> -> memref<1x1x1x1024xf32, #tpu.memory_space<hbm>>
      %dma_start3A_481 = tpu.memref_squeeze %dma_start3A_480 : memref<1x1x1x1024xf32, #tpu.memory_space<hbm>> -> memref<1024xf32, #tpu.memory_space<hbm>>
      %dma_start3A_482 = arith.constant 0 : i32
      %dma_start3A_483 = tpu.memref_slice %arg4[%add3A_450, %dma_start3A_476, %add3A, %dma_start3A_482] : memref<200x8x32x1024xf32, #tpu.memory_space<hbm>> -> memref<1x1x1x1024xf32, #tpu.memory_space<hbm>>
      %dma_start3A_484 = tpu.memref_squeeze %dma_start3A_483 : memref<1x1x1x1024xf32, #tpu.memory_space<hbm>> -> memref<1024xf32, #tpu.memory_space<hbm>>
      %dma_start3A_485 = arith.constant 1024 : i32
      %dma_start3A_486 = tpu.memref_slice %arg10[%dma_start3A_485] : memref<8192xf32, #tpu.memory_space<vmem>> -> memref<1024xf32, #tpu.memory_space<vmem>>
      tpu.enqueue_dma source(%dma_start3A_486 : memref<1024xf32, #tpu.memory_space<vmem>>) target(%dma_start3A_484 : memref<1024xf32, #tpu.memory_space<hbm>>) target_semaphore(%arg16 : memref<!tpu.dma_semaphore, #tpu.memory_space<semaphore_mem>>)
      %dma_start3A_487 = arith.constant 2 : i32
      %dma_start3A_488 = arith.constant 2048 : i32
      %dma_start3A_489 = tpu.memref_slice %arg10[%dma_start3A_488] : memref<8192xf32, #tpu.memory_space<vmem>> -> memref<1024xf32, #tpu.memory_space<vmem>>
      %dma_start3A_490 = arith.constant 0 : i32
      %dma_start3A_491 = tpu.memref_slice %arg4[%add3A_450, %dma_start3A_487, %add3A, %dma_start3A_490] : memref<200x8x32x1024xf32, #tpu.memory_space<hbm>> -> memref<1x1x1x1024xf32, #tpu.memory_space<hbm>>
      %dma_start3A_492 = tpu.memref_squeeze %dma_start3A_491 : memref<1x1x1x1024xf32, #tpu.memory_space<hbm>> -> memref<1024xf32, #tpu.memory_space<hbm>>
      %dma_start3A_493 = arith.constant 0 : i32
      %dma_start3A_494 = tpu.memref_slice %arg4[%add3A_450, %dma_start3A_487, %add3A, %dma_start3A_493] : memref<200x8x32x1024xf32, #tpu.memory_space<hbm>> -> memref<1x1x1x1024xf32, #tpu.memory_space<hbm>>
      %dma_start3A_495 = tpu.memref_squeeze %dma_start3A_494 : memref<1x1x1x1024xf32, #tpu.memory_space<hbm>> -> memref<1024xf32, #tpu.memory_space<hbm>>
      %dma_start3A_496 = arith.constant 2048 : i32
      %dma_start3A_497 = tpu.memref_slice %arg10[%dma_start3A_496] : memref<8192xf32, #tpu.memory_space<vmem>> -> memref<1024xf32, #tpu.memory_space<vmem>>
      tpu.enqueue_dma source(%dma_start3A_497 : memref<1024xf32, #tpu.memory_space<vmem>>) target(%dma_start3A_495 : memref<1024xf32, #tpu.memory_space<hbm>>) target_semaphore(%arg16 : memref<!tpu.dma_semaphore, #tpu.memory_space<semaphore_mem>>)
      %dma_start3A_498 = arith.constant 3 : i32
      %dma_start3A_499 = arith.constant 3072 : i32
      %dma_start3A_500 = tpu.memref_slice %arg10[%dma_start3A_499] : memref<8192xf32, #tpu.memory_space<vmem>> -> memref<1024xf32, #tpu.memory_space<vmem>>
      %dma_start3A_501 = arith.constant 0 : i32
      %dma_start3A_502 = tpu.memref_slice %arg4[%add3A_450, %dma_start3A_498, %add3A, %dma_start3A_501] : memref<200x8x32x1024xf32, #tpu.memory_space<hbm>> -> memref<1x1x1x1024xf32, #tpu.memory_space<hbm>>
      %dma_start3A_503 = tpu.memref_squeeze %dma_start3A_502 : memref<1x1x1x1024xf32, #tpu.memory_space<hbm>> -> memref<1024xf32, #tpu.memory_space<hbm>>
      %dma_start3A_504 = arith.constant 0 : i32
      %dma_start3A_505 = tpu.memref_slice %arg4[%add3A_450, %dma_start3A_498, %add3A, %dma_start3A_504] : memref<200x8x32x1024xf32, #tpu.memory_space<hbm>> -> memref<1x1x1x1024xf32, #tpu.memory_space<hbm>>
      %dma_start3A_506 = tpu.memref_squeeze %dma_start3A_505 : memref<1x1x1x1024xf32, #tpu.memory_space<hbm>> -> memref<1024xf32, #tpu.memory_space<hbm>>
      %dma_start3A_507 = arith.constant 3072 : i32
      %dma_start3A_508 = tpu.memref_slice %arg10[%dma_start3A_507] : memref<8192xf32, #tpu.memory_space<vmem>> -> memref<1024xf32, #tpu.memory_space<vmem>>
      tpu.enqueue_dma source(%dma_start3A_508 : memref<1024xf32, #tpu.memory_space<vmem>>) target(%dma_start3A_506 : memref<1024xf32, #tpu.memory_space<hbm>>) target_semaphore(%arg16 : memref<!tpu.dma_semaphore, #tpu.memory_space<semaphore_mem>>)
      %dma_start3A_509 = arith.constant 4 : i32
      %dma_start3A_510 = arith.constant 4096 : i32
      %dma_start3A_511 = tpu.memref_slice %arg10[%dma_start3A_510] : memref<8192xf32, #tpu.memory_space<vmem>> -> memref<1024xf32, #tpu.memory_space<vmem>>
      %dma_start3A_512 = arith.constant 0 : i32
      %dma_start3A_513 = tpu.memref_slice %arg4[%add3A_450, %dma_start3A_509, %add3A, %dma_start3A_512] : memref<200x8x32x1024xf32, #tpu.memory_space<hbm>> -> memref<1x1x1x1024xf32, #tpu.memory_space<hbm>>
      %dma_start3A_514 = tpu.memref_squeeze %dma_start3A_513 : memref<1x1x1x1024xf32, #tpu.memory_space<hbm>> -> memref<1024xf32, #tpu.memory_space<hbm>>
      %dma_start3A_515 = arith.constant 0 : i32
      %dma_start3A_516 = tpu.memref_slice %arg4[%add3A_450, %dma_start3A_509, %add3A, %dma_start3A_515] : memref<200x8x32x1024xf32, #tpu.memory_space<hbm>> -> memref<1x1x1x1024xf32, #tpu.memory_space<hbm>>
      %dma_start3A_517 = tpu.memref_squeeze %dma_start3A_516 : memref<1x1x1x1024xf32, #tpu.memory_space<hbm>> -> memref<1024xf32, #tpu.memory_space<hbm>>
      %dma_start3A_518 = arith.constant 4096 : i32
      %dma_start3A_519 = tpu.memref_slice %arg10[%dma_start3A_518] : memref<8192xf32, #tpu.memory_space<vmem>> -> memref<1024xf32, #tpu.memory_space<vmem>>
      tpu.enqueue_dma source(%dma_start3A_519 : memref<1024xf32, #tpu.memory_space<vmem>>) target(%dma_start3A_517 : memref<1024xf32, #tpu.memory_space<hbm>>) target_semaphore(%arg16 : memref<!tpu.dma_semaphore, #tpu.memory_space<semaphore_mem>>)
      %dma_start3A_520 = arith.constant 5 : i32
      %dma_start3A_521 = arith.constant 5120 : i32
      %dma_start3A_522 = tpu.memref_slice %arg10[%dma_start3A_521] : memref<8192xf32, #tpu.memory_space<vmem>> -> memref<1024xf32, #tpu.memory_space<vmem>>
      %dma_start3A_523 = arith.constant 0 : i32
      %dma_start3A_524 = tpu.memref_slice %arg4[%add3A_450, %dma_start3A_520, %add3A, %dma_start3A_523] : memref<200x8x32x1024xf32, #tpu.memory_space<hbm>> -> memref<1x1x1x1024xf32, #tpu.memory_space<hbm>>
      %dma_start3A_525 = tpu.memref_squeeze %dma_start3A_524 : memref<1x1x1x1024xf32, #tpu.memory_space<hbm>> -> memref<1024xf32, #tpu.memory_space<hbm>>
      %dma_start3A_526 = arith.constant 0 : i32
      %dma_start3A_527 = tpu.memref_slice %arg4[%add3A_450, %dma_start3A_520, %add3A, %dma_start3A_526] : memref<200x8x32x1024xf32, #tpu.memory_space<hbm>> -> memref<1x1x1x1024xf32, #tpu.memory_space<hbm>>
      %dma_start3A_528 = tpu.memref_squeeze %dma_start3A_527 : memref<1x1x1x1024xf32, #tpu.memory_space<hbm>> -> memref<1024xf32, #tpu.memory_space<hbm>>
      %dma_start3A_529 = arith.constant 5120 : i32
      %dma_start3A_530 = tpu.memref_slice %arg10[%dma_start3A_529] : memref<8192xf32, #tpu.memory_space<vmem>> -> memref<1024xf32, #tpu.memory_space<vmem>>
      tpu.enqueue_dma source(%dma_start3A_530 : memref<1024xf32, #tpu.memory_space<vmem>>) target(%dma_start3A_528 : memref<1024xf32, #tpu.memory_space<hbm>>) target_semaphore(%arg16 : memref<!tpu.dma_semaphore, #tpu.memory_space<semaphore_mem>>)
      %dma_start3A_531 = arith.constant 6 : i32
      %dma_start3A_532 = arith.constant 6144 : i32
      %dma_start3A_533 = tpu.memref_slice %arg10[%dma_start3A_532] : memref<8192xf32, #tpu.memory_space<vmem>> -> memref<1024xf32, #tpu.memory_space<vmem>>
      %dma_start3A_534 = arith.constant 0 : i32
      %dma_start3A_535 = tpu.memref_slice %arg4[%add3A_450, %dma_start3A_531, %add3A, %dma_start3A_534] : memref<200x8x32x1024xf32, #tpu.memory_space<hbm>> -> memref<1x1x1x1024xf32, #tpu.memory_space<hbm>>
      %dma_start3A_536 = tpu.memref_squeeze %dma_start3A_535 : memref<1x1x1x1024xf32, #tpu.memory_space<hbm>> -> memref<1024xf32, #tpu.memory_space<hbm>>
      %dma_start3A_537 = arith.constant 0 : i32
      %dma_start3A_538 = tpu.memref_slice %arg4[%add3A_450, %dma_start3A_531, %add3A, %dma_start3A_537] : memref<200x8x32x1024xf32, #tpu.memory_space<hbm>> -> memref<1x1x1x1024xf32, #tpu.memory_space<hbm>>
      %dma_start3A_539 = tpu.memref_squeeze %dma_start3A_538 : memref<1x1x1x1024xf32, #tpu.memory_space<hbm>> -> memref<1024xf32, #tpu.memory_space<hbm>>
      %dma_start3A_540 = arith.constant 6144 : i32
      %dma_start3A_541 = tpu.memref_slice %arg10[%dma_start3A_540] : memref<8192xf32, #tpu.memory_space<vmem>> -> memref<1024xf32, #tpu.memory_space<vmem>>
      tpu.enqueue_dma source(%dma_start3A_541 : memref<1024xf32, #tpu.memory_space<vmem>>) target(%dma_start3A_539 : memref<1024xf32, #tpu.memory_space<hbm>>) target_semaphore(%arg16 : memref<!tpu.dma_semaphore, #tpu.memory_space<semaphore_mem>>)
      %dma_start3A_542 = arith.constant 7 : i32
      %dma_start3A_543 = arith.constant 7168 : i32
      %dma_start3A_544 = tpu.memref_slice %arg10[%dma_start3A_543] : memref<8192xf32, #tpu.memory_space<vmem>> -> memref<1024xf32, #tpu.memory_space<vmem>>
      %dma_start3A_545 = arith.constant 0 : i32
      %dma_start3A_546 = tpu.memref_slice %arg4[%add3A_450, %dma_start3A_542, %add3A, %dma_start3A_545] : memref<200x8x32x1024xf32, #tpu.memory_space<hbm>> -> memref<1x1x1x1024xf32, #tpu.memory_space<hbm>>
      %dma_start3A_547 = tpu.memref_squeeze %dma_start3A_546 : memref<1x1x1x1024xf32, #tpu.memory_space<hbm>> -> memref<1024xf32, #tpu.memory_space<hbm>>
      %dma_start3A_548 = arith.constant 0 : i32
      %dma_start3A_549 = tpu.memref_slice %arg4[%add3A_450, %dma_start3A_542, %add3A, %dma_start3A_548] : memref<200x8x32x1024xf32, #tpu.memory_space<hbm>> -> memref<1x1x1x1024xf32, #tpu.memory_space<hbm>>
      %dma_start3A_550 = tpu.memref_squeeze %dma_start3A_549 : memref<1x1x1x1024xf32, #tpu.memory_space<hbm>> -> memref<1024xf32, #tpu.memory_space<hbm>>
      %dma_start3A_551 = arith.constant 7168 : i32
      %dma_start3A_552 = tpu.memref_slice %arg10[%dma_start3A_551] : memref<8192xf32, #tpu.memory_space<vmem>> -> memref<1024xf32, #tpu.memory_space<vmem>>
      tpu.enqueue_dma source(%dma_start3A_552 : memref<1024xf32, #tpu.memory_space<vmem>>) target(%dma_start3A_550 : memref<1024xf32, #tpu.memory_space<hbm>>) target_semaphore(%arg16 : memref<!tpu.dma_semaphore, #tpu.memory_space<semaphore_mem>>)
      %add3A_553 = arith.constant 4 : i32
      %add3A_554 = arith.addi %add3A_450, %add3A_553 : i32
      %sub3A_555 = arith.constant 1 : i32
      %sub3A_556 = arith.subi %add3A_554, %sub3A_555 : i32
      %lt3A_557 = arith.constant 200 : i32
      %lt3A_558 = arith.cmpi slt, %sub3A_556, %lt3A_557 : i32
      %convert_element_type3A_559 = arith.extui %lt3A_558 : i1 to i32
      %cond3A_560 = arith.constant 0 : i32
      %cond3A_561 = arith.cmpi ne, %convert_element_type3A_559, %cond3A_560 : i32
      scf.if %cond3A_561 {
        %add3A_677 = arith.constant 4 : i32
        %add3A_678 = arith.addi %add3A_450, %add3A_677 : i32
        %sub3A_679 = arith.constant 1 : i32
        %sub3A_680 = arith.subi %add3A_678, %sub3A_679 : i32
        %dma_start3A_681 = arith.constant 0 : i32
        %dma_start3A_682 = tpu.memref_slice %arg5[%sub3A_680, %dma_start3A_681] : memref<200x128xi32, #tpu.memory_space<vmem>> -> memref<1x128xi32, #tpu.memory_space<vmem>>
        %dma_start3A_683 = tpu.memref_squeeze %dma_start3A_682 : memref<1x128xi32, #tpu.memory_space<vmem>> -> memref<128xi32, #tpu.memory_space<vmem>>
        %dma_start3A_684 = arith.constant 0 : i32
        %dma_start3A_685 = arith.constant 0 : i32
        %dma_start3A_686 = tpu.memref_slice %arg3[%dma_start3A_684, %dma_start3A_685] : memref<1000000x64xf32, #tpu.memory_space<hbm>> -> memref<1000000x64xf32, #tpu.memory_space<hbm>>
        tpu.enqueue_indirect_dma source(%dma_start3A_686 : memref<1000000x64xf32, #tpu.memory_space<hbm>>) target(%arg7 : memref<128x64xf32, #tpu.memory_space<vmem>>) offsets(%dma_start3A_683 : memref<128xi32, #tpu.memory_space<vmem>>) semaphore(%arg13 : memref<!tpu.dma_semaphore, #tpu.memory_space<semaphore_mem>>)
      } else {
      }
      %mul3A_562 = arith.constant 4 : i32
      %mul3A_563 = arith.muli %scan3A_222, %mul3A_562 : i32
      %add3A_564 = arith.constant 3 : i32
      %add3A_565 = arith.addi %mul3A_563, %add3A_564 : i32
      %dma_wait3A_566 = arith.constant 0 : i32
      %dma_wait3A_567 = arith.constant 0 : i32
      %dma_wait3A_568 = tpu.memref_slice %arg3[%dma_wait3A_566, %dma_wait3A_567] : memref<1000000x64xf32, #tpu.memory_space<hbm>> -> memref<128x64xf32, #tpu.memory_space<hbm>>
      %dma_wait3A_569 = arith.constant 0 : i32
      %dma_wait3A_570 = arith.constant 0 : i32
      %dma_wait3A_571 = tpu.memref_slice %arg3[%dma_wait3A_569, %dma_wait3A_570] : memref<1000000x64xf32, #tpu.memory_space<hbm>> -> memref<128x64xf32, #tpu.memory_space<hbm>>
      tpu.wait_dma2 semaphore(%arg15 : memref<!tpu.dma_semaphore, #tpu.memory_space<semaphore_mem>>) src(%dma_wait3A_571 : memref<128x64xf32, #tpu.memory_space<hbm>>) dst(%arg9 : memref<128x64xf32, #tpu.memory_space<vmem>>)
      %ge3A_572 = arith.constant 2 : i32
      %ge3A_573 = arith.cmpi sge, %add3A_565, %ge3A_572 : i32
      %convert_element_type3A_574 = arith.extui %ge3A_573 : i1 to i32
      %cond3A_575 = arith.constant 0 : i32
      %cond3A_576 = arith.cmpi ne, %convert_element_type3A_574, %cond3A_575 : i32
      scf.if %cond3A_576 {
        %dma_wait3A_677 = arith.constant 0 : i32
        %dma_wait3A_678 = arith.constant 0 : i32
        %dma_wait3A_679 = arith.constant 0 : i32
        %dma_wait3A_680 = tpu.memref_slice %arg11[%dma_wait3A_679] : memref<8192xf32, #tpu.memory_space<vmem>> -> memref<1024xf32, #tpu.memory_space<vmem>>
        %dma_wait3A_681 = arith.constant 0 : i32
        %dma_wait3A_682 = tpu.memref_slice %arg4[%dma_wait3A_677, %dma_wait3A_678, %add3A, %dma_wait3A_681] : memref<200x8x32x1024xf32, #tpu.memory_space<hbm>> -> memref<1x1x1x1024xf32, #tpu.memory_space<hbm>>
        %dma_wait3A_683 = tpu.memref_squeeze %dma_wait3A_682 : memref<1x1x1x1024xf32, #tpu.memory_space<hbm>> -> memref<1024xf32, #tpu.memory_space<hbm>>
        %dma_wait3A_684 = arith.constant 0 : i32
        %dma_wait3A_685 = tpu.memref_slice %arg4[%dma_wait3A_677, %dma_wait3A_678, %add3A, %dma_wait3A_684] : memref<200x8x32x1024xf32, #tpu.memory_space<hbm>> -> memref<1x1x1x1024xf32, #tpu.memory_space<hbm>>
        %dma_wait3A_686 = tpu.memref_squeeze %dma_wait3A_685 : memref<1x1x1x1024xf32, #tpu.memory_space<hbm>> -> memref<1024xf32, #tpu.memory_space<hbm>>
        %dma_wait3A_687 = arith.constant 0 : i32
        %dma_wait3A_688 = tpu.memref_slice %arg11[%dma_wait3A_687] : memref<8192xf32, #tpu.memory_space<vmem>> -> memref<1024xf32, #tpu.memory_space<vmem>>
        tpu.wait_dma2 semaphore(%arg17 : memref<!tpu.dma_semaphore, #tpu.memory_space<semaphore_mem>>) src(%dma_wait3A_688 : memref<1024xf32, #tpu.memory_space<vmem>>) dst(%dma_wait3A_686 : memref<1024xf32, #tpu.memory_space<hbm>>)
        %dma_wait3A_689 = arith.constant 0 : i32
        %dma_wait3A_690 = arith.constant 1 : i32
        %dma_wait3A_691 = arith.constant 1024 : i32
        %dma_wait3A_692 = tpu.memref_slice %arg11[%dma_wait3A_691] : memref<8192xf32, #tpu.memory_space<vmem>> -> memref<1024xf32, #tpu.memory_space<vmem>>
        %dma_wait3A_693 = arith.constant 0 : i32
        %dma_wait3A_694 = tpu.memref_slice %arg4[%dma_wait3A_689, %dma_wait3A_690, %add3A, %dma_wait3A_693] : memref<200x8x32x1024xf32, #tpu.memory_space<hbm>> -> memref<1x1x1x1024xf32, #tpu.memory_space<hbm>>
        %dma_wait3A_695 = tpu.memref_squeeze %dma_wait3A_694 : memref<1x1x1x1024xf32, #tpu.memory_space<hbm>> -> memref<1024xf32, #tpu.memory_space<hbm>>
        %dma_wait3A_696 = arith.constant 0 : i32
        %dma_wait3A_697 = tpu.memref_slice %arg4[%dma_wait3A_689, %dma_wait3A_690, %add3A, %dma_wait3A_696] : memref<200x8x32x1024xf32, #tpu.memory_space<hbm>> -> memref<1x1x1x1024xf32, #tpu.memory_space<hbm>>
        %dma_wait3A_698 = tpu.memref_squeeze %dma_wait3A_697 : memref<1x1x1x1024xf32, #tpu.memory_space<hbm>> -> memref<1024xf32, #tpu.memory_space<hbm>>
        %dma_wait3A_699 = arith.constant 1024 : i32
        %dma_wait3A_700 = tpu.memref_slice %arg11[%dma_wait3A_699] : memref<8192xf32, #tpu.memory_space<vmem>> -> memref<1024xf32, #tpu.memory_space<vmem>>
        tpu.wait_dma2 semaphore(%arg17 : memref<!tpu.dma_semaphore, #tpu.memory_space<semaphore_mem>>) src(%dma_wait3A_700 : memref<1024xf32, #tpu.memory_space<vmem>>) dst(%dma_wait3A_698 : memref<1024xf32, #tpu.memory_space<hbm>>)
        %dma_wait3A_701 = arith.constant 0 : i32
        %dma_wait3A_702 = arith.constant 2 : i32
        %dma_wait3A_703 = arith.constant 2048 : i32
        %dma_wait3A_704 = tpu.memref_slice %arg11[%dma_wait3A_703] : memref<8192xf32, #tpu.memory_space<vmem>> -> memref<1024xf32, #tpu.memory_space<vmem>>
        %dma_wait3A_705 = arith.constant 0 : i32
        %dma_wait3A_706 = tpu.memref_slice %arg4[%dma_wait3A_701, %dma_wait3A_702, %add3A, %dma_wait3A_705] : memref<200x8x32x1024xf32, #tpu.memory_space<hbm>> -> memref<1x1x1x1024xf32, #tpu.memory_space<hbm>>
        %dma_wait3A_707 = tpu.memref_squeeze %dma_wait3A_706 : memref<1x1x1x1024xf32, #tpu.memory_space<hbm>> -> memref<1024xf32, #tpu.memory_space<hbm>>
        %dma_wait3A_708 = arith.constant 0 : i32
        %dma_wait3A_709 = tpu.memref_slice %arg4[%dma_wait3A_701, %dma_wait3A_702, %add3A, %dma_wait3A_708] : memref<200x8x32x1024xf32, #tpu.memory_space<hbm>> -> memref<1x1x1x1024xf32, #tpu.memory_space<hbm>>
        %dma_wait3A_710 = tpu.memref_squeeze %dma_wait3A_709 : memref<1x1x1x1024xf32, #tpu.memory_space<hbm>> -> memref<1024xf32, #tpu.memory_space<hbm>>
        %dma_wait3A_711 = arith.constant 2048 : i32
        %dma_wait3A_712 = tpu.memref_slice %arg11[%dma_wait3A_711] : memref<8192xf32, #tpu.memory_space<vmem>> -> memref<1024xf32, #tpu.memory_space<vmem>>
        tpu.wait_dma2 semaphore(%arg17 : memref<!tpu.dma_semaphore, #tpu.memory_space<semaphore_mem>>) src(%dma_wait3A_712 : memref<1024xf32, #tpu.memory_space<vmem>>) dst(%dma_wait3A_710 : memref<1024xf32, #tpu.memory_space<hbm>>)
        %dma_wait3A_713 = arith.constant 0 : i32
        %dma_wait3A_714 = arith.constant 3 : i32
        %dma_wait3A_715 = arith.constant 3072 : i32
        %dma_wait3A_716 = tpu.memref_slice %arg11[%dma_wait3A_715] : memref<8192xf32, #tpu.memory_space<vmem>> -> memref<1024xf32, #tpu.memory_space<vmem>>
        %dma_wait3A_717 = arith.constant 0 : i32
        %dma_wait3A_718 = tpu.memref_slice %arg4[%dma_wait3A_713, %dma_wait3A_714, %add3A, %dma_wait3A_717] : memref<200x8x32x1024xf32, #tpu.memory_space<hbm>> -> memref<1x1x1x1024xf32, #tpu.memory_space<hbm>>
        %dma_wait3A_719 = tpu.memref_squeeze %dma_wait3A_718 : memref<1x1x1x1024xf32, #tpu.memory_space<hbm>> -> memref<1024xf32, #tpu.memory_space<hbm>>
        %dma_wait3A_720 = arith.constant 0 : i32
        %dma_wait3A_721 = tpu.memref_slice %arg4[%dma_wait3A_713, %dma_wait3A_714, %add3A, %dma_wait3A_720] : memref<200x8x32x1024xf32, #tpu.memory_space<hbm>> -> memref<1x1x1x1024xf32, #tpu.memory_space<hbm>>
        %dma_wait3A_722 = tpu.memref_squeeze %dma_wait3A_721 : memref<1x1x1x1024xf32, #tpu.memory_space<hbm>> -> memref<1024xf32, #tpu.memory_space<hbm>>
        %dma_wait3A_723 = arith.constant 3072 : i32
        %dma_wait3A_724 = tpu.memref_slice %arg11[%dma_wait3A_723] : memref<8192xf32, #tpu.memory_space<vmem>> -> memref<1024xf32, #tpu.memory_space<vmem>>
        tpu.wait_dma2 semaphore(%arg17 : memref<!tpu.dma_semaphore, #tpu.memory_space<semaphore_mem>>) src(%dma_wait3A_724 : memref<1024xf32, #tpu.memory_space<vmem>>) dst(%dma_wait3A_722 : memref<1024xf32, #tpu.memory_space<hbm>>)
        %dma_wait3A_725 = arith.constant 0 : i32
        %dma_wait3A_726 = arith.constant 4 : i32
        %dma_wait3A_727 = arith.constant 4096 : i32
        %dma_wait3A_728 = tpu.memref_slice %arg11[%dma_wait3A_727] : memref<8192xf32, #tpu.memory_space<vmem>> -> memref<1024xf32, #tpu.memory_space<vmem>>
        %dma_wait3A_729 = arith.constant 0 : i32
        %dma_wait3A_730 = tpu.memref_slice %arg4[%dma_wait3A_725, %dma_wait3A_726, %add3A, %dma_wait3A_729] : memref<200x8x32x1024xf32, #tpu.memory_space<hbm>> -> memref<1x1x1x1024xf32, #tpu.memory_space<hbm>>
        %dma_wait3A_731 = tpu.memref_squeeze %dma_wait3A_730 : memref<1x1x1x1024xf32, #tpu.memory_space<hbm>> -> memref<1024xf32, #tpu.memory_space<hbm>>
        %dma_wait3A_732 = arith.constant 0 : i32
        %dma_wait3A_733 = tpu.memref_slice %arg4[%dma_wait3A_725, %dma_wait3A_726, %add3A, %dma_wait3A_732] : memref<200x8x32x1024xf32, #tpu.memory_space<hbm>> -> memref<1x1x1x1024xf32, #tpu.memory_space<hbm>>
        %dma_wait3A_734 = tpu.memref_squeeze %dma_wait3A_733 : memref<1x1x1x1024xf32, #tpu.memory_space<hbm>> -> memref<1024xf32, #tpu.memory_space<hbm>>
        %dma_wait3A_735 = arith.constant 4096 : i32
        %dma_wait3A_736 = tpu.memref_slice %arg11[%dma_wait3A_735] : memref<8192xf32, #tpu.memory_space<vmem>> -> memref<1024xf32, #tpu.memory_space<vmem>>
        tpu.wait_dma2 semaphore(%arg17 : memref<!tpu.dma_semaphore, #tpu.memory_space<semaphore_mem>>) src(%dma_wait3A_736 : memref<1024xf32, #tpu.memory_space<vmem>>) dst(%dma_wait3A_734 : memref<1024xf32, #tpu.memory_space<hbm>>)
        %dma_wait3A_737 = arith.constant 0 : i32
        %dma_wait3A_738 = arith.constant 5 : i32
        %dma_wait3A_739 = arith.constant 5120 : i32
        %dma_wait3A_740 = tpu.memref_slice %arg11[%dma_wait3A_739] : memref<8192xf32, #tpu.memory_space<vmem>> -> memref<1024xf32, #tpu.memory_space<vmem>>
        %dma_wait3A_741 = arith.constant 0 : i32
        %dma_wait3A_742 = tpu.memref_slice %arg4[%dma_wait3A_737, %dma_wait3A_738, %add3A, %dma_wait3A_741] : memref<200x8x32x1024xf32, #tpu.memory_space<hbm>> -> memref<1x1x1x1024xf32, #tpu.memory_space<hbm>>
        %dma_wait3A_743 = tpu.memref_squeeze %dma_wait3A_742 : memref<1x1x1x1024xf32, #tpu.memory_space<hbm>> -> memref<1024xf32, #tpu.memory_space<hbm>>
        %dma_wait3A_744 = arith.constant 0 : i32
        %dma_wait3A_745 = tpu.memref_slice %arg4[%dma_wait3A_737, %dma_wait3A_738, %add3A, %dma_wait3A_744] : memref<200x8x32x1024xf32, #tpu.memory_space<hbm>> -> memref<1x1x1x1024xf32, #tpu.memory_space<hbm>>
        %dma_wait3A_746 = tpu.memref_squeeze %dma_wait3A_745 : memref<1x1x1x1024xf32, #tpu.memory_space<hbm>> -> memref<1024xf32, #tpu.memory_space<hbm>>
        %dma_wait3A_747 = arith.constant 5120 : i32
        %dma_wait3A_748 = tpu.memref_slice %arg11[%dma_wait3A_747] : memref<8192xf32, #tpu.memory_space<vmem>> -> memref<1024xf32, #tpu.memory_space<vmem>>
        tpu.wait_dma2 semaphore(%arg17 : memref<!tpu.dma_semaphore, #tpu.memory_space<semaphore_mem>>) src(%dma_wait3A_748 : memref<1024xf32, #tpu.memory_space<vmem>>) dst(%dma_wait3A_746 : memref<1024xf32, #tpu.memory_space<hbm>>)
        %dma_wait3A_749 = arith.constant 0 : i32
        %dma_wait3A_750 = arith.constant 6 : i32
        %dma_wait3A_751 = arith.constant 6144 : i32
        %dma_wait3A_752 = tpu.memref_slice %arg11[%dma_wait3A_751] : memref<8192xf32, #tpu.memory_space<vmem>> -> memref<1024xf32, #tpu.memory_space<vmem>>
        %dma_wait3A_753 = arith.constant 0 : i32
        %dma_wait3A_754 = tpu.memref_slice %arg4[%dma_wait3A_749, %dma_wait3A_750, %add3A, %dma_wait3A_753] : memref<200x8x32x1024xf32, #tpu.memory_space<hbm>> -> memref<1x1x1x1024xf32, #tpu.memory_space<hbm>>
        %dma_wait3A_755 = tpu.memref_squeeze %dma_wait3A_754 : memref<1x1x1x1024xf32, #tpu.memory_space<hbm>> -> memref<1024xf32, #tpu.memory_space<hbm>>
        %dma_wait3A_756 = arith.constant 0 : i32
        %dma_wait3A_757 = tpu.memref_slice %arg4[%dma_wait3A_749, %dma_wait3A_750, %add3A, %dma_wait3A_756] : memref<200x8x32x1024xf32, #tpu.memory_space<hbm>> -> memref<1x1x1x1024xf32, #tpu.memory_space<hbm>>
        %dma_wait3A_758 = tpu.memref_squeeze %dma_wait3A_757 : memref<1x1x1x1024xf32, #tpu.memory_space<hbm>> -> memref<1024xf32, #tpu.memory_space<hbm>>
        %dma_wait3A_759 = arith.constant 6144 : i32
        %dma_wait3A_760 = tpu.memref_slice %arg11[%dma_wait3A_759] : memref<8192xf32, #tpu.memory_space<vmem>> -> memref<1024xf32, #tpu.memory_space<vmem>>
        tpu.wait_dma2 semaphore(%arg17 : memref<!tpu.dma_semaphore, #tpu.memory_space<semaphore_mem>>) src(%dma_wait3A_760 : memref<1024xf32, #tpu.memory_space<vmem>>) dst(%dma_wait3A_758 : memref<1024xf32, #tpu.memory_space<hbm>>)
        %dma_wait3A_761 = arith.constant 0 : i32
        %dma_wait3A_762 = arith.constant 7 : i32
        %dma_wait3A_763 = arith.constant 7168 : i32
        %dma_wait3A_764 = tpu.memref_slice %arg11[%dma_wait3A_763] : memref<8192xf32, #tpu.memory_space<vmem>> -> memref<1024xf32, #tpu.memory_space<vmem>>
        %dma_wait3A_765 = arith.constant 0 : i32
        %dma_wait3A_766 = tpu.memref_slice %arg4[%dma_wait3A_761, %dma_wait3A_762, %add3A, %dma_wait3A_765] : memref<200x8x32x1024xf32, #tpu.memory_space<hbm>> -> memref<1x1x1x1024xf32, #tpu.memory_space<hbm>>
        %dma_wait3A_767 = tpu.memref_squeeze %dma_wait3A_766 : memref<1x1x1x1024xf32, #tpu.memory_space<hbm>> -> memref<1024xf32, #tpu.memory_space<hbm>>
        %dma_wait3A_768 = arith.constant 0 : i32
        %dma_wait3A_769 = tpu.memref_slice %arg4[%dma_wait3A_761, %dma_wait3A_762, %add3A, %dma_wait3A_768] : memref<200x8x32x1024xf32, #tpu.memory_space<hbm>> -> memref<1x1x1x1024xf32, #tpu.memory_space<hbm>>
        %dma_wait3A_770 = tpu.memref_squeeze %dma_wait3A_769 : memref<1x1x1x1024xf32, #tpu.memory_space<hbm>> -> memref<1024xf32, #tpu.memory_space<hbm>>
        %dma_wait3A_771 = arith.constant 7168 : i32
        %dma_wait3A_772 = tpu.memref_slice %arg11[%dma_wait3A_771] : memref<8192xf32, #tpu.memory_space<vmem>> -> memref<1024xf32, #tpu.memory_space<vmem>>
        tpu.wait_dma2 semaphore(%arg17 : memref<!tpu.dma_semaphore, #tpu.memory_space<semaphore_mem>>) src(%dma_wait3A_772 : memref<1024xf32, #tpu.memory_space<vmem>>) dst(%dma_wait3A_770 : memref<1024xf32, #tpu.memory_space<hbm>>)
      } else {
      }
      %parallel_loop3A_577 = arith.constant 0 : i32
      %parallel_loop3A_578 = arith.constant 128 : i32
      %parallel_loop3A_579 = arith.constant 1 : i32
      scf.for %parallel_loop3A_677 = %parallel_loop3A_577 to %parallel_loop3A_578 step %parallel_loop3A_579  : i32 {
        %parallel_loop3A_678 = arith.index_cast %parallel_loop3A_677 : i32 to index
        %parallel_loop3A_679 = arith.constant 0 : index
        %parallel_loop3A_680 = tpu.vector_load %arg9[%parallel_loop3A_678, %parallel_loop3A_679] {strides = array<i32>} : memref<128x64xf32, #tpu.memory_space<vmem>>, vector<16xf32>,
        %parallel_loop3A_681 = arith.constant 0 : i32
        %parallel_loop3A_682 = vector.broadcast %parallel_loop3A_681 : i32 to vector<16xi32>
        %parallel_loop3A_683 = arith.addi %parallel_loop3A_682, %iota3A : vector<16xi32>
        %parallel_loop3A_684 = arith.constant 128 : i32
        %parallel_loop3A_685 = vector.broadcast %parallel_loop3A_684 : i32 to vector<16xi32>
        %parallel_loop3A_686 = arith.muli %parallel_loop3A_683, %parallel_loop3A_685 : vector<16xi32>
        %parallel_loop3A_687 = vector.broadcast %parallel_loop3A_677 : i32 to vector<16xi32>
        %parallel_loop3A_688 = arith.addi %parallel_loop3A_686, %parallel_loop3A_687 : vector<16xi32>
        %parallel_loop3A_689 = arith.constant 8.000000e+00 : f32
        %parallel_loop3A_690 = vector.broadcast %parallel_loop3A_689 : f32 to vector<16xf32>
        %parallel_loop3A_691 = arith.mulf %parallel_loop3A_680, %parallel_loop3A_690 : vector<16xf32>
        tpu.vector_store_idx %arg11[%parallel_loop3A_688], %parallel_loop3A_691 : memref<8192xf32, #tpu.memory_space<vmem>>[vector<16xi32>], vector<16xf32>,
        %parallel_loop3A_692 = arith.index_cast %parallel_loop3A_677 : i32 to index
        %parallel_loop3A_693 = arith.constant 16 : index
        %parallel_loop3A_694 = tpu.vector_load %arg9[%parallel_loop3A_692, %parallel_loop3A_693] {strides = array<i32>} : memref<128x64xf32, #tpu.memory_space<vmem>>, vector<16xf32>,
        %parallel_loop3A_695 = arith.constant 16 : i32
        %parallel_loop3A_696 = vector.broadcast %parallel_loop3A_695 : i32 to vector<16xi32>
        %parallel_loop3A_697 = arith.addi %parallel_loop3A_696, %iota3A : vector<16xi32>
        %parallel_loop3A_698 = arith.constant 128 : i32
        %parallel_loop3A_699 = vector.broadcast %parallel_loop3A_698 : i32 to vector<16xi32>
        %parallel_loop3A_700 = arith.muli %parallel_loop3A_697, %parallel_loop3A_699 : vector<16xi32>
        %parallel_loop3A_701 = vector.broadcast %parallel_loop3A_677 : i32 to vector<16xi32>
        %parallel_loop3A_702 = arith.addi %parallel_loop3A_700, %parallel_loop3A_701 : vector<16xi32>
        %parallel_loop3A_703 = arith.constant 8.000000e+00 : f32
        %parallel_loop3A_704 = vector.broadcast %parallel_loop3A_703 : f32 to vector<16xf32>
        %parallel_loop3A_705 = arith.mulf %parallel_loop3A_694, %parallel_loop3A_704 : vector<16xf32>
        tpu.vector_store_idx %arg11[%parallel_loop3A_702], %parallel_loop3A_705 : memref<8192xf32, #tpu.memory_space<vmem>>[vector<16xi32>], vector<16xf32>,
        %parallel_loop3A_706 = arith.index_cast %parallel_loop3A_677 : i32 to index
        %parallel_loop3A_707 = arith.constant 32 : index
        %parallel_loop3A_708 = tpu.vector_load %arg9[%parallel_loop3A_706, %parallel_loop3A_707] {strides = array<i32>} : memref<128x64xf32, #tpu.memory_space<vmem>>, vector<16xf32>,
        %parallel_loop3A_709 = arith.constant 32 : i32
        %parallel_loop3A_710 = vector.broadcast %parallel_loop3A_709 : i32 to vector<16xi32>
        %parallel_loop3A_711 = arith.addi %parallel_loop3A_710, %iota3A : vector<16xi32>
        %parallel_loop3A_712 = arith.constant 128 : i32
        %parallel_loop3A_713 = vector.broadcast %parallel_loop3A_712 : i32 to vector<16xi32>
        %parallel_loop3A_714 = arith.muli %parallel_loop3A_711, %parallel_loop3A_713 : vector<16xi32>
        %parallel_loop3A_715 = vector.broadcast %parallel_loop3A_677 : i32 to vector<16xi32>
        %parallel_loop3A_716 = arith.addi %parallel_loop3A_714, %parallel_loop3A_715 : vector<16xi32>
        %parallel_loop3A_717 = arith.constant 8.000000e+00 : f32
        %parallel_loop3A_718 = vector.broadcast %parallel_loop3A_717 : f32 to vector<16xf32>
        %parallel_loop3A_719 = arith.mulf %parallel_loop3A_708, %parallel_loop3A_718 : vector<16xf32>
        tpu.vector_store_idx %arg11[%parallel_loop3A_716], %parallel_loop3A_719 : memref<8192xf32, #tpu.memory_space<vmem>>[vector<16xi32>], vector<16xf32>,
        %parallel_loop3A_720 = arith.index_cast %parallel_loop3A_677 : i32 to index
        %parallel_loop3A_721 = arith.constant 48 : index
        %parallel_loop3A_722 = tpu.vector_load %arg9[%parallel_loop3A_720, %parallel_loop3A_721] {strides = array<i32>} : memref<128x64xf32, #tpu.memory_space<vmem>>, vector<16xf32>,
        %parallel_loop3A_723 = arith.constant 48 : i32
        %parallel_loop3A_724 = vector.broadcast %parallel_loop3A_723 : i32 to vector<16xi32>
        %parallel_loop3A_725 = arith.addi %parallel_loop3A_724, %iota3A : vector<16xi32>
        %parallel_loop3A_726 = arith.constant 128 : i32
        %parallel_loop3A_727 = vector.broadcast %parallel_loop3A_726 : i32 to vector<16xi32>
        %parallel_loop3A_728 = arith.muli %parallel_loop3A_725, %parallel_loop3A_727 : vector<16xi32>
        %parallel_loop3A_729 = vector.broadcast %parallel_loop3A_677 : i32 to vector<16xi32>
        %parallel_loop3A_730 = arith.addi %parallel_loop3A_728, %parallel_loop3A_729 : vector<16xi32>
        %parallel_loop3A_731 = arith.constant 8.000000e+00 : f32
        %parallel_loop3A_732 = vector.broadcast %parallel_loop3A_731 : f32 to vector<16xf32>
        %parallel_loop3A_733 = arith.mulf %parallel_loop3A_722, %parallel_loop3A_732 : vector<16xf32>
        tpu.vector_store_idx %arg11[%parallel_loop3A_730], %parallel_loop3A_733 : memref<8192xf32, #tpu.memory_space<vmem>>[vector<16xi32>], vector<16xf32>,
      } {sc.loop_unroll_factor = 4 : i64, sc.parallel_access}
      %dma_start3A_580 = arith.constant 0 : i32
      %dma_start3A_581 = arith.constant 0 : i32
      %dma_start3A_582 = tpu.memref_slice %arg11[%dma_start3A_581] : memref<8192xf32, #tpu.memory_space<vmem>> -> memref<1024xf32, #tpu.memory_space<vmem>>
      %dma_start3A_583 = arith.constant 0 : i32
      %dma_start3A_584 = tpu.memref_slice %arg4[%add3A_565, %dma_start3A_580, %add3A, %dma_start3A_583] : memref<200x8x32x1024xf32, #tpu.memory_space<hbm>> -> memref<1x1x1x1024xf32, #tpu.memory_space<hbm>>
      %dma_start3A_585 = tpu.memref_squeeze %dma_start3A_584 : memref<1x1x1x1024xf32, #tpu.memory_space<hbm>> -> memref<1024xf32, #tpu.memory_space<hbm>>
      %dma_start3A_586 = arith.constant 0 : i32
      %dma_start3A_587 = tpu.memref_slice %arg4[%add3A_565, %dma_start3A_580, %add3A, %dma_start3A_586] : memref<200x8x32x1024xf32, #tpu.memory_space<hbm>> -> memref<1x1x1x1024xf32, #tpu.memory_space<hbm>>
      %dma_start3A_588 = tpu.memref_squeeze %dma_start3A_587 : memref<1x1x1x1024xf32, #tpu.memory_space<hbm>> -> memref<1024xf32, #tpu.memory_space<hbm>>
      %dma_start3A_589 = arith.constant 0 : i32
      %dma_start3A_590 = tpu.memref_slice %arg11[%dma_start3A_589] : memref<8192xf32, #tpu.memory_space<vmem>> -> memref<1024xf32, #tpu.memory_space<vmem>>
      tpu.enqueue_dma source(%dma_start3A_590 : memref<1024xf32, #tpu.memory_space<vmem>>) target(%dma_start3A_588 : memref<1024xf32, #tpu.memory_space<hbm>>) target_semaphore(%arg17 : memref<!tpu.dma_semaphore, #tpu.memory_space<semaphore_mem>>)
      %dma_start3A_591 = arith.constant 1 : i32
      %dma_start3A_592 = arith.constant 1024 : i32
      %dma_start3A_593 = tpu.memref_slice %arg11[%dma_start3A_592] : memref<8192xf32, #tpu.memory_space<vmem>> -> memref<1024xf32, #tpu.memory_space<vmem>>
      %dma_start3A_594 = arith.constant 0 : i32
      %dma_start3A_595 = tpu.memref_slice %arg4[%add3A_565, %dma_start3A_591, %add3A, %dma_start3A_594] : memref<200x8x32x1024xf32, #tpu.memory_space<hbm>> -> memref<1x1x1x1024xf32, #tpu.memory_space<hbm>>
      %dma_start3A_596 = tpu.memref_squeeze %dma_start3A_595 : memref<1x1x1x1024xf32, #tpu.memory_space<hbm>> -> memref<1024xf32, #tpu.memory_space<hbm>>
      %dma_start3A_597 = arith.constant 0 : i32
      %dma_start3A_598 = tpu.memref_slice %arg4[%add3A_565, %dma_start3A_591, %add3A, %dma_start3A_597] : memref<200x8x32x1024xf32, #tpu.memory_space<hbm>> -> memref<1x1x1x1024xf32, #tpu.memory_space<hbm>>
      %dma_start3A_599 = tpu.memref_squeeze %dma_start3A_598 : memref<1x1x1x1024xf32, #tpu.memory_space<hbm>> -> memref<1024xf32, #tpu.memory_space<hbm>>
      %dma_start3A_600 = arith.constant 1024 : i32
      %dma_start3A_601 = tpu.memref_slice %arg11[%dma_start3A_600] : memref<8192xf32, #tpu.memory_space<vmem>> -> memref<1024xf32, #tpu.memory_space<vmem>>
      tpu.enqueue_dma source(%dma_start3A_601 : memref<1024xf32, #tpu.memory_space<vmem>>) target(%dma_start3A_599 : memref<1024xf32, #tpu.memory_space<hbm>>) target_semaphore(%arg17 : memref<!tpu.dma_semaphore, #tpu.memory_space<semaphore_mem>>)
      %dma_start3A_602 = arith.constant 2 : i32
      %dma_start3A_603 = arith.constant 2048 : i32
      %dma_start3A_604 = tpu.memref_slice %arg11[%dma_start3A_603] : memref<8192xf32, #tpu.memory_space<vmem>> -> memref<1024xf32, #tpu.memory_space<vmem>>
      %dma_start3A_605 = arith.constant 0 : i32
      %dma_start3A_606 = tpu.memref_slice %arg4[%add3A_565, %dma_start3A_602, %add3A, %dma_start3A_605] : memref<200x8x32x1024xf32, #tpu.memory_space<hbm>> -> memref<1x1x1x1024xf32, #tpu.memory_space<hbm>>
      %dma_start3A_607 = tpu.memref_squeeze %dma_start3A_606 : memref<1x1x1x1024xf32, #tpu.memory_space<hbm>> -> memref<1024xf32, #tpu.memory_space<hbm>>
      %dma_start3A_608 = arith.constant 0 : i32
      %dma_start3A_609 = tpu.memref_slice %arg4[%add3A_565, %dma_start3A_602, %add3A, %dma_start3A_608] : memref<200x8x32x1024xf32, #tpu.memory_space<hbm>> -> memref<1x1x1x1024xf32, #tpu.memory_space<hbm>>
      %dma_start3A_610 = tpu.memref_squeeze %dma_start3A_609 : memref<1x1x1x1024xf32, #tpu.memory_space<hbm>> -> memref<1024xf32, #tpu.memory_space<hbm>>
      %dma_start3A_611 = arith.constant 2048 : i32
      %dma_start3A_612 = tpu.memref_slice %arg11[%dma_start3A_611] : memref<8192xf32, #tpu.memory_space<vmem>> -> memref<1024xf32, #tpu.memory_space<vmem>>
      tpu.enqueue_dma source(%dma_start3A_612 : memref<1024xf32, #tpu.memory_space<vmem>>) target(%dma_start3A_610 : memref<1024xf32, #tpu.memory_space<hbm>>) target_semaphore(%arg17 : memref<!tpu.dma_semaphore, #tpu.memory_space<semaphore_mem>>)
      %dma_start3A_613 = arith.constant 3 : i32
      %dma_start3A_614 = arith.constant 3072 : i32
      %dma_start3A_615 = tpu.memref_slice %arg11[%dma_start3A_614] : memref<8192xf32, #tpu.memory_space<vmem>> -> memref<1024xf32, #tpu.memory_space<vmem>>
      %dma_start3A_616 = arith.constant 0 : i32
      %dma_start3A_617 = tpu.memref_slice %arg4[%add3A_565, %dma_start3A_613, %add3A, %dma_start3A_616] : memref<200x8x32x1024xf32, #tpu.memory_space<hbm>> -> memref<1x1x1x1024xf32, #tpu.memory_space<hbm>>
      %dma_start3A_618 = tpu.memref_squeeze %dma_start3A_617 : memref<1x1x1x1024xf32, #tpu.memory_space<hbm>> -> memref<1024xf32, #tpu.memory_space<hbm>>
      %dma_start3A_619 = arith.constant 0 : i32
      %dma_start3A_620 = tpu.memref_slice %arg4[%add3A_565, %dma_start3A_613, %add3A, %dma_start3A_619] : memref<200x8x32x1024xf32, #tpu.memory_space<hbm>> -> memref<1x1x1x1024xf32, #tpu.memory_space<hbm>>
      %dma_start3A_621 = tpu.memref_squeeze %dma_start3A_620 : memref<1x1x1x1024xf32, #tpu.memory_space<hbm>> -> memref<1024xf32, #tpu.memory_space<hbm>>
      %dma_start3A_622 = arith.constant 3072 : i32
      %dma_start3A_623 = tpu.memref_slice %arg11[%dma_start3A_622] : memref<8192xf32, #tpu.memory_space<vmem>> -> memref<1024xf32, #tpu.memory_space<vmem>>
      tpu.enqueue_dma source(%dma_start3A_623 : memref<1024xf32, #tpu.memory_space<vmem>>) target(%dma_start3A_621 : memref<1024xf32, #tpu.memory_space<hbm>>) target_semaphore(%arg17 : memref<!tpu.dma_semaphore, #tpu.memory_space<semaphore_mem>>)
      %dma_start3A_624 = arith.constant 4 : i32
      %dma_start3A_625 = arith.constant 4096 : i32
      %dma_start3A_626 = tpu.memref_slice %arg11[%dma_start3A_625] : memref<8192xf32, #tpu.memory_space<vmem>> -> memref<1024xf32, #tpu.memory_space<vmem>>
      %dma_start3A_627 = arith.constant 0 : i32
      %dma_start3A_628 = tpu.memref_slice %arg4[%add3A_565, %dma_start3A_624, %add3A, %dma_start3A_627] : memref<200x8x32x1024xf32, #tpu.memory_space<hbm>> -> memref<1x1x1x1024xf32, #tpu.memory_space<hbm>>
      %dma_start3A_629 = tpu.memref_squeeze %dma_start3A_628 : memref<1x1x1x1024xf32, #tpu.memory_space<hbm>> -> memref<1024xf32, #tpu.memory_space<hbm>>
      %dma_start3A_630 = arith.constant 0 : i32
      %dma_start3A_631 = tpu.memref_slice %arg4[%add3A_565, %dma_start3A_624, %add3A, %dma_start3A_630] : memref<200x8x32x1024xf32, #tpu.memory_space<hbm>> -> memref<1x1x1x1024xf32, #tpu.memory_space<hbm>>
      %dma_start3A_632 = tpu.memref_squeeze %dma_start3A_631 : memref<1x1x1x1024xf32, #tpu.memory_space<hbm>> -> memref<1024xf32, #tpu.memory_space<hbm>>
      %dma_start3A_633 = arith.constant 4096 : i32
      %dma_start3A_634 = tpu.memref_slice %arg11[%dma_start3A_633] : memref<8192xf32, #tpu.memory_space<vmem>> -> memref<1024xf32, #tpu.memory_space<vmem>>
      tpu.enqueue_dma source(%dma_start3A_634 : memref<1024xf32, #tpu.memory_space<vmem>>) target(%dma_start3A_632 : memref<1024xf32, #tpu.memory_space<hbm>>) target_semaphore(%arg17 : memref<!tpu.dma_semaphore, #tpu.memory_space<semaphore_mem>>)
      %dma_start3A_635 = arith.constant 5 : i32
      %dma_start3A_636 = arith.constant 5120 : i32
      %dma_start3A_637 = tpu.memref_slice %arg11[%dma_start3A_636] : memref<8192xf32, #tpu.memory_space<vmem>> -> memref<1024xf32, #tpu.memory_space<vmem>>
      %dma_start3A_638 = arith.constant 0 : i32
      %dma_start3A_639 = tpu.memref_slice %arg4[%add3A_565, %dma_start3A_635, %add3A, %dma_start3A_638] : memref<200x8x32x1024xf32, #tpu.memory_space<hbm>> -> memref<1x1x1x1024xf32, #tpu.memory_space<hbm>>
      %dma_start3A_640 = tpu.memref_squeeze %dma_start3A_639 : memref<1x1x1x1024xf32, #tpu.memory_space<hbm>> -> memref<1024xf32, #tpu.memory_space<hbm>>
      %dma_start3A_641 = arith.constant 0 : i32
      %dma_start3A_642 = tpu.memref_slice %arg4[%add3A_565, %dma_start3A_635, %add3A, %dma_start3A_641] : memref<200x8x32x1024xf32, #tpu.memory_space<hbm>> -> memref<1x1x1x1024xf32, #tpu.memory_space<hbm>>
      %dma_start3A_643 = tpu.memref_squeeze %dma_start3A_642 : memref<1x1x1x1024xf32, #tpu.memory_space<hbm>> -> memref<1024xf32, #tpu.memory_space<hbm>>
      %dma_start3A_644 = arith.constant 5120 : i32
      %dma_start3A_645 = tpu.memref_slice %arg11[%dma_start3A_644] : memref<8192xf32, #tpu.memory_space<vmem>> -> memref<1024xf32, #tpu.memory_space<vmem>>
      tpu.enqueue_dma source(%dma_start3A_645 : memref<1024xf32, #tpu.memory_space<vmem>>) target(%dma_start3A_643 : memref<1024xf32, #tpu.memory_space<hbm>>) target_semaphore(%arg17 : memref<!tpu.dma_semaphore, #tpu.memory_space<semaphore_mem>>)
      %dma_start3A_646 = arith.constant 6 : i32
      %dma_start3A_647 = arith.constant 6144 : i32
      %dma_start3A_648 = tpu.memref_slice %arg11[%dma_start3A_647] : memref<8192xf32, #tpu.memory_space<vmem>> -> memref<1024xf32, #tpu.memory_space<vmem>>
      %dma_start3A_649 = arith.constant 0 : i32
      %dma_start3A_650 = tpu.memref_slice %arg4[%add3A_565, %dma_start3A_646, %add3A, %dma_start3A_649] : memref<200x8x32x1024xf32, #tpu.memory_space<hbm>> -> memref<1x1x1x1024xf32, #tpu.memory_space<hbm>>
      %dma_start3A_651 = tpu.memref_squeeze %dma_start3A_650 : memref<1x1x1x1024xf32, #tpu.memory_space<hbm>> -> memref<1024xf32, #tpu.memory_space<hbm>>
      %dma_start3A_652 = arith.constant 0 : i32
      %dma_start3A_653 = tpu.memref_slice %arg4[%add3A_565, %dma_start3A_646, %add3A, %dma_start3A_652] : memref<200x8x32x1024xf32, #tpu.memory_space<hbm>> -> memref<1x1x1x1024xf32, #tpu.memory_space<hbm>>
      %dma_start3A_654 = tpu.memref_squeeze %dma_start3A_653 : memref<1x1x1x1024xf32, #tpu.memory_space<hbm>> -> memref<1024xf32, #tpu.memory_space<hbm>>
      %dma_start3A_655 = arith.constant 6144 : i32
      %dma_start3A_656 = tpu.memref_slice %arg11[%dma_start3A_655] : memref<8192xf32, #tpu.memory_space<vmem>> -> memref<1024xf32, #tpu.memory_space<vmem>>
      tpu.enqueue_dma source(%dma_start3A_656 : memref<1024xf32, #tpu.memory_space<vmem>>) target(%dma_start3A_654 : memref<1024xf32, #tpu.memory_space<hbm>>) target_semaphore(%arg17 : memref<!tpu.dma_semaphore, #tpu.memory_space<semaphore_mem>>)
      %dma_start3A_657 = arith.constant 7 : i32
      %dma_start3A_658 = arith.constant 7168 : i32
      %dma_start3A_659 = tpu.memref_slice %arg11[%dma_start3A_658] : memref<8192xf32, #tpu.memory_space<vmem>> -> memref<1024xf32, #tpu.memory_space<vmem>>
      %dma_start3A_660 = arith.constant 0 : i32
      %dma_start3A_661 = tpu.memref_slice %arg4[%add3A_565, %dma_start3A_657, %add3A, %dma_start3A_660] : memref<200x8x32x1024xf32, #tpu.memory_space<hbm>> -> memref<1x1x1x1024xf32, #tpu.memory_space<hbm>>
      %dma_start3A_662 = tpu.memref_squeeze %dma_start3A_661 : memref<1x1x1x1024xf32, #tpu.memory_space<hbm>> -> memref<1024xf32, #tpu.memory_space<hbm>>
      %dma_start3A_663 = arith.constant 0 : i32
      %dma_start3A_664 = tpu.memref_slice %arg4[%add3A_565, %dma_start3A_657, %add3A, %dma_start3A_663] : memref<200x8x32x1024xf32, #tpu.memory_space<hbm>> -> memref<1x1x1x1024xf32, #tpu.memory_space<hbm>>
      %dma_start3A_665 = tpu.memref_squeeze %dma_start3A_664 : memref<1x1x1x1024xf32, #tpu.memory_space<hbm>> -> memref<1024xf32, #tpu.memory_space<hbm>>
      %dma_start3A_666 = arith.constant 7168 : i32
      %dma_start3A_667 = tpu.memref_slice %arg11[%dma_start3A_666] : memref<8192xf32, #tpu.memory_space<vmem>> -> memref<1024xf32, #tpu.memory_space<vmem>>
      tpu.enqueue_dma source(%dma_start3A_667 : memref<1024xf32, #tpu.memory_space<vmem>>) target(%dma_start3A_665 : memref<1024xf32, #tpu.memory_space<hbm>>) target_semaphore(%arg17 : memref<!tpu.dma_semaphore, #tpu.memory_space<semaphore_mem>>)
      %add3A_668 = arith.constant 4 : i32
      %add3A_669 = arith.addi %add3A_565, %add3A_668 : i32
      %sub3A_670 = arith.constant 1 : i32
      %sub3A_671 = arith.subi %add3A_669, %sub3A_670 : i32
      %lt3A_672 = arith.constant 200 : i32
      %lt3A_673 = arith.cmpi slt, %sub3A_671, %lt3A_672 : i32
      %convert_element_type3A_674 = arith.extui %lt3A_673 : i1 to i32
      %cond3A_675 = arith.constant 0 : i32
      %cond3A_676 = arith.cmpi ne, %convert_element_type3A_674, %cond3A_675 : i32
      scf.if %cond3A_676 {
        %add3A_677 = arith.constant 4 : i32
        %add3A_678 = arith.addi %add3A_565, %add3A_677 : i32
        %sub3A_679 = arith.constant 1 : i32
        %sub3A_680 = arith.subi %add3A_678, %sub3A_679 : i32
        %dma_start3A_681 = arith.constant 0 : i32
        %dma_start3A_682 = tpu.memref_slice %arg5[%sub3A_680, %dma_start3A_681] : memref<200x128xi32, #tpu.memory_space<vmem>> -> memref<1x128xi32, #tpu.memory_space<vmem>>
        %dma_start3A_683 = tpu.memref_squeeze %dma_start3A_682 : memref<1x128xi32, #tpu.memory_space<vmem>> -> memref<128xi32, #tpu.memory_space<vmem>>
        %dma_start3A_684 = arith.constant 0 : i32
        %dma_start3A_685 = arith.constant 0 : i32
        %dma_start3A_686 = tpu.memref_slice %arg3[%dma_start3A_684, %dma_start3A_685] : memref<1000000x64xf32, #tpu.memory_space<hbm>> -> memref<1000000x64xf32, #tpu.memory_space<hbm>>
        tpu.enqueue_indirect_dma source(%dma_start3A_686 : memref<1000000x64xf32, #tpu.memory_space<hbm>>) target(%arg8 : memref<128x64xf32, #tpu.memory_space<vmem>>) offsets(%dma_start3A_683 : memref<128xi32, #tpu.memory_space<vmem>>) semaphore(%arg14 : memref<!tpu.dma_semaphore, #tpu.memory_space<semaphore_mem>>)
      } else {
      }
    }
    %scan3A_30 = arith.constant 50 : i32
    %dma_wait3A = arith.constant 0 : i32
    %dma_wait3A_31 = arith.constant 0 : i32
    %dma_wait3A_32 = arith.constant 0 : i32
    %dma_wait3A_33 = tpu.memref_slice %arg10[%dma_wait3A_32] : memref<8192xf32, #tpu.memory_space<vmem>> -> memref<1024xf32, #tpu.memory_space<vmem>>
    %dma_wait3A_34 = arith.constant 0 : i32
    %dma_wait3A_35 = tpu.memref_slice %arg4[%dma_wait3A, %dma_wait3A_31, %add3A, %dma_wait3A_34] : memref<200x8x32x1024xf32, #tpu.memory_space<hbm>> -> memref<1x1x1x1024xf32, #tpu.memory_space<hbm>>
    %dma_wait3A_36 = tpu.memref_squeeze %dma_wait3A_35 : memref<1x1x1x1024xf32, #tpu.memory_space<hbm>> -> memref<1024xf32, #tpu.memory_space<hbm>>
    %dma_wait3A_37 = arith.constant 0 : i32
    %dma_wait3A_38 = tpu.memref_slice %arg4[%dma_wait3A, %dma_wait3A_31, %add3A, %dma_wait3A_37] : memref<200x8x32x1024xf32, #tpu.memory_space<hbm>> -> memref<1x1x1x1024xf32, #tpu.memory_space<hbm>>
    %dma_wait3A_39 = tpu.memref_squeeze %dma_wait3A_38 : memref<1x1x1x1024xf32, #tpu.memory_space<hbm>> -> memref<1024xf32, #tpu.memory_space<hbm>>
    %dma_wait3A_40 = arith.constant 0 : i32
    %dma_wait3A_41 = tpu.memref_slice %arg10[%dma_wait3A_40] : memref<8192xf32, #tpu.memory_space<vmem>> -> memref<1024xf32, #tpu.memory_space<vmem>>
    tpu.wait_dma2 semaphore(%arg16 : memref<!tpu.dma_semaphore, #tpu.memory_space<semaphore_mem>>) src(%dma_wait3A_41 : memref<1024xf32, #tpu.memory_space<vmem>>) dst(%dma_wait3A_39 : memref<1024xf32, #tpu.memory_space<hbm>>)
    %dma_wait3A_42 = arith.constant 0 : i32
    %dma_wait3A_43 = arith.constant 1 : i32
    %dma_wait3A_44 = arith.constant 1024 : i32
    %dma_wait3A_45 = tpu.memref_slice %arg10[%dma_wait3A_44] : memref<8192xf32, #tpu.memory_space<vmem>> -> memref<1024xf32, #tpu.memory_space<vmem>>
    %dma_wait3A_46 = arith.constant 0 : i32
    %dma_wait3A_47 = tpu.memref_slice %arg4[%dma_wait3A_42, %dma_wait3A_43, %add3A, %dma_wait3A_46] : memref<200x8x32x1024xf32, #tpu.memory_space<hbm>> -> memref<1x1x1x1024xf32, #tpu.memory_space<hbm>>
    %dma_wait3A_48 = tpu.memref_squeeze %dma_wait3A_47 : memref<1x1x1x1024xf32, #tpu.memory_space<hbm>> -> memref<1024xf32, #tpu.memory_space<hbm>>
    %dma_wait3A_49 = arith.constant 0 : i32
    %dma_wait3A_50 = tpu.memref_slice %arg4[%dma_wait3A_42, %dma_wait3A_43, %add3A, %dma_wait3A_49] : memref<200x8x32x1024xf32, #tpu.memory_space<hbm>> -> memref<1x1x1x1024xf32, #tpu.memory_space<hbm>>
    %dma_wait3A_51 = tpu.memref_squeeze %dma_wait3A_50 : memref<1x1x1x1024xf32, #tpu.memory_space<hbm>> -> memref<1024xf32, #tpu.memory_space<hbm>>
    %dma_wait3A_52 = arith.constant 1024 : i32
    %dma_wait3A_53 = tpu.memref_slice %arg10[%dma_wait3A_52] : memref<8192xf32, #tpu.memory_space<vmem>> -> memref<1024xf32, #tpu.memory_space<vmem>>
    tpu.wait_dma2 semaphore(%arg16 : memref<!tpu.dma_semaphore, #tpu.memory_space<semaphore_mem>>) src(%dma_wait3A_53 : memref<1024xf32, #tpu.memory_space<vmem>>) dst(%dma_wait3A_51 : memref<1024xf32, #tpu.memory_space<hbm>>)
    %dma_wait3A_54 = arith.constant 0 : i32
    %dma_wait3A_55 = arith.constant 2 : i32
    %dma_wait3A_56 = arith.constant 2048 : i32
    %dma_wait3A_57 = tpu.memref_slice %arg10[%dma_wait3A_56] : memref<8192xf32, #tpu.memory_space<vmem>> -> memref<1024xf32, #tpu.memory_space<vmem>>
    %dma_wait3A_58 = arith.constant 0 : i32
    %dma_wait3A_59 = tpu.memref_slice %arg4[%dma_wait3A_54, %dma_wait3A_55, %add3A, %dma_wait3A_58] : memref<200x8x32x1024xf32, #tpu.memory_space<hbm>> -> memref<1x1x1x1024xf32, #tpu.memory_space<hbm>>
    %dma_wait3A_60 = tpu.memref_squeeze %dma_wait3A_59 : memref<1x1x1x1024xf32, #tpu.memory_space<hbm>> -> memref<1024xf32, #tpu.memory_space<hbm>>
    %dma_wait3A_61 = arith.constant 0 : i32
    %dma_wait3A_62 = tpu.memref_slice %arg4[%dma_wait3A_54, %dma_wait3A_55, %add3A, %dma_wait3A_61] : memref<200x8x32x1024xf32, #tpu.memory_space<hbm>> -> memref<1x1x1x1024xf32, #tpu.memory_space<hbm>>
    %dma_wait3A_63 = tpu.memref_squeeze %dma_wait3A_62 : memref<1x1x1x1024xf32, #tpu.memory_space<hbm>> -> memref<1024xf32, #tpu.memory_space<hbm>>
    %dma_wait3A_64 = arith.constant 2048 : i32
    %dma_wait3A_65 = tpu.memref_slice %arg10[%dma_wait3A_64] : memref<8192xf32, #tpu.memory_space<vmem>> -> memref<1024xf32, #tpu.memory_space<vmem>>
    tpu.wait_dma2 semaphore(%arg16 : memref<!tpu.dma_semaphore, #tpu.memory_space<semaphore_mem>>) src(%dma_wait3A_65 : memref<1024xf32, #tpu.memory_space<vmem>>) dst(%dma_wait3A_63 : memref<1024xf32, #tpu.memory_space<hbm>>)
    %dma_wait3A_66 = arith.constant 0 : i32
    %dma_wait3A_67 = arith.constant 3 : i32
    %dma_wait3A_68 = arith.constant 3072 : i32
    %dma_wait3A_69 = tpu.memref_slice %arg10[%dma_wait3A_68] : memref<8192xf32, #tpu.memory_space<vmem>> -> memref<1024xf32, #tpu.memory_space<vmem>>
    %dma_wait3A_70 = arith.constant 0 : i32
    %dma_wait3A_71 = tpu.memref_slice %arg4[%dma_wait3A_66, %dma_wait3A_67, %add3A, %dma_wait3A_70] : memref<200x8x32x1024xf32, #tpu.memory_space<hbm>> -> memref<1x1x1x1024xf32, #tpu.memory_space<hbm>>
    %dma_wait3A_72 = tpu.memref_squeeze %dma_wait3A_71 : memref<1x1x1x1024xf32, #tpu.memory_space<hbm>> -> memref<1024xf32, #tpu.memory_space<hbm>>
    %dma_wait3A_73 = arith.constant 0 : i32
    %dma_wait3A_74 = tpu.memref_slice %arg4[%dma_wait3A_66, %dma_wait3A_67, %add3A, %dma_wait3A_73] : memref<200x8x32x1024xf32, #tpu.memory_space<hbm>> -> memref<1x1x1x1024xf32, #tpu.memory_space<hbm>>
    %dma_wait3A_75 = tpu.memref_squeeze %dma_wait3A_74 : memref<1x1x1x1024xf32, #tpu.memory_space<hbm>> -> memref<1024xf32, #tpu.memory_space<hbm>>
    %dma_wait3A_76 = arith.constant 3072 : i32
    %dma_wait3A_77 = tpu.memref_slice %arg10[%dma_wait3A_76] : memref<8192xf32, #tpu.memory_space<vmem>> -> memref<1024xf32, #tpu.memory_space<vmem>>
    tpu.wait_dma2 semaphore(%arg16 : memref<!tpu.dma_semaphore, #tpu.memory_space<semaphore_mem>>) src(%dma_wait3A_77 : memref<1024xf32, #tpu.memory_space<vmem>>) dst(%dma_wait3A_75 : memref<1024xf32, #tpu.memory_space<hbm>>)
    %dma_wait3A_78 = arith.constant 0 : i32
    %dma_wait3A_79 = arith.constant 4 : i32
    %dma_wait3A_80 = arith.constant 4096 : i32
    %dma_wait3A_81 = tpu.memref_slice %arg10[%dma_wait3A_80] : memref<8192xf32, #tpu.memory_space<vmem>> -> memref<1024xf32, #tpu.memory_space<vmem>>
    %dma_wait3A_82 = arith.constant 0 : i32
    %dma_wait3A_83 = tpu.memref_slice %arg4[%dma_wait3A_78, %dma_wait3A_79, %add3A, %dma_wait3A_82] : memref<200x8x32x1024xf32, #tpu.memory_space<hbm>> -> memref<1x1x1x1024xf32, #tpu.memory_space<hbm>>
    %dma_wait3A_84 = tpu.memref_squeeze %dma_wait3A_83 : memref<1x1x1x1024xf32, #tpu.memory_space<hbm>> -> memref<1024xf32, #tpu.memory_space<hbm>>
    %dma_wait3A_85 = arith.constant 0 : i32
    %dma_wait3A_86 = tpu.memref_slice %arg4[%dma_wait3A_78, %dma_wait3A_79, %add3A, %dma_wait3A_85] : memref<200x8x32x1024xf32, #tpu.memory_space<hbm>> -> memref<1x1x1x1024xf32, #tpu.memory_space<hbm>>
    %dma_wait3A_87 = tpu.memref_squeeze %dma_wait3A_86 : memref<1x1x1x1024xf32, #tpu.memory_space<hbm>> -> memref<1024xf32, #tpu.memory_space<hbm>>
    %dma_wait3A_88 = arith.constant 4096 : i32
    %dma_wait3A_89 = tpu.memref_slice %arg10[%dma_wait3A_88] : memref<8192xf32, #tpu.memory_space<vmem>> -> memref<1024xf32, #tpu.memory_space<vmem>>
    tpu.wait_dma2 semaphore(%arg16 : memref<!tpu.dma_semaphore, #tpu.memory_space<semaphore_mem>>) src(%dma_wait3A_89 : memref<1024xf32, #tpu.memory_space<vmem>>) dst(%dma_wait3A_87 : memref<1024xf32, #tpu.memory_space<hbm>>)
    %dma_wait3A_90 = arith.constant 0 : i32
    %dma_wait3A_91 = arith.constant 5 : i32
    %dma_wait3A_92 = arith.constant 5120 : i32
    %dma_wait3A_93 = tpu.memref_slice %arg10[%dma_wait3A_92] : memref<8192xf32, #tpu.memory_space<vmem>> -> memref<1024xf32, #tpu.memory_space<vmem>>
    %dma_wait3A_94 = arith.constant 0 : i32
    %dma_wait3A_95 = tpu.memref_slice %arg4[%dma_wait3A_90, %dma_wait3A_91, %add3A, %dma_wait3A_94] : memref<200x8x32x1024xf32, #tpu.memory_space<hbm>> -> memref<1x1x1x1024xf32, #tpu.memory_space<hbm>>
    %dma_wait3A_96 = tpu.memref_squeeze %dma_wait3A_95 : memref<1x1x1x1024xf32, #tpu.memory_space<hbm>> -> memref<1024xf32, #tpu.memory_space<hbm>>
    %dma_wait3A_97 = arith.constant 0 : i32
    %dma_wait3A_98 = tpu.memref_slice %arg4[%dma_wait3A_90, %dma_wait3A_91, %add3A, %dma_wait3A_97] : memref<200x8x32x1024xf32, #tpu.memory_space<hbm>> -> memref<1x1x1x1024xf32, #tpu.memory_space<hbm>>
    %dma_wait3A_99 = tpu.memref_squeeze %dma_wait3A_98 : memref<1x1x1x1024xf32, #tpu.memory_space<hbm>> -> memref<1024xf32, #tpu.memory_space<hbm>>
    %dma_wait3A_100 = arith.constant 5120 : i32
    %dma_wait3A_101 = tpu.memref_slice %arg10[%dma_wait3A_100] : memref<8192xf32, #tpu.memory_space<vmem>> -> memref<1024xf32, #tpu.memory_space<vmem>>
    tpu.wait_dma2 semaphore(%arg16 : memref<!tpu.dma_semaphore, #tpu.memory_space<semaphore_mem>>) src(%dma_wait3A_101 : memref<1024xf32, #tpu.memory_space<vmem>>) dst(%dma_wait3A_99 : memref<1024xf32, #tpu.memory_space<hbm>>)
    %dma_wait3A_102 = arith.constant 0 : i32
    %dma_wait3A_103 = arith.constant 6 : i32
    %dma_wait3A_104 = arith.constant 6144 : i32
    %dma_wait3A_105 = tpu.memref_slice %arg10[%dma_wait3A_104] : memref<8192xf32, #tpu.memory_space<vmem>> -> memref<1024xf32, #tpu.memory_space<vmem>>
    %dma_wait3A_106 = arith.constant 0 : i32
    %dma_wait3A_107 = tpu.memref_slice %arg4[%dma_wait3A_102, %dma_wait3A_103, %add3A, %dma_wait3A_106] : memref<200x8x32x1024xf32, #tpu.memory_space<hbm>> -> memref<1x1x1x1024xf32, #tpu.memory_space<hbm>>
    %dma_wait3A_108 = tpu.memref_squeeze %dma_wait3A_107 : memref<1x1x1x1024xf32, #tpu.memory_space<hbm>> -> memref<1024xf32, #tpu.memory_space<hbm>>
    %dma_wait3A_109 = arith.constant 0 : i32
    %dma_wait3A_110 = tpu.memref_slice %arg4[%dma_wait3A_102, %dma_wait3A_103, %add3A, %dma_wait3A_109] : memref<200x8x32x1024xf32, #tpu.memory_space<hbm>> -> memref<1x1x1x1024xf32, #tpu.memory_space<hbm>>
    %dma_wait3A_111 = tpu.memref_squeeze %dma_wait3A_110 : memref<1x1x1x1024xf32, #tpu.memory_space<hbm>> -> memref<1024xf32, #tpu.memory_space<hbm>>
    %dma_wait3A_112 = arith.constant 6144 : i32
    %dma_wait3A_113 = tpu.memref_slice %arg10[%dma_wait3A_112] : memref<8192xf32, #tpu.memory_space<vmem>> -> memref<1024xf32, #tpu.memory_space<vmem>>
    tpu.wait_dma2 semaphore(%arg16 : memref<!tpu.dma_semaphore, #tpu.memory_space<semaphore_mem>>) src(%dma_wait3A_113 : memref<1024xf32, #tpu.memory_space<vmem>>) dst(%dma_wait3A_111 : memref<1024xf32, #tpu.memory_space<hbm>>)
    %dma_wait3A_114 = arith.constant 0 : i32
    %dma_wait3A_115 = arith.constant 7 : i32
    %dma_wait3A_116 = arith.constant 7168 : i32
    %dma_wait3A_117 = tpu.memref_slice %arg10[%dma_wait3A_116] : memref<8192xf32, #tpu.memory_space<vmem>> -> memref<1024xf32, #tpu.memory_space<vmem>>
    %dma_wait3A_118 = arith.constant 0 : i32
    %dma_wait3A_119 = tpu.memref_slice %arg4[%dma_wait3A_114, %dma_wait3A_115, %add3A, %dma_wait3A_118] : memref<200x8x32x1024xf32, #tpu.memory_space<hbm>> -> memref<1x1x1x1024xf32, #tpu.memory_space<hbm>>
    %dma_wait3A_120 = tpu.memref_squeeze %dma_wait3A_119 : memref<1x1x1x1024xf32, #tpu.memory_space<hbm>> -> memref<1024xf32, #tpu.memory_space<hbm>>
    %dma_wait3A_121 = arith.constant 0 : i32
    %dma_wait3A_122 = tpu.memref_slice %arg4[%dma_wait3A_114, %dma_wait3A_115, %add3A, %dma_wait3A_121] : memref<200x8x32x1024xf32, #tpu.memory_space<hbm>> -> memref<1x1x1x1024xf32, #tpu.memory_space<hbm>>
    %dma_wait3A_123 = tpu.memref_squeeze %dma_wait3A_122 : memref<1x1x1x1024xf32, #tpu.memory_space<hbm>> -> memref<1024xf32, #tpu.memory_space<hbm>>
    %dma_wait3A_124 = arith.constant 7168 : i32
    %dma_wait3A_125 = tpu.memref_slice %arg10[%dma_wait3A_124] : memref<8192xf32, #tpu.memory_space<vmem>> -> memref<1024xf32, #tpu.memory_space<vmem>>
    tpu.wait_dma2 semaphore(%arg16 : memref<!tpu.dma_semaphore, #tpu.memory_space<semaphore_mem>>) src(%dma_wait3A_125 : memref<1024xf32, #tpu.memory_space<vmem>>) dst(%dma_wait3A_123 : memref<1024xf32, #tpu.memory_space<hbm>>)
    %dma_wait3A_126 = arith.constant 0 : i32
    %dma_wait3A_127 = arith.constant 0 : i32
    %dma_wait3A_128 = arith.constant 0 : i32
    %dma_wait3A_129 = tpu.memref_slice %arg11[%dma_wait3A_128] : memref<8192xf32, #tpu.memory_space<vmem>> -> memref<1024xf32, #tpu.memory_space<vmem>>
    %dma_wait3A_130 = arith.constant 0 : i32
    %dma_wait3A_131 = tpu.memref_slice %arg4[%dma_wait3A_126, %dma_wait3A_127, %add3A, %dma_wait3A_130] : memref<200x8x32x1024xf32, #tpu.memory_space<hbm>> -> memref<1x1x1x1024xf32, #tpu.memory_space<hbm>>
    %dma_wait3A_132 = tpu.memref_squeeze %dma_wait3A_131 : memref<1x1x1x1024xf32, #tpu.memory_space<hbm>> -> memref<1024xf32, #tpu.memory_space<hbm>>
    %dma_wait3A_133 = arith.constant 0 : i32
    %dma_wait3A_134 = tpu.memref_slice %arg4[%dma_wait3A_126, %dma_wait3A_127, %add3A, %dma_wait3A_133] : memref<200x8x32x1024xf32, #tpu.memory_space<hbm>> -> memref<1x1x1x1024xf32, #tpu.memory_space<hbm>>
    %dma_wait3A_135 = tpu.memref_squeeze %dma_wait3A_134 : memref<1x1x1x1024xf32, #tpu.memory_space<hbm>> -> memref<1024xf32, #tpu.memory_space<hbm>>
    %dma_wait3A_136 = arith.constant 0 : i32
    %dma_wait3A_137 = tpu.memref_slice %arg11[%dma_wait3A_136] : memref<8192xf32, #tpu.memory_space<vmem>> -> memref<1024xf32, #tpu.memory_space<vmem>>
    tpu.wait_dma2 semaphore(%arg17 : memref<!tpu.dma_semaphore, #tpu.memory_space<semaphore_mem>>) src(%dma_wait3A_137 : memref<1024xf32, #tpu.memory_space<vmem>>) dst(%dma_wait3A_135 : memref<1024xf32, #tpu.memory_space<hbm>>)
    %dma_wait3A_138 = arith.constant 0 : i32
    %dma_wait3A_139 = arith.constant 1 : i32
    %dma_wait3A_140 = arith.constant 1024 : i32
    %dma_wait3A_141 = tpu.memref_slice %arg11[%dma_wait3A_140] : memref<8192xf32, #tpu.memory_space<vmem>> -> memref<1024xf32, #tpu.memory_space<vmem>>
    %dma_wait3A_142 = arith.constant 0 : i32
    %dma_wait3A_143 = tpu.memref_slice %arg4[%dma_wait3A_138, %dma_wait3A_139, %add3A, %dma_wait3A_142] : memref<200x8x32x1024xf32, #tpu.memory_space<hbm>> -> memref<1x1x1x1024xf32, #tpu.memory_space<hbm>>
    %dma_wait3A_144 = tpu.memref_squeeze %dma_wait3A_143 : memref<1x1x1x1024xf32, #tpu.memory_space<hbm>> -> memref<1024xf32, #tpu.memory_space<hbm>>
    %dma_wait3A_145 = arith.constant 0 : i32
    %dma_wait3A_146 = tpu.memref_slice %arg4[%dma_wait3A_138, %dma_wait3A_139, %add3A, %dma_wait3A_145] : memref<200x8x32x1024xf32, #tpu.memory_space<hbm>> -> memref<1x1x1x1024xf32, #tpu.memory_space<hbm>>
    %dma_wait3A_147 = tpu.memref_squeeze %dma_wait3A_146 : memref<1x1x1x1024xf32, #tpu.memory_space<hbm>> -> memref<1024xf32, #tpu.memory_space<hbm>>
    %dma_wait3A_148 = arith.constant 1024 : i32
    %dma_wait3A_149 = tpu.memref_slice %arg11[%dma_wait3A_148] : memref<8192xf32, #tpu.memory_space<vmem>> -> memref<1024xf32, #tpu.memory_space<vmem>>
    tpu.wait_dma2 semaphore(%arg17 : memref<!tpu.dma_semaphore, #tpu.memory_space<semaphore_mem>>) src(%dma_wait3A_149 : memref<1024xf32, #tpu.memory_space<vmem>>) dst(%dma_wait3A_147 : memref<1024xf32, #tpu.memory_space<hbm>>)
    %dma_wait3A_150 = arith.constant 0 : i32
    %dma_wait3A_151 = arith.constant 2 : i32
    %dma_wait3A_152 = arith.constant 2048 : i32
    %dma_wait3A_153 = tpu.memref_slice %arg11[%dma_wait3A_152] : memref<8192xf32, #tpu.memory_space<vmem>> -> memref<1024xf32, #tpu.memory_space<vmem>>
    %dma_wait3A_154 = arith.constant 0 : i32
    %dma_wait3A_155 = tpu.memref_slice %arg4[%dma_wait3A_150, %dma_wait3A_151, %add3A, %dma_wait3A_154] : memref<200x8x32x1024xf32, #tpu.memory_space<hbm>> -> memref<1x1x1x1024xf32, #tpu.memory_space<hbm>>
    %dma_wait3A_156 = tpu.memref_squeeze %dma_wait3A_155 : memref<1x1x1x1024xf32, #tpu.memory_space<hbm>> -> memref<1024xf32, #tpu.memory_space<hbm>>
    %dma_wait3A_157 = arith.constant 0 : i32
    %dma_wait3A_158 = tpu.memref_slice %arg4[%dma_wait3A_150, %dma_wait3A_151, %add3A, %dma_wait3A_157] : memref<200x8x32x1024xf32, #tpu.memory_space<hbm>> -> memref<1x1x1x1024xf32, #tpu.memory_space<hbm>>
    %dma_wait3A_159 = tpu.memref_squeeze %dma_wait3A_158 : memref<1x1x1x1024xf32, #tpu.memory_space<hbm>> -> memref<1024xf32, #tpu.memory_space<hbm>>
    %dma_wait3A_160 = arith.constant 2048 : i32
    %dma_wait3A_161 = tpu.memref_slice %arg11[%dma_wait3A_160] : memref<8192xf32, #tpu.memory_space<vmem>> -> memref<1024xf32, #tpu.memory_space<vmem>>
    tpu.wait_dma2 semaphore(%arg17 : memref<!tpu.dma_semaphore, #tpu.memory_space<semaphore_mem>>) src(%dma_wait3A_161 : memref<1024xf32, #tpu.memory_space<vmem>>) dst(%dma_wait3A_159 : memref<1024xf32, #tpu.memory_space<hbm>>)
    %dma_wait3A_162 = arith.constant 0 : i32
    %dma_wait3A_163 = arith.constant 3 : i32
    %dma_wait3A_164 = arith.constant 3072 : i32
    %dma_wait3A_165 = tpu.memref_slice %arg11[%dma_wait3A_164] : memref<8192xf32, #tpu.memory_space<vmem>> -> memref<1024xf32, #tpu.memory_space<vmem>>
    %dma_wait3A_166 = arith.constant 0 : i32
    %dma_wait3A_167 = tpu.memref_slice %arg4[%dma_wait3A_162, %dma_wait3A_163, %add3A, %dma_wait3A_166] : memref<200x8x32x1024xf32, #tpu.memory_space<hbm>> -> memref<1x1x1x1024xf32, #tpu.memory_space<hbm>>
    %dma_wait3A_168 = tpu.memref_squeeze %dma_wait3A_167 : memref<1x1x1x1024xf32, #tpu.memory_space<hbm>> -> memref<1024xf32, #tpu.memory_space<hbm>>
    %dma_wait3A_169 = arith.constant 0 : i32
    %dma_wait3A_170 = tpu.memref_slice %arg4[%dma_wait3A_162, %dma_wait3A_163, %add3A, %dma_wait3A_169] : memref<200x8x32x1024xf32, #tpu.memory_space<hbm>> -> memref<1x1x1x1024xf32, #tpu.memory_space<hbm>>
    %dma_wait3A_171 = tpu.memref_squeeze %dma_wait3A_170 : memref<1x1x1x1024xf32, #tpu.memory_space<hbm>> -> memref<1024xf32, #tpu.memory_space<hbm>>
    %dma_wait3A_172 = arith.constant 3072 : i32
    %dma_wait3A_173 = tpu.memref_slice %arg11[%dma_wait3A_172] : memref<8192xf32, #tpu.memory_space<vmem>> -> memref<1024xf32, #tpu.memory_space<vmem>>
    tpu.wait_dma2 semaphore(%arg17 : memref<!tpu.dma_semaphore, #tpu.memory_space<semaphore_mem>>) src(%dma_wait3A_173 : memref<1024xf32, #tpu.memory_space<vmem>>) dst(%dma_wait3A_171 : memref<1024xf32, #tpu.memory_space<hbm>>)
    %dma_wait3A_174 = arith.constant 0 : i32
    %dma_wait3A_175 = arith.constant 4 : i32
    %dma_wait3A_176 = arith.constant 4096 : i32
    %dma_wait3A_177 = tpu.memref_slice %arg11[%dma_wait3A_176] : memref<8192xf32, #tpu.memory_space<vmem>> -> memref<1024xf32, #tpu.memory_space<vmem>>
    %dma_wait3A_178 = arith.constant 0 : i32
    %dma_wait3A_179 = tpu.memref_slice %arg4[%dma_wait3A_174, %dma_wait3A_175, %add3A, %dma_wait3A_178] : memref<200x8x32x1024xf32, #tpu.memory_space<hbm>> -> memref<1x1x1x1024xf32, #tpu.memory_space<hbm>>
    %dma_wait3A_180 = tpu.memref_squeeze %dma_wait3A_179 : memref<1x1x1x1024xf32, #tpu.memory_space<hbm>> -> memref<1024xf32, #tpu.memory_space<hbm>>
    %dma_wait3A_181 = arith.constant 0 : i32
    %dma_wait3A_182 = tpu.memref_slice %arg4[%dma_wait3A_174, %dma_wait3A_175, %add3A, %dma_wait3A_181] : memref<200x8x32x1024xf32, #tpu.memory_space<hbm>> -> memref<1x1x1x1024xf32, #tpu.memory_space<hbm>>
    %dma_wait3A_183 = tpu.memref_squeeze %dma_wait3A_182 : memref<1x1x1x1024xf32, #tpu.memory_space<hbm>> -> memref<1024xf32, #tpu.memory_space<hbm>>
    %dma_wait3A_184 = arith.constant 4096 : i32
    %dma_wait3A_185 = tpu.memref_slice %arg11[%dma_wait3A_184] : memref<8192xf32, #tpu.memory_space<vmem>> -> memref<1024xf32, #tpu.memory_space<vmem>>
    tpu.wait_dma2 semaphore(%arg17 : memref<!tpu.dma_semaphore, #tpu.memory_space<semaphore_mem>>) src(%dma_wait3A_185 : memref<1024xf32, #tpu.memory_space<vmem>>) dst(%dma_wait3A_183 : memref<1024xf32, #tpu.memory_space<hbm>>)
    %dma_wait3A_186 = arith.constant 0 : i32
    %dma_wait3A_187 = arith.constant 5 : i32
    %dma_wait3A_188 = arith.constant 5120 : i32
    %dma_wait3A_189 = tpu.memref_slice %arg11[%dma_wait3A_188] : memref<8192xf32, #tpu.memory_space<vmem>> -> memref<1024xf32, #tpu.memory_space<vmem>>
    %dma_wait3A_190 = arith.constant 0 : i32
    %dma_wait3A_191 = tpu.memref_slice %arg4[%dma_wait3A_186, %dma_wait3A_187, %add3A, %dma_wait3A_190] : memref<200x8x32x1024xf32, #tpu.memory_space<hbm>> -> memref<1x1x1x1024xf32, #tpu.memory_space<hbm>>
    %dma_wait3A_192 = tpu.memref_squeeze %dma_wait3A_191 : memref<1x1x1x1024xf32, #tpu.memory_space<hbm>> -> memref<1024xf32, #tpu.memory_space<hbm>>
    %dma_wait3A_193 = arith.constant 0 : i32
    %dma_wait3A_194 = tpu.memref_slice %arg4[%dma_wait3A_186, %dma_wait3A_187, %add3A, %dma_wait3A_193] : memref<200x8x32x1024xf32, #tpu.memory_space<hbm>> -> memref<1x1x1x1024xf32, #tpu.memory_space<hbm>>
    %dma_wait3A_195 = tpu.memref_squeeze %dma_wait3A_194 : memref<1x1x1x1024xf32, #tpu.memory_space<hbm>> -> memref<1024xf32, #tpu.memory_space<hbm>>
    %dma_wait3A_196 = arith.constant 5120 : i32
    %dma_wait3A_197 = tpu.memref_slice %arg11[%dma_wait3A_196] : memref<8192xf32, #tpu.memory_space<vmem>> -> memref<1024xf32, #tpu.memory_space<vmem>>
    tpu.wait_dma2 semaphore(%arg17 : memref<!tpu.dma_semaphore, #tpu.memory_space<semaphore_mem>>) src(%dma_wait3A_197 : memref<1024xf32, #tpu.memory_space<vmem>>) dst(%dma_wait3A_195 : memref<1024xf32, #tpu.memory_space<hbm>>)
    %dma_wait3A_198 = arith.constant 0 : i32
    %dma_wait3A_199 = arith.constant 6 : i32
    %dma_wait3A_200 = arith.constant 6144 : i32
    %dma_wait3A_201 = tpu.memref_slice %arg11[%dma_wait3A_200] : memref<8192xf32, #tpu.memory_space<vmem>> -> memref<1024xf32, #tpu.memory_space<vmem>>
    %dma_wait3A_202 = arith.constant 0 : i32
    %dma_wait3A_203 = tpu.memref_slice %arg4[%dma_wait3A_198, %dma_wait3A_199, %add3A, %dma_wait3A_202] : memref<200x8x32x1024xf32, #tpu.memory_space<hbm>> -> memref<1x1x1x1024xf32, #tpu.memory_space<hbm>>
    %dma_wait3A_204 = tpu.memref_squeeze %dma_wait3A_203 : memref<1x1x1x1024xf32, #tpu.memory_space<hbm>> -> memref<1024xf32, #tpu.memory_space<hbm>>
    %dma_wait3A_205 = arith.constant 0 : i32
    %dma_wait3A_206 = tpu.memref_slice %arg4[%dma_wait3A_198, %dma_wait3A_199, %add3A, %dma_wait3A_205] : memref<200x8x32x1024xf32, #tpu.memory_space<hbm>> -> memref<1x1x1x1024xf32, #tpu.memory_space<hbm>>
    %dma_wait3A_207 = tpu.memref_squeeze %dma_wait3A_206 : memref<1x1x1x1024xf32, #tpu.memory_space<hbm>> -> memref<1024xf32, #tpu.memory_space<hbm>>
    %dma_wait3A_208 = arith.constant 6144 : i32
    %dma_wait3A_209 = tpu.memref_slice %arg11[%dma_wait3A_208] : memref<8192xf32, #tpu.memory_space<vmem>> -> memref<1024xf32, #tpu.memory_space<vmem>>
    tpu.wait_dma2 semaphore(%arg17 : memref<!tpu.dma_semaphore, #tpu.memory_space<semaphore_mem>>) src(%dma_wait3A_209 : memref<1024xf32, #tpu.memory_space<vmem>>) dst(%dma_wait3A_207 : memref<1024xf32, #tpu.memory_space<hbm>>)
    %dma_wait3A_210 = arith.constant 0 : i32
    %dma_wait3A_211 = arith.constant 7 : i32
    %dma_wait3A_212 = arith.constant 7168 : i32
    %dma_wait3A_213 = tpu.memref_slice %arg11[%dma_wait3A_212] : memref<8192xf32, #tpu.memory_space<vmem>> -> memref<1024xf32, #tpu.memory_space<vmem>>
    %dma_wait3A_214 = arith.constant 0 : i32
    %dma_wait3A_215 = tpu.memref_slice %arg4[%dma_wait3A_210, %dma_wait3A_211, %add3A, %dma_wait3A_214] : memref<200x8x32x1024xf32, #tpu.memory_space<hbm>> -> memref<1x1x1x1024xf32, #tpu.memory_space<hbm>>
    %dma_wait3A_216 = tpu.memref_squeeze %dma_wait3A_215 : memref<1x1x1x1024xf32, #tpu.memory_space<hbm>> -> memref<1024xf32, #tpu.memory_space<hbm>>
    %dma_wait3A_217 = arith.constant 0 : i32
    %dma_wait3A_218 = tpu.memref_slice %arg4[%dma_wait3A_210, %dma_wait3A_211, %add3A, %dma_wait3A_217] : memref<200x8x32x1024xf32, #tpu.memory_space<hbm>> -> memref<1x1x1x1024xf32, #tpu.memory_space<hbm>>
    %dma_wait3A_219 = tpu.memref_squeeze %dma_wait3A_218 : memref<1x1x1x1024xf32, #tpu.memory_space<hbm>> -> memref<1024xf32, #tpu.memory_space<hbm>>
    %dma_wait3A_220 = arith.constant 7168 : i32
    %dma_wait3A_221 = tpu.memref_slice %arg11[%dma_wait3A_220] : memref<8192xf32, #tpu.memory_space<vmem>> -> memref<1024xf32, #tpu.memory_space<vmem>>
    tpu.wait_dma2 semaphore(%arg17 : memref<!tpu.dma_semaphore, #tpu.memory_space<semaphore_mem>>) src(%dma_wait3A_221 : memref<1024xf32, #tpu.memory_space<vmem>>) dst(%dma_wait3A_219 : memref<1024xf32, #tpu.memory_space<hbm>>)
    return
  }
}

</mosaic_0001>

<sc_bundles>
// kernel: _sc_embed.3.cloned.1.call-start
scs
__scs_entry_jumppad:
0x0: {  	(pc) =	sbr.rel $0x88, $3  }
0x1: {  	(tag) =	ssettag $0x0;
	lr =	simm.s32 $0x1  }
0x2: {  	[smem:$0x3F9F] =	sst lr;
	_ =	strace $0xD0000000  }
0x3: {  	_ = 	snop  }
0x4: {  	_ = 	snop  }
0x5: {  	_ = 	snop  }
0x6: {  	_ = 	snop  }
0x7: {  	_ = 	snop  }
__scs_overlays_trampoline_lowered:
0x8: {  	[smem:$0x3FAE] =	sst s0  }
0x9: {  	[smem:$0x3FAF] =	sst s1  }
0xa: {  	[smem:$0x3FB0] =	sst s2  }
0xb: {  	[smem:$0x3FB1] =	sst s3  }
0xc: {  	[smem:$0x3FB2] =	sst s4  }
0xd: {  	[smem:$0x3FB3] =	sst s5  }
0xe: {  	[smem:$0x3FB4] =	sst s6  }
0xf: {  	[smem:$0x3FB5] =	sst s7  }
0x10: {  	[smem:$0x3FB6] =	sst s8  }
0x11: {  	[smem:$0x3FB7] =	sst s9;
	s0 =	simm.s32 @!p0 $0x0  }
0x12: {  	s1 =	sld [smem:$0x3F9D];
	s0 =	simm.s32 @p0 $0x1  }
0x13: {  	[smem:$0x3FB8] =	sst s0;
	s0 =	simm.s32 @!p1 $0x0  }
0x14: {  	s2 =	sld [smem:$0x3F9C];
	s0 =	simm.s32 @p1 $0x1  }
0x15: {  	[smem:$0x3FB9] =	sst s0;
	s0 =	simm.s32 @!p2 $0x0  }
0x16: {  	s3 =	sld [smem:$0x3FDB];
	s0 =	simm.s32 @p2 $0x1  }
0x17: {  	s4 =	simm.s32 $0x1BF5;
	[smem:$0x3FBB] =	sst s0  }
0x18: {  	s0 =	sld [smem:$0x3F9E];
	_ =	swait.ge [sflag:s4], $0x0  }
0x19: {  	s7 =	sld [smem:$0x3F9F]  }
0x1a: {  	s8 =	sadd.s32 $0xFFFFE003, lr  }
0x1b: {  	s9 =	sadd.s32 $0xFFFFFEF7, lr;
	s5 =	simm.s32 $0xFFFFFFFF;
	p2 =	slt.u32 s8, $0xFFFFF086  }
0x1c: {  	p1 =	slt.u32 s9, $0xF7A;
	s5 =	simm.s32 @!p2 $0x0  }
0x1d: {  	s5 =	simm.s32 @p1 $0x1;
	p0 =	seq.s32 s7, s2  }
0x1e: {  	s7 =	smul.u32 @!p0 $0xF7A, s2;
	p2 =	seq.s32 @!p0 s5, $0x0  }
0x1f: {  	s9 =	smul.u32 $0xF7A, s1;
	s8 =	simm.s32 @!p0 $0x1BF5;
	p2 =	por !p2, p0  }
0x20: {  	[sflag:s8] =	ssyncset.s32 @!p0 $0xFFFFF086;
	s6 =	sadd.s32 @!p0 s3, s7;
	s7 =	simm.s32 @!p0 $0x108  }
0x21: {  	s3 =	sadd.s32 s3, s9;
	s6 =	sadd.s32 @!p0 $0x88, s6;
	s7 =	simm.s32 @p2 $0x1082  }
0x22: {  	[simem:s7], [sflag:s8] =	dma.local @!p0 [hbm:s6], $0xF7A  }
0x23: {  	s9 =	sor.u32 $0xD0000000, s2;
	s6 =	simm.s32 $0x108;
	_ =	swait.ge @!p0 [sflag:s8], $0x0  }
0x24: {  	s3 =	sadd.s32 $0x88, s3;
	s6 =	simm.s32 @!p1 $0x1082;
	[sflag:s4] =	ssyncset.s32 $0xFFFFF086  }
0x25: {  	[simem:s6], [sflag:s4] =	dma.local [hbm:s3], $0xF7A  }
0x26: {  	[smem:$0x3F9F] =	sst s1;
	(tag) =	ssettag s2;
	_ =	strace s9  }
0x27: {  	s1 =	sld [smem:$0x3FAF]  }
0x28: {  	s2 =	sld [smem:$0x3FB0]  }
0x29: {  	s4 =	sld [smem:$0x3FB2]  }
0x2a: {  	p0 =	seq.s32 s5, $0x0;
	s5 =	sld [smem:$0x3FB3]  }
0x2b: {  	s6 =	sld [smem:$0x3FB4]  }
0x2c: {  	s7 =	sld [smem:$0x3FB5]  }
0x2d: {  	s3 =	simm.s32 $0x108;
	s8 =	sld [smem:$0x3FB6]  }
0x2e: {  	s3 =	simm.s32 @!p0 $0x1082;
	s9 =	sld [smem:$0x3FB7]  }
0x2f: {  	lr =	sadd.s32 s0, s3;
	s0 =	sld [smem:$0x3FAE]  }
0x30: {  	s3 =	sld [smem:$0x3FB1]  }
0x31: {  	[smem:$0x3FBA] =	sst s10  }
0x32: {  	s10 =	sld [smem:$0x3FB8];
	_ =	sdelay $0x3  }
0x33: {  	p0 =	seq.s32 s10, $0x1;
	s10 =	sld [smem:$0x3FBA];
	_ =	sdelay $0x3  }
0x34: {  	[smem:$0x3FBA] =	sst s10  }
0x35: {  	s10 =	sld [smem:$0x3FB9];
	_ =	sdelay $0x3  }
0x36: {  	p1 =	seq.s32 s10, $0x1;
	s10 =	sld [smem:$0x3FBA];
	_ =	sdelay $0x3  }
0x37: {  	[smem:$0x3FBA] =	sst s10  }
0x38: {  	s10 =	sld [smem:$0x3FBB]  }
0x39: {  	_ = 	snop;
	(pc) =	sbr.ind lr, $3  }
0x3a: {  	_ = 	snop  }
0x3b: {  	_ = 	snop  }
0x3c: {  	p2 =	seq.s32 s10, $0x1;
	s10 =	sld [smem:$0x3FBA]  }
0x3d: {  	_ =	shalt  }
0x3e: {  	_ =	shalt  }
0x3f: {  	_ =	shalt  }
0x40: {  	_ =	shalt  }
0x41: {  	_ =	shalt  }
0x42: {  	_ =	shalt  }
0x43: {  	_ =	shalt  }
0x44: {  	_ =	shalt  }
0x45: {  	_ =	shalt  }
0x46: {  	_ =	shalt  }
0x47: {  	_ =	shalt  }
0x48: {  	_ =	shalt  }
0x49: {  	_ =	shalt  }
0x4a: {  	_ =	shalt  }
0x4b: {  	_ =	shalt  }
0x4c: {  	_ =	shalt  }
0x4d: {  	_ =	shalt  }
0x4e: {  	_ =	shalt  }
0x4f: {  	_ =	shalt  }
0x50: {  	_ =	shalt  }
0x51: {  	_ =	shalt  }
0x52: {  	_ =	shalt  }
0x53: {  	_ =	shalt  }
0x54: {  	_ =	shalt  }
0x55: {  	_ =	shalt  }
0x56: {  	_ =	shalt  }
0x57: {  	_ =	shalt  }
0x58: {  	_ =	shalt  }
0x59: {  	_ =	shalt  }
0x5a: {  	_ =	shalt  }
0x5b: {  	_ =	shalt  }
0x5c: {  	_ =	shalt  }
0x5d: {  	_ =	shalt  }
0x5e: {  	_ =	shalt  }
0x5f: {  	_ =	shalt  }
0x60: {  	_ =	shalt  }
0x61: {  	_ =	shalt  }
0x62: {  	_ =	shalt  }
0x63: {  	_ =	shalt  }
0x64: {  	_ =	shalt  }
0x65: {  	_ =	shalt  }
0x66: {  	_ =	shalt  }
0x67: {  	_ =	shalt  }
0x68: {  	_ =	shalt  }
0x69: {  	_ =	shalt  }
0x6a: {  	_ =	shalt  }
0x6b: {  	_ =	shalt  }
0x6c: {  	_ =	shalt  }
0x6d: {  	_ =	shalt  }
0x6e: {  	_ =	shalt  }
0x6f: {  	_ =	shalt  }
0x70: {  	_ =	shalt  }
0x71: {  	_ =	shalt  }
0x72: {  	_ =	shalt  }
0x73: {  	_ =	shalt  }
0x74: {  	_ =	shalt  }
0x75: {  	_ =	shalt  }
0x76: {  	_ =	shalt  }
0x77: {  	_ =	shalt  }
0x78: {  	_ =	shalt  }
0x79: {  	_ =	shalt  }
0x7a: {  	_ =	shalt  }
0x7b: {  	_ =	shalt  }
0x7c: {  	_ =	shalt  }
0x7d: {  	_ =	shalt  }
0x7e: {  	_ =	shalt  }
0x7f: {  	_ =	shalt  }
0x80: {  	_ =	shalt  }
0x81: {  	_ =	shalt  }
0x82: {  	_ =	shalt  }
0x83: {  	_ =	shalt  }
0x84: {  	_ =	shalt  }
0x85: {  	_ =	shalt  }
0x86: {  	_ =	shalt  }
0x87: {  	_ =	shalt  }
.Lfunc_end0:
.L_simem_size_0:
called_computation_lowered:
.L_overlay_start_0:
0x88: {  	s2 =	sld [smem:$0x3FD9]  }
0x89: {  	s3 =	sld [smem:$0x3FFE];
	_ =	sdelay $0x1  }
0x8a: {  	s1 =	srdreg.scid  }
0x8b: {  	s0 =	sand.u32 $0x1, s1  }
0x8c: {  	s17 =	sshll.u32 s0, $0xA;
	s2 =	sadd.s32 s3, s2  }
0x8d: {  	s2 =	sadd.s32 s2, s17  }
0x8e: {  	[smem:$0x3FC6] =	sst s2  }
0x8f: {  	_ = 	snop  }
0x90: {  	s2 =	sld [smem:$0x3FD0];
	(tm) =	ssettm $0x1  }
0x91: {  	s18 =	sld [smem:$0x3FFB];
	_ =	sdelay $0x3  }
0x92: {  	_ =	strace s18  }
0x93: {  	s3 =	sld [smem:$0x3FFC];
	_ =	sdelay $0x3  }
0x94: {  	_ =	strace s3  }
0x95: {  	s3 =	sld [smem:$0x3FFD];
	_ =	sdelay $0x3  }
0x96: {  	_ =	strace s3  }
0x97: {  	_ =	strace $0x8FFFFFFF  }
0x98: {  	s19 =	sld [smem:$0x3FDB];
	_ =	sdelay $0x1  }
0x99: {  	s4 =	simm.s32 $_scs_section_size  }
0x9a: {  	s5 =	simm.s32 $_size__tile_overlayer_lowered;
	s6 =	simm.s32 $_tile_overlayer_lowered  }
0x9b: {  	s22 =	simm.s32 $0x1BFF;
	s21 =	sshll.u32 s6, $0x1;
	s3 =	sadd.s32 s4, s19  }
0x9c: {  	s7 =	simm.s32 $0x0;
	s20 =	sshll.u32 s5, $0x1;
	s5 =	sadd.s32 s21, s3  }
0x9d: {  	[timem:s7], [sflag:s22] =	dma.local [hbm:s5], s20  }
0x9e: {  	_ =	swait.ge [sflag:s22], s20  }
0x9f: {  	s4 =	ssub.s32 $0x0, s20;
	[sflag:s22] =	ssyncset.done $0x0  }
0xa0: {  	[sflag:s22] =	ssyncadd.s32 s4;
	_ =	sdelay $0x1  }
0xa1: {  	s23 =	simm.s32 $0x1B8B  }
0xa2: {  	_ =	swait.ge [sflag:s23], $0x1  }
0xa3: {  	[sflag:s23] =	ssyncset.done $0x0  }
0xa4: {  	s25 =	simm.s32 $0x1B8E;
	s24 =	sld [smem:$0x3FFE];
	[sflag:s23] =	ssyncadd.s32 $0xFFFFFFFF  }
0xa5: {  	s26 =	simm.s32 $execute0_lowered;
	[smem:$0x3FD2] =	sst s25  }
0xa6: {  	s5 =	sshll.u32 s26, $0x1;
	_ =	strace $0x80000046;
	[dreg:$0x1] =	wrdreg $0xFFFFFFFF  }
0xa7: {  	s28 =	simm.s32 $_size_execute0_lowered;
	s3 =	sadd.s32 s3, s5;
	[dreg:$0x0] =	wrdreg $0x0  }
0xa8: {  	s5 =	sshll.u32 s28, $0x1;
	[dreg:$0x2] =	wrdreg s3  }
0xa9: {  	[dreg:$0x3] =	wrdreg s5  }
0xaa: {  	[dreg:$0x4] =	wrdreg $0xC0  }
0xab: {  	_ =	task [dreg:s7], $0x5FFFF  }
0xac: {  	[dreg:$0x1] =	wrdreg $0xFFFFFFFF  }
0xad: {  	[dreg:$0x0] =	wrdreg $0x60  }
0xae: {  	[dreg:$0x2] =	wrdreg s2  }
0xaf: {  	[dreg:$0x3] =	wrdreg s24  }
0xb0: {  	[dreg:$0x4] =	wrdreg $0x9  }
0xb1: {  	_ =	task.clear_ibuf [dreg:s7], $0x5FFFF;
	_ =	strace $0x90000046  }
0xb2: {  	s29 =	simm.s32 $0x9;
	_ =	strace $0x80000048  }
0xb3: {  	_ =	swait.ge [sflag:s29], $0x1  }
0xb4: {  	[sflag:s29] =	ssyncadd.s32 $0xFFFFFFFF  }
0xb5: {  	_ =	strace $0x90000048  }
0xb6: {  	_ =	sfence  }
0xb7: {  	s30 =	sld [smem:$0x0];
	_ =	sdelay $0x2  }
0xb8: {  	s31 =	sshll.u32 s1, $0xD;
	s1 =	sshrl.u32 s1, $0x2  }
0xb9: {  	s3 =	sand.u32 $0x4000, s31;
	s1 =	sadd.s32 s1, s30  }
0xba: {  	s0 =	sor.u32 s3, s0;
	s1 =	sshll.u32 s1, $0x11  }
0xbb: {  	s0 =	sor.u32 s1, s0  }
0xbc: {  	s0 =	sadd.s32 $0x8F2B, s0  }
0xbd: {  	[sflag:s0] =	ssyncadd.remote.s32 $0x1  }
0xbe: {  	_ =	sfence.sel $0xFFFF  }
0xbf: {  	[dreg:$0x0] =	wrdreg $0xFFFFFFFF;
	(pc) =	sbr.abs _section_cstart, $3  }
0xc0: {  	[dreg:$0x1] =	wrdreg $0xFFFFFFFF  }
0xc1: {  	_ =	task.clear_ibuf [dreg:s7], $0x2FFFF;
	_ =	strace $0x9FFFFFFF  }
0xc2: {  	(tm) =	ssettm $0x7FFFFFFF  }
0xc3: {  	_ =	shalt  }
tec
execute0_lowered:
.L_overlay_start_1:
0x0: {  	(tag) =	ssettag $0x1  }
0x1: {  	s0 =	rddreg [dreg:$0x0]  }
0x2: {  	s1 =	rddreg [dreg:$0x1];
	s2 =	simm.s32 $0x0  }
0x3: {  	s3 =	srdreg.scid;
	s6 =	stileid.u32;
	s30 =	simm.s32 $0x80  }
0x4: {  	s31 =	simm.s32 $0xE800;
	[smem:$0x7FF] =	sst s2;
	s28 =	sadd.s32 $0x8600, s1  }
0x5: {  	s29 =	sadd.s32 $0x9600, s1;
	_ =	strace $0x80000047;
	[dreg:$0x4] =	wrdreg s28  }
0x6: {  	s4 =	sand.u32 $0x1, s3;
	s14 =	sadd.s32 $0xA600, s1;
	[dreg:$0x5] =	wrdreg s29  }
0x7: {  	s6 =	sshll.u32 s6, $0x1;
	s15 =	sadd.s32 $0xB600, s1;
	[dreg:$0x6] =	wrdreg s14  }
0x8: {  	s3 =	sadd.s32 $0xF42A00, s1;
	s16 =	sadd.s32 $0xC600, s1;
	[dreg:$0x7] =	wrdreg s15  }
0x9: {  	s8 =	sadd.s32 $0x2600, s1;
	s17 =	sadd.s32 $0xD600, s1;
	[dreg:$0x8] =	wrdreg s16  }
0xa: {  	s9 =	sadd.s32 $0x3600, s1;
	s18 =	sadd.s32 $0xE600, s1;
	[dreg:$0x9] =	wrdreg s17  }
0xb: {  	s10 =	sadd.s32 $0x4600, s1;
	s19 =	sadd.s32 $0xF600, s1;
	[dreg:$0xa] =	wrdreg s18  }
0xc: {  	s11 =	sadd.s32 $0x5600, s1;
	s20 =	sadd.s32 $0x10600, s1;
	[dreg:$0xb] =	wrdreg s19  }
0xd: {  	s12 =	sadd.s32 $0x6600, s1;
	s21 =	sadd.s32 $0x11600, s1;
	[dreg:$0xc] =	wrdreg s20  }
0xe: {  	s13 =	sadd.s32 $0x7600, s1;
	s22 =	sadd.s32 $0x12600, s1;
	[dreg:$0xd] =	wrdreg s21  }
0xf: {  	s23 =	sadd.s32 $0x13600, s1;
	s24 =	sadd.s32 $0x14600, s1;
	[dreg:$0xe] =	wrdreg s22  }
0x10: {  	s25 =	sadd.s32 $0x15600, s1;
	s5 =	ssub.s32 $0x2, s4;
	[dreg:$0xf] =	wrdreg s23  }
0x11: {  	s6 =	sor.u32 s4, s6;
	s4 =	sadd.s32 $0x600, s1;
	[dreg:$0x10] =	wrdreg s24  }
0x12: {  	[dreg:$0x11] =	wrdreg s25;
	s28 =	sadd.s32 $0x17600, s1;
	s21 =	simm.s32 $0x10400  }
0x13: {  	s14 =	simm.s32 $0x4;
	s15 =	simm.s32 $0x6;
	s16 =	simm.s32 $0x0  }
.Ltmp0:
0x14: {  	s7 =	sshrl.u32 s5, $0x1;
	s26 =	sshll.u32 s6, $0x4;
	(pc) =	sbr.rel .LBB2_1-.Ltmp0, $4  }
0x15: {  	v0 =	vlaneseq.u32;
	s6 =	sshll.u32 s6, $0xA;
	[dreg:$0x13] =	wrdreg s28;
	s0 =	sadd.s32 s0, s26  }
0x16: {  	v0 =	vmul.u32 $0x80, v0;
	s5 =	ssub.s32 s5, s7;
	s26 =	sadd.s32 $0x16600, s1;
	[dreg:$0x3] =	wrdreg s0  }
0x17: {  	s7 =	sadd.s32 $0x1600, s1;
	[dreg:$0x12] =	wrdreg s26;
	s29 =	smax.u32 s5, $0x1  }
0x18: {  	v1 =	vor.u32 $0x800, v0;
	v2 =	vor.u32 $0x1000, v0;
	v3 =	vor.u32 $0x1800, v0;
	s1 =	simm.s32 $0xE400;
	s5 =	simm.s32 $0x5;
	[dreg:$0x14] =	wrdreg s29  }
.LBB2_12:
0x19: {  	_ =	swait.ge [sflag:s5], $0x400  }
0x1a: {  	[sflag:s5] =	ssyncset.done $0x0  }
0x1b: {  	[sflag:s5] =	ssyncadd.s32 $0xFFFFFC00  }
0x1c: {  	_ =	swait.ge [sflag:s5], $0x400  }
0x1d: {  	[sflag:s5] =	ssyncset.done $0x0  }
0x1e: {  	[sflag:s5] =	ssyncadd.s32 $0xFFFFFC00  }
0x1f: {  	_ =	swait.ge [sflag:s5], $0x400  }
0x20: {  	[sflag:s5] =	ssyncset.done $0x0  }
0x21: {  	[sflag:s5] =	ssyncadd.s32 $0xFFFFFC00  }
0x22: {  	_ =	swait.ge [sflag:s5], $0x400  }
0x23: {  	[sflag:s5] =	ssyncset.done $0x0  }
0x24: {  	[sflag:s5] =	ssyncadd.s32 $0xFFFFFC00  }
0x25: {  	_ =	swait.ge [sflag:s5], $0x400  }
0x26: {  	[sflag:s5] =	ssyncset.done $0x0  }
0x27: {  	[sflag:s5] =	ssyncadd.s32 $0xFFFFFC00  }
0x28: {  	_ =	swait.ge [sflag:s5], $0x400  }
0x29: {  	[sflag:s5] =	ssyncset.done $0x0  }
0x2a: {  	[sflag:s5] =	ssyncadd.s32 $0xFFFFFC00  }
0x2b: {  	_ =	swait.ge [sflag:s5], $0x400  }
0x2c: {  	[sflag:s5] =	ssyncset.done $0x0  }
0x2d: {  	[sflag:s5] =	ssyncadd.s32 $0xFFFFFC00  }
0x2e: {  	_ =	swait.ge [sflag:s5], $0x400  }
0x2f: {  	[sflag:s5] =	ssyncset.done $0x0  }
0x30: {  	[sflag:s5] =	ssyncadd.s32 $0xFFFFFC00  }
0x31: {  	_ =	swait.ge [sflag:s15], $0x400  }
0x32: {  	[sflag:s15] =	ssyncset.done $0x0  }
0x33: {  	[sflag:s15] =	ssyncadd.s32 $0xFFFFFC00  }
0x34: {  	_ =	swait.ge [sflag:s15], $0x400  }
0x35: {  	[sflag:s15] =	ssyncset.done $0x0  }
0x36: {  	[sflag:s15] =	ssyncadd.s32 $0xFFFFFC00  }
0x37: {  	_ =	swait.ge [sflag:s15], $0x400  }
0x38: {  	[sflag:s15] =	ssyncset.done $0x0  }
0x39: {  	[sflag:s15] =	ssyncadd.s32 $0xFFFFFC00  }
0x3a: {  	_ =	swait.ge [sflag:s15], $0x400  }
0x3b: {  	[sflag:s15] =	ssyncset.done $0x0  }
0x3c: {  	[sflag:s15] =	ssyncadd.s32 $0xFFFFFC00  }
0x3d: {  	_ =	swait.ge [sflag:s15], $0x400  }
0x3e: {  	[sflag:s15] =	ssyncset.done $0x0  }
0x3f: {  	[sflag:s15] =	ssyncadd.s32 $0xFFFFFC00  }
0x40: {  	_ =	swait.ge [sflag:s15], $0x400  }
0x41: {  	[sflag:s15] =	ssyncset.done $0x0  }
0x42: {  	[sflag:s15] =	ssyncadd.s32 $0xFFFFFC00  }
0x43: {  	_ =	swait.ge [sflag:s15], $0x400  }
0x44: {  	[sflag:s15] =	ssyncset.done $0x0  }
0x45: {  	[sflag:s15] =	ssyncadd.s32 $0xFFFFFC00  }
0x46: {  	_ =	swait.ge [sflag:s15], $0x400  }
0x47: {  	s16 =	rddreg [dreg:$0x15]  }
0x48: {  	s0 =	rddreg [dreg:$0x14];
	s16 =	sadd.s32 $0x1, s16  }
0x49: {  	p0 =	sne.s32 s16, s0  }
.Ltmp1:
0x4a: {  	_ = 	snop;
	(pc) =	sbr.rel @!p0 .LBB2_13-.Ltmp1, $3  }
0x4b: {  	_ =	sdelay $0x1  }
0x4c: {  	[sflag:s15] =	ssyncset.done $0x0  }
0x4d: {  	[sflag:s15] =	ssyncadd.s32 $0xFFFFFC00  }
.LBB2_1:
0x4e: {  	[dreg:$0x15] =	wrdreg s16  }
0x4f: {  	s0 =	rddreg [dreg:$0x3];
	s23 =	simm.s32 $0x1000;
	s24 =	simm.s32 $0x7  }
0x50: {  	[tilespmem:s2], [sflag:$0x7] =	stream.strided.gather [hbm4b:s0+s30], $0x6400, s23, s30, $0x38;
	[tilespmem:$0x12400] =	vst v63  }
0x51: {  	_ =	swait.ge [sflag:s24], $0x6400  }
0x52: {  	[sflag:s24] =	ssyncset.done $0x0  }
0x53: {  	s25 =	simm.s32 $0x6400;
	[sflag:s24] =	ssyncadd.s32 $0xFFFF9C00  }
0x54: {  	[tilespmem:s25], [sflag:$0x1] =	stream.indirect.gather [hbm4b:s3+s30], $0x40, s2, s30, $0xb8;
	[tilespmem:$0x12400] =	vst v63  }
0x55: {  	s26 =	simm.s32 $0x8400  }
0x56: {  	[tilespmem:s26], [sflag:$0x2] =	stream.indirect.gather [hbm4b:s3+s30], $0x40, s30, s30, $0xb8;
	[tilespmem:$0x12400] =	vst v63  }
0x57: {  	s28 =	simm.s32 $0x100;
	s29 =	simm.s32 $0xA400;
	s16 =	simm.s32 $0x0  }
0x58: {  	[tilespmem:s29], [sflag:$0x3] =	stream.indirect.gather [hbm4b:s3+s30], $0x40, s28, s30, $0xb8;
	[tilespmem:$0x12400] =	vst v63  }
.LBB2_2:
0x59: {  	s0 =	simm.s32 $0x1  }
0x5a: {  	_ =	swait.ge [sflag:s0], $0x2000  }
0x5b: {  	p0 =	seq.s32 s16, $0x0;
	[sflag:s0] =	ssyncset.done $0x0  }
0x5c: {  	[sflag:s0] =	ssyncadd.s32 $0xFFFFE000;
	s0 =	simm.s32 @!p0 $0x5  }
0x5d: {  	_ =	swait.ge @!p0 [sflag:s0], $0x400  }
0x5e: {  	[sflag:s0] =	ssyncset.done @!p0 $0x0  }
0x5f: {  	[sflag:s0] =	ssyncadd.s32 @!p0 $0xFFFFFC00  }
0x60: {  	_ =	swait.ge @!p0 [sflag:s0], $0x400  }
0x61: {  	[sflag:s0] =	ssyncset.done @!p0 $0x0  }
0x62: {  	[sflag:s0] =	ssyncadd.s32 @!p0 $0xFFFFFC00  }
0x63: {  	_ =	swait.ge @!p0 [sflag:s0], $0x400  }
0x64: {  	[sflag:s0] =	ssyncset.done @!p0 $0x0  }
0x65: {  	[sflag:s0] =	ssyncadd.s32 @!p0 $0xFFFFFC00  }
0x66: {  	_ =	swait.ge @!p0 [sflag:s0], $0x400  }
0x67: {  	[sflag:s0] =	ssyncset.done @!p0 $0x0  }
0x68: {  	[sflag:s0] =	ssyncadd.s32 @!p0 $0xFFFFFC00  }
0x69: {  	_ =	swait.ge @!p0 [sflag:s0], $0x400  }
0x6a: {  	[sflag:s0] =	ssyncset.done @!p0 $0x0  }
0x6b: {  	[sflag:s0] =	ssyncadd.s32 @!p0 $0xFFFFFC00  }
0x6c: {  	_ =	swait.ge @!p0 [sflag:s0], $0x400  }
0x6d: {  	[sflag:s0] =	ssyncset.done @!p0 $0x0  }
0x6e: {  	[sflag:s0] =	ssyncadd.s32 @!p0 $0xFFFFFC00  }
0x6f: {  	_ =	swait.ge @!p0 [sflag:s0], $0x400  }
0x70: {  	[sflag:s0] =	ssyncset.done @!p0 $0x0  }
0x71: {  	[sflag:s0] =	ssyncadd.s32 @!p0 $0xFFFFFC00  }
0x72: {  	_ =	swait.ge @!p0 [sflag:s0], $0x400  }
0x73: {  	[sflag:s0] =	ssyncset.done @!p0 $0x0  }
0x74: {  	s23 =	simm.s32 $0x6480;
	[sflag:s0] =	ssyncadd.s32 @!p0 $0xFFFFFC00  }
0x75: {  	v4 =	vld [tilespmem:s23+$0x40]  }
0x76: {  	s20 =	simm.s32 $0x3  }
0x77: {  	v5 =	vor.u32 s20, v0;
	_ =	sdelay $0x1  }
0x78: {  	v6 =	vld [tilespmem:s23+$0xFFFFFF80]  }
0x79: {  	s26 =	simm.s32 $0x0;
	v7 =	vld [tilespmem:s23+$0xFFFFFFC0];
	v4 =	vmul.f32 $8.000000000e+00, v4  }
0x7a: {  	s28 =	simm.s32 $0x1;
	v9 =	vor.u32 s26, v0;
	v8 =	vld [tilespmem:s23+$0x0]  }
0x7b: {  	s29 =	simm.s32 $0x2;
	v10 =	vor.u32 s28, v0;
	[tilespmem:v5+s1+$0x0] =	vst.idx.msk $0xffff, v4  }
0x7c: {  	v4 =	vor.u32 s29, v0;
	v5 =	vld [tilespmem:s23+$0x50]  }
0x7d: {  	v6 =	vmul.f32 $8.000000000e+00, v6  }
0x7e: {  	v11 =	vor.u32 s20, v1;
	v7 =	vmul.f32 $8.000000000e+00, v7  }
0x7f: {  	v8 =	vmul.f32 $8.000000000e+00, v8;
	[tilespmem:v9+s1+$0x0] =	vst.idx.msk $0xffff, v6  }
0x80: {  	[tilespmem:v10+s1+$0x0] =	vst.idx.msk $0xffff, v7;
	v6 =	vld [tilespmem:s23+$0xFFFFFF90]  }
0x81: {  	v7 =	vld [tilespmem:s23+$0xFFFFFFD0];
	[tilespmem:v4+s1+$0x0] =	vst.idx.msk $0xffff, v8;
	v4 =	vmul.f32 $8.000000000e+00, v5  }
0x82: {  	s17 =	simm.s32 $0x6580;
	v8 =	vor.u32 s26, v1;
	v5 =	vld [tilespmem:s23+$0x10]  }
0x83: {  	v9 =	vor.u32 s28, v1;
	[tilespmem:v11+s1+$0x0] =	vst.idx.msk $0xffff, v4;
	v4 =	vld [tilespmem:s17+$0x40]  }
0x84: {  	s19 =	simm.s32 $0x7;
	v10 =	vor.u32 s29, v1;
	v11 =	vld [tilespmem:s23+$0x60]  }
0x85: {  	v13 =	vor.u32 s19, v0;
	v12 =	vld [tilespmem:s17+$0xFFFFFFC0];
	v6 =	vmul.f32 $8.000000000e+00, v6  }
0x86: {  	s18 =	simm.s32 $0x5;
	v15 =	vor.u32 s20, v2;
	v14 =	vld [tilespmem:s17+$0x0];
	v7 =	vmul.f32 $8.000000000e+00, v7  }
0x87: {  	s22 =	simm.s32 $0x6;
	[tilespmem:v8+s1+$0x0] =	vst.idx.msk $0xffff, v6;
	v6 =	vld [tilespmem:s17+$0xFFFFFF80];
	v8 =	vor.u32 s18, v0;
	v5 =	vmul.f32 $8.000000000e+00, v5  }
0x88: {  	s24 =	simm.s32 $0x4;
	[tilespmem:v9+s1+$0x0] =	vst.idx.msk $0xffff, v7;
	v7 =	vor.u32 s22, v0;
	v9 =	vld [tilespmem:s23+$0xFFFFFFA0];
	v4 =	vmul.f32 $8.000000000e+00, v4  }
0x89: {  	[tilespmem:v10+s1+$0x0] =	vst.idx.msk $0xffff, v5;
	v5 =	vor.u32 s24, v0;
	v10 =	vld [tilespmem:s23+$0xFFFFFFE0];
	v11 =	vmul.f32 $8.000000000e+00, v11  }
0x8a: {  	v12 =	vmul.f32 $8.000000000e+00, v12;
	[tilespmem:v13+s1+$0x0] =	vst.idx.msk $0xffff, v4;
	v4 =	vor.u32 s26, v2;
	v13 =	vld [tilespmem:s23+$0x20]  }
0x8b: {  	v17 =	vor.u32 s28, v2;
	v14 =	vmul.f32 $8.000000000e+00, v14;
	v16 =	vld [tilespmem:s17+$0x50];
	[tilespmem:v15+s1+$0x0] =	vst.idx.msk $0xffff, v11  }
0x8c: {  	v6 =	vmul.f32 $8.000000000e+00, v6;
	[tilespmem:v8+s1+$0x0] =	vst.idx.msk $0xffff, v12;
	v8 =	vor.u32 s29, v2;
	v11 =	vld [tilespmem:s23+$0x70]  }
0x8d: {  	[tilespmem:v7+s1+$0x0] =	vst.idx.msk $0xffff, v14;
	v7 =	vor.u32 s19, v1;
	v15 =	vld [tilespmem:s17+$0xFFFFFFD0];
	v9 =	vmul.f32 $8.000000000e+00, v9  }
0x8e: {  	v14 =	vld [tilespmem:s17+$0x10];
	[tilespmem:v5+s1+$0x0] =	vst.idx.msk $0xffff, v6;
	v5 =	vmul.f32 $8.000000000e+00, v10;
	v10 =	vor.u32 s20, v3  }
0x8f: {  	v19 =	vor.u32 s18, v1;
	v18 =	vld [tilespmem:s17+$0xFFFFFF90];
	[tilespmem:v4+s1+$0x0] =	vst.idx.msk $0xffff, v9;
	v9 =	vmul.f32 $8.000000000e+00, v13  }
0x90: {  	v12 =	vor.u32 s22, v1;
	[tilespmem:v17+s1+$0x0] =	vst.idx.msk $0xffff, v5;
	v13 =	vmul.f32 $8.000000000e+00, v16;
	v6 =	vld [tilespmem:s23+$0xFFFFFFB0]  }
0x91: {  	v4 =	vld [tilespmem:s23+$0xFFFFFFF0];
	[tilespmem:v8+s1+$0x0] =	vst.idx.msk $0xffff, v9;
	v11 =	vmul.f32 $8.000000000e+00, v11;
	v9 =	vor.u32 s24, v1  }
0x92: {  	s25 =	simm.s32 $0x6680;
	v16 =	vmul.f32 $8.000000000e+00, v15;
	v8 =	vor.u32 s26, v3;
	[tilespmem:v7+s1+$0x0] =	vst.idx.msk $0xffff, v13;
	v5 =	vld [tilespmem:s23+$0x30]  }
0x93: {  	s0 =	simm.s32 $0xC;
	v15 =	vmul.f32 $8.000000000e+00, v14;
	v13 =	vld [tilespmem:s25+$0x40];
	[tilespmem:v10+s1+$0x0] =	vst.idx.msk $0xffff, v11;
	v10 =	vor.u32 s28, v3  }
0x94: {  	s26 =	simm.s32 $0x8;
	s23 =	sshll.u32 s16, $0x2;
	[tilespmem:v19+s1+$0x0] =	vst.idx.msk $0xffff, v16;
	s28 =	simm.s32 $0xB;
	v14 =	vmul.f32 $8.000000000e+00, v18;
	v7 =	vld [tilespmem:s17+$0x60];
	v11 =	vor.u32 s29, v3  }
.LBB2_3:
0x95: {  	p1 =	slt.u32 s0, $0x7C;
	v16 =	vld [tilespmem:s25+$0xFFFFFFC0];
	v17 =	vor.u32 s28, v0;
	[tilespmem:v12+s1+$0x0] =	vst.idx.msk $0xffff, v15;
	v6 =	vmul.f32 $8.000000000e+00, v6  }
0x96: {  	s29 =	sadd.s32 $0x1, s26;
	v12 =	vld [tilespmem:s25+$0x0];
	[tilespmem:v9+s1+$0x0] =	vst.idx.msk $0xffff, v14;
	v9 =	vor.u32 s19, v2;
	v4 =	vmul.f32 $8.000000000e+00, v4  }
0x97: {  	s20 =	sadd.s32 $0x2, s26;
	v15 =	vor.u32 s29, v0;
	v14 =	vld [tilespmem:s25+$0xFFFFFF80];
	[tilespmem:v8+s1+$0x0] =	vst.idx.msk $0xffff, v6;
	v5 =	vmul.f32 $8.000000000e+00, v5  }
0x98: {  	v6 =	vor.u32 s20, v0;
	v8 =	vmul.f32 $8.000000000e+00, v13;
	v13 =	vld [tilespmem:s17+$0xFFFFFFA0];
	[tilespmem:v10+s1+$0x0] =	vst.idx.msk $0xffff, v4  }
0x99: {  	v4 =	vor.u32 s26, v0;
	v10 =	vld [tilespmem:s17+$0xFFFFFFE0];
	v7 =	vmul.f32 $8.000000000e+00, v7;
	[tilespmem:v11+s1+$0x0] =	vst.idx.msk $0xffff, v5  }
0x9a: {  	v5 =	vmul.f32 $8.000000000e+00, v16;
	[tilespmem:v17+s1+$0x0] =	vst.idx.msk $0xffff, v8;
	v8 =	vor.u32 s24, v2;
	v11 =	vld [tilespmem:s17+$0x20]  }
0x9b: {  	v17 =	vor.u32 s18, v2;
	v12 =	vmul.f32 $8.000000000e+00, v12;
	v16 =	vld [tilespmem:s25+$0x50];
	[tilespmem:v9+s1+$0x0] =	vst.idx.msk $0xffff, v7  }
0x9c: {  	v7 =	vmul.f32 $8.000000000e+00, v14;
	[tilespmem:v15+s1+$0x0] =	vst.idx.msk $0xffff, v5;
	v5 =	vor.u32 s22, v2;
	v14 =	vld [tilespmem:s17+$0x70]  }
0x9d: {  	v18 =	vor.u32 s28, v1;
	v15 =	vld [tilespmem:s25+$0xFFFFFFD0];
	[tilespmem:v6+s1+$0x0] =	vst.idx.msk $0xffff, v12;
	v6 =	vmul.f32 $8.000000000e+00, v13  }
0x9e: {  	v19 =	vor.u32 s19, v3;
	s19 =	smov.u32 s28;
	[tilespmem:v4+s1+$0x0] =	vst.idx.msk $0xffff, v7;
	v7 =	vld [tilespmem:s25+$0x10];
	v4 =	vmul.f32 $8.000000000e+00, v10  }
0x9f: {  	v21 =	vor.u32 s29, v1;
	v20 =	vld [tilespmem:s25+$0xFFFFFF90];
	[tilespmem:v8+s1+$0x0] =	vst.idx.msk $0xffff, v6;
	v8 =	vmul.f32 $8.000000000e+00, v11  }
.Ltmp2:
0xa0: {  	v12 =	vor.u32 s20, v1;
	v10 =	vmul.f32 $8.000000000e+00, v16;
	v6 =	vld [tilespmem:s17+$0xFFFFFFB0];
	[tilespmem:v17+s1+$0x0] =	vst.idx.msk $0xffff, v4;
	(pc) =	sbr.rel @p1 .LBB2_3-.Ltmp2, $4  }
0xa1: {  	v9 =	vor.u32 s26, v1;
	v4 =	vld [tilespmem:s17+$0xFFFFFFF0];
	[tilespmem:v5+s1+$0x0] =	vst.idx.msk $0xffff, v8;
	v11 =	vmul.f32 $8.000000000e+00, v14  }
0xa2: {  	v8 =	vor.u32 s24, v3;
	s24 =	smov.u32 s26;
	v16 =	vmul.f32 $8.000000000e+00, v15;
	[tilespmem:v18+s1+$0x0] =	vst.idx.msk $0xffff, v10;
	v5 =	vld [tilespmem:s17+$0x30];
	s17 =	smov.u32 s25;
	s25 =	sadd.s32 $0x100, s25  }
0xa3: {  	s26 =	smov.u32 s0;
	v10 =	vor.u32 s18, v3;
	s18 =	smov.u32 s29;
	v13 =	vld [tilespmem:s25+$0x40];
	v15 =	vmul.f32 $8.000000000e+00, v7;
	[tilespmem:v19+s1+$0x0] =	vst.idx.msk $0xffff, v11  }
0xa4: {  	s0 =	sadd.s32 $0x4, s0;
	s28 =	sadd.s32 $0x3, s26;
	v11 =	vor.u32 s22, v3;
	s22 =	smov.u32 s20;
	v14 =	vmul.f32 $8.000000000e+00, v20;
	[tilespmem:v21+s1+$0x0] =	vst.idx.msk $0xffff, v16;
	v7 =	vld [tilespmem:s17+$0x60]  }
0xa5: {  	v16 =	vld [tilespmem:s25+$0xFFFFFF80]  }
0xa6: {  	v17 =	vld [tilespmem:s25+$0xFFFFFFC0];
	v18 =	vor.u32 s28, v0  }
0xa7: {  	s0 =	sadd.s32 $0x1, s26;
	v19 =	vld [tilespmem:s25+$0x0];
	v20 =	vor.u32 s26, v0  }
0xa8: {  	s29 =	sadd.s32 $0x2, s26;
	v21 =	vor.u32 s0, v0  }
0xa9: {  	v22 =	vor.u32 s29, v0;
	v13 =	vmul.f32 $8.000000000e+00, v13  }
0xaa: {  	[tilespmem:v12+s1+$0x0] =	vst.idx.msk $0xffff, v15;
	v12 =	vmul.f32 $8.000000000e+00, v16  }
0xab: {  	[tilespmem:v18+s1+$0x0] =	vst.idx.msk $0xffff, v13;
	v13 =	vmul.f32 $8.000000000e+00, v17  }
0xac: {  	v15 =	vld [tilespmem:s25+$0x50];
	[tilespmem:v20+s1+$0x0] =	vst.idx.msk $0xffff, v12;
	v12 =	vmul.f32 $8.000000000e+00, v19  }
0xad: {  	[tilespmem:v21+s1+$0x0] =	vst.idx.msk $0xffff, v13;
	v13 =	vld [tilespmem:s25+$0xFFFFFF90]  }
0xae: {  	v6 =	vmul.f32 $8.000000000e+00, v6;
	v16 =	vld [tilespmem:s25+$0xFFFFFFD0];
	[tilespmem:v22+s1+$0x0] =	vst.idx.msk $0xffff, v12;
	v12 =	vor.u32 s28, v1  }
0xaf: {  	[tilespmem:v9+s1+$0x0] =	vst.idx.msk $0xffff, v14;
	v4 =	vmul.f32 $8.000000000e+00, v4;
	v14 =	vor.u32 s26, v1;
	v9 =	vld [tilespmem:s25+$0x10]  }
0xb0: {  	[tilespmem:v8+s1+$0x0] =	vst.idx.msk $0xffff, v6;
	v5 =	vmul.f32 $8.000000000e+00, v5;
	v6 =	vor.u32 s0, v1  }
0xb1: {  	v8 =	vld [tilespmem:s17+$0xFFFFFFA0];
	[tilespmem:v10+s1+$0x0] =	vst.idx.msk $0xffff, v4;
	v4 =	vor.u32 s29, v1;
	v10 =	vmul.f32 $8.000000000e+00, v15  }
0xb2: {  	[tilespmem:v11+s1+$0x0] =	vst.idx.msk $0xffff, v5;
	v17 =	vld [tilespmem:s17+$0xFFFFFFE0];
	v15 =	vor.u32 s19, v2;
	v5 =	vmul.f32 $8.000000000e+00, v13  }
0xb3: {  	v11 =	vor.u32 s24, v2;
	v13 =	vld [tilespmem:s17+$0x20];
	v16 =	vmul.f32 $8.000000000e+00, v16;
	[tilespmem:v12+s1+$0x0] =	vst.idx.msk $0xffff, v10  }
0xb4: {  	v10 =	vor.u32 s18, v2;
	v9 =	vmul.f32 $8.000000000e+00, v9;
	v12 =	vld [tilespmem:s25+$0x60];
	[tilespmem:v14+s1+$0x0] =	vst.idx.msk $0xffff, v5  }
0xb5: {  	v5 =	vmul.f32 $8.000000000e+00, v7;
	v7 =	vor.u32 s22, v2;
	[tilespmem:v6+s1+$0x0] =	vst.idx.msk $0xffff, v16;
	v6 =	vld [tilespmem:s25+$0xFFFFFFA0]  }
0xb6: {  	v8 =	vmul.f32 $8.000000000e+00, v8;
	[tilespmem:v4+s1+$0x0] =	vst.idx.msk $0xffff, v9;
	v4 =	vor.u32 s28, v2;
	v9 =	vld [tilespmem:s25+$0xFFFFFFE0]  }
0xb7: {  	v14 =	vor.u32 s26, v2;
	[tilespmem:v15+s1+$0x0] =	vst.idx.msk $0xffff, v5;
	v5 =	vmul.f32 $8.000000000e+00, v17;
	v15 =	vld [tilespmem:s25+$0x20]  }
0xb8: {  	[tilespmem:v11+s1+$0x0] =	vst.idx.msk $0xffff, v8;
	v11 =	vor.u32 s0, v2;
	v16 =	vld [tilespmem:s17+$0x70];
	v8 =	vmul.f32 $8.000000000e+00, v13  }
0xb9: {  	v13 =	vld [tilespmem:s17+$0xFFFFFFB0];
	[tilespmem:v10+s1+$0x0] =	vst.idx.msk $0xffff, v5;
	v10 =	vor.u32 s29, v2;
	v5 =	vmul.f32 $8.000000000e+00, v12  }
0xba: {  	v12 =	vor.u32 s19, v3;
	v17 =	vld [tilespmem:s17+$0xFFFFFFF0];
	[tilespmem:v7+s1+$0x0] =	vst.idx.msk $0xffff, v8;
	v6 =	vmul.f32 $8.000000000e+00, v6  }
0xbb: {  	v7 =	vor.u32 s24, v3;
	v8 =	vld [tilespmem:s17+$0x30];
	[tilespmem:v4+s1+$0x0] =	vst.idx.msk $0xffff, v5;
	v4 =	vmul.f32 $8.000000000e+00, v9  }
0xbc: {  	v5 =	vor.u32 s18, v3;
	v9 =	vld [tilespmem:s25+$0x70];
	[tilespmem:v14+s1+$0x0] =	vst.idx.msk $0xffff, v6;
	v6 =	vmul.f32 $8.000000000e+00, v15  }
0xbd: {  	v14 =	vmul.f32 $8.000000000e+00, v16;
	v15 =	vor.u32 s22, v3;
	v16 =	vld [tilespmem:s25+$0xFFFFFFB0];
	[tilespmem:v11+s1+$0x0] =	vst.idx.msk $0xffff, v4  }
0xbe: {  	v4 =	vmul.f32 $8.000000000e+00, v13;
	v11 =	vor.u32 s28, v3;
	v13 =	vld [tilespmem:s25+$0xFFFFFFF0];
	[tilespmem:v10+s1+$0x0] =	vst.idx.msk $0xffff, v6  }
0xbf: {  	[tilespmem:v12+s1+$0x0] =	vst.idx.msk $0xffff, v14;
	v6 =	vmul.f32 $8.000000000e+00, v17;
	v10 =	vor.u32 s26, v3;
	v12 =	vld [tilespmem:s25+$0x30]  }
0xc0: {  	[tilespmem:v7+s1+$0x0] =	vst.idx.msk $0xffff, v4;
	v4 =	vmul.f32 $8.000000000e+00, v8;
	v7 =	vor.u32 s0, v3  }
0xc1: {  	[tilespmem:v5+s1+$0x0] =	vst.idx.msk $0xffff, v6;
	v6 =	vor.u32 s29, v3;
	v5 =	vmul.f32 $8.000000000e+00, v9  }
0xc2: {  	[tilespmem:v15+s1+$0x0] =	vst.idx.msk $0xffff, v4;
	v4 =	vmul.f32 $8.000000000e+00, v16  }
0xc3: {  	s25 =	sshll.u32 s16, $0x14;
	[tilespmem:v11+s1+$0x0] =	vst.idx.msk $0xffff, v5;
	v5 =	vmul.f32 $8.000000000e+00, v13  }
0xc4: {  	s0 =	sor.u32 s6, s25;
	[tilespmem:v10+s1+$0x0] =	vst.idx.msk $0xffff, v4;
	v4 =	vmul.f32 $8.000000000e+00, v12  }
0xc5: {  	s18 =	sshrl.u32 s0, $0x3;
	[tilespmem:v7+s1+$0x0] =	vst.idx.msk $0xffff, v5  }
0xc6: {  	s0 =	sadd.s32 s4, s18;
	[tilespmem:v6+s1+$0x0] =	vst.idx.msk $0xffff, v4  }
0xc7: {  	[hbm4b:s0+s2] =	stream.linear.scatter [tilespmem:s1], [sflag:$0x5], $0x400, $0x38;
	[tilespmem:$0x12400] =	vst v63  }
0xc8: {  	s26 =	sadd.s32 s18, s7  }
0xc9: {  	[hbm4b:s26+s2] =	stream.linear.scatter [tilespmem:s31], [sflag:$0x5], $0x400, $0x38;
	[tilespmem:$0x12400] =	vst v63  }
0xca: {  	s19 =	simm.s32 $0xEC00;
	s17 =	sadd.s32 s18, s8  }
0xcb: {  	[hbm4b:s17+s2] =	stream.linear.scatter [tilespmem:s19], [sflag:$0x5], $0x400, $0x38;
	[tilespmem:$0x12400] =	vst v63  }
0xcc: {  	s22 =	simm.s32 $0xF000;
	s20 =	sadd.s32 s18, s9  }
0xcd: {  	[hbm4b:s20+s2] =	stream.linear.scatter [tilespmem:s22], [sflag:$0x5], $0x400, $0x38;
	[tilespmem:$0x12400] =	vst v63  }
0xce: {  	s25 =	simm.s32 $0xF400;
	s24 =	sadd.s32 s18, s10  }
0xcf: {  	[hbm4b:s24+s2] =	stream.linear.scatter [tilespmem:s25], [sflag:$0x5], $0x400, $0x38;
	[tilespmem:$0x12400] =	vst v63  }
0xd0: {  	s26 =	sadd.s32 s18, s11;
	s31 =	simm.s32 $0xF800  }
0xd1: {  	[hbm4b:s26+s2] =	stream.linear.scatter [tilespmem:s31], [sflag:$0x5], $0x400, $0x38;
	[tilespmem:$0x12400] =	vst v63  }
0xd2: {  	s17 =	sadd.s32 s18, s12;
	s19 =	simm.s32 $0xFC00  }
0xd3: {  	[hbm4b:s17+s2] =	stream.linear.scatter [tilespmem:s19], [sflag:$0x5], $0x400, $0x38;
	[tilespmem:$0x12400] =	vst v63  }
0xd4: {  	s17 =	sor.u32 $0x3, s23  }
0xd5: {  	s20 =	sadd.s32 s18, s13;
	s22 =	simm.s32 $0x10000;
	s24 =	sshll.u32 s17, $0x7  }
0xd6: {  	[hbm4b:s20+s2] =	stream.linear.scatter [tilespmem:s22], [sflag:$0x5], $0x400, $0x38;
	[tilespmem:$0x12400] =	vst v63  }
0xd7: {  	s25 =	simm.s32 $0xC400;
	s26 =	simm.s32 $0x2;
	s0 =	sand.u32 $0x3FFFFF80, s24  }
0xd8: {  	[tilespmem:s25], [sflag:$0x4] =	stream.indirect.gather [hbm4b:s3+s30], $0x40, s0, s30, $0xb8;
	[tilespmem:$0x12400] =	vst v63  }
0xd9: {  	_ =	swait.ge [sflag:s26], $0x2000  }
0xda: {  	[sflag:s26] =	ssyncset.done $0x0  }
0xdb: {  	s0 =	simm.s32 @!p0 $0x6;
	[sflag:s26] =	ssyncadd.s32 $0xFFFFE000  }
0xdc: {  	_ =	swait.ge @!p0 [sflag:s0], $0x400  }
0xdd: {  	[sflag:s0] =	ssyncset.done @!p0 $0x0  }
0xde: {  	[sflag:s0] =	ssyncadd.s32 @!p0 $0xFFFFFC00  }
0xdf: {  	_ =	swait.ge @!p0 [sflag:s0], $0x400  }
0xe0: {  	[sflag:s0] =	ssyncset.done @!p0 $0x0  }
0xe1: {  	[sflag:s0] =	ssyncadd.s32 @!p0 $0xFFFFFC00  }
0xe2: {  	_ =	swait.ge @!p0 [sflag:s0], $0x400  }
0xe3: {  	[sflag:s0] =	ssyncset.done @!p0 $0x0  }
0xe4: {  	[sflag:s0] =	ssyncadd.s32 @!p0 $0xFFFFFC00  }
0xe5: {  	_ =	swait.ge @!p0 [sflag:s0], $0x400  }
0xe6: {  	[sflag:s0] =	ssyncset.done @!p0 $0x0  }
0xe7: {  	[sflag:s0] =	ssyncadd.s32 @!p0 $0xFFFFFC00  }
0xe8: {  	_ =	swait.ge @!p0 [sflag:s0], $0x400  }
0xe9: {  	[sflag:s0] =	ssyncset.done @!p0 $0x0  }
0xea: {  	[sflag:s0] =	ssyncadd.s32 @!p0 $0xFFFFFC00  }
0xeb: {  	_ =	swait.ge @!p0 [sflag:s0], $0x400  }
0xec: {  	[sflag:s0] =	ssyncset.done @!p0 $0x0  }
0xed: {  	[sflag:s0] =	ssyncadd.s32 @!p0 $0xFFFFFC00  }
0xee: {  	_ =	swait.ge @!p0 [sflag:s0], $0x400  }
0xef: {  	[sflag:s0] =	ssyncset.done @!p0 $0x0  }
0xf0: {  	[sflag:s0] =	ssyncadd.s32 @!p0 $0xFFFFFC00  }
0xf1: {  	_ =	swait.ge @!p0 [sflag:s0], $0x400  }
0xf2: {  	[sflag:s0] =	ssyncset.done @!p0 $0x0  }
0xf3: {  	[sflag:s0] =	ssyncadd.s32 @!p0 $0xFFFFFC00;
	s0 =	simm.s32 $0x8480  }
0xf4: {  	v4 =	vld [tilespmem:s0+$0x40]  }
0xf5: {  	s26 =	simm.s32 $0x3  }
0xf6: {  	v5 =	vor.u32 s26, v0  }
0xf7: {  	v6 =	vld [tilespmem:s0+$0xFFFFFF80]  }
0xf8: {  	s20 =	simm.s32 $0x0  }
0xf9: {  	v9 =	vor.u32 s20, v0;
	v7 =	vld [tilespmem:s0+$0xFFFFFFC0];
	v4 =	vmul.f32 $8.000000000e+00, v4  }
0xfa: {  	s29 =	simm.s32 $0x1;
	v8 =	vld [tilespmem:s0+$0x0]  }
0xfb: {  	v10 =	vor.u32 s29, v0;
	s30 =	simm.s32 $0x2;
	[tilespmem:v5+s21+$0x0] =	vst.idx.msk $0xffff, v4  }
0xfc: {  	v6 =	vmul.f32 $8.000000000e+00, v6;
	v4 =	vor.u32 s30, v0;
	v5 =	vld [tilespmem:s0+$0x50];
	_ =	sdelay $0x1  }
0xfd: {  	v11 =	vor.u32 s26, v1;
	v7 =	vmul.f32 $8.000000000e+00, v7;
	[tilespmem:v9+s21+$0x0] =	vst.idx.msk $0xffff, v6  }
0xfe: {  	v8 =	vmul.f32 $8.000000000e+00, v8;
	v6 =	vld [tilespmem:s0+$0xFFFFFF90]  }
0xff: {  	[tilespmem:v10+s21+$0x0] =	vst.idx.msk $0xffff, v7  }
0x100: {  	v7 =	vld [tilespmem:s0+$0xFFFFFFD0];
	[tilespmem:v4+s21+$0x0] =	vst.idx.msk $0xffff, v8;
	v8 =	vor.u32 s20, v1;
	v4 =	vmul.f32 $8.000000000e+00, v5  }
0x101: {  	s19 =	simm.s32 $0x8580;
	v5 =	vld [tilespmem:s0+$0x10]  }
0x102: {  	v9 =	vor.u32 s29, v1;
	[tilespmem:v11+s21+$0x0] =	vst.idx.msk $0xffff, v4;
	v4 =	vld [tilespmem:s19+$0x40]  }
0x103: {  	s23 =	simm.s32 $0x7;
	v12 =	vld [tilespmem:s19+$0xFFFFFFC0];
	v10 =	vor.u32 s30, v1;
	v6 =	vmul.f32 $8.000000000e+00, v6  }
0x104: {  	v13 =	vor.u32 s23, v0;
	s22 =	simm.s32 $0x5;
	v11 =	vld [tilespmem:s0+$0x60]  }
0x105: {  	v14 =	vld [tilespmem:s19+$0x0];
	v7 =	vmul.f32 $8.000000000e+00, v7;
	[tilespmem:v8+s21+$0x0] =	vst.idx.msk $0xffff, v6;
	v8 =	vor.u32 s22, v0  }
0x106: {  	s24 =	simm.s32 $0x6;
	v15 =	vor.u32 s26, v2;
	v6 =	vld [tilespmem:s19+$0xFFFFFF80];
	v5 =	vmul.f32 $8.000000000e+00, v5  }
0x107: {  	s25 =	simm.s32 $0x4;
	[tilespmem:v9+s21+$0x0] =	vst.idx.msk $0xffff, v7;
	v7 =	vor.u32 s24, v0;
	v9 =	vld [tilespmem:s0+$0xFFFFFFA0];
	v4 =	vmul.f32 $8.000000000e+00, v4  }
0x108: {  	v12 =	vmul.f32 $8.000000000e+00, v12;
	[tilespmem:v10+s21+$0x0] =	vst.idx.msk $0xffff, v5;
	v5 =	vor.u32 s25, v0;
	v10 =	vld [tilespmem:s0+$0xFFFFFFE0]  }
0x109: {  	v11 =	vmul.f32 $8.000000000e+00, v11;
	[tilespmem:v13+s21+$0x0] =	vst.idx.msk $0xffff, v4;
	v4 =	vor.u32 s20, v2;
	v13 =	vld [tilespmem:s0+$0x20]  }
0x10a: {  	v17 =	vor.u32 s29, v2;
	v14 =	vmul.f32 $8.000000000e+00, v14;
	[tilespmem:v8+s21+$0x0] =	vst.idx.msk $0xffff, v12;
	v16 =	vld [tilespmem:s19+$0x50]  }
0x10b: {  	v6 =	vmul.f32 $8.000000000e+00, v6;
	v8 =	vor.u32 s30, v2;
	[tilespmem:v15+s21+$0x0] =	vst.idx.msk $0xffff, v11;
	v15 =	vld [tilespmem:s19+$0xFFFFFFD0]  }
0x10c: {  	[tilespmem:v7+s21+$0x0] =	vst.idx.msk $0xffff, v14;
	v7 =	vor.u32 s23, v1;
	v9 =	vmul.f32 $8.000000000e+00, v9;
	v11 =	vld [tilespmem:s0+$0x70]  }
0x10d: {  	v63 =	vor.u32 s22, v1;
	v61 =	vld [tilespmem:s19+$0x10];
	[tilespmem:v5+s21+$0x0] =	vst.idx.msk $0xffff, v6;
	v5 =	vmul.f32 $8.000000000e+00, v10  }
0x10e: {  	v14 =	vor.u32 s26, v3;
	v62 =	vld [tilespmem:s19+$0xFFFFFF90];
	[tilespmem:v4+s21+$0x0] =	vst.idx.msk $0xffff, v9;
	v9 =	vmul.f32 $8.000000000e+00, v13  }
0x10f: {  	v12 =	vor.u32 s24, v1;
	[tilespmem:v17+s21+$0x0] =	vst.idx.msk $0xffff, v5;
	v10 =	vmul.f32 $8.000000000e+00, v16;
	v6 =	vld [tilespmem:s0+$0xFFFFFFB0]  }
0x110: {  	v4 =	vld [tilespmem:s0+$0xFFFFFFF0];
	v16 =	vmul.f32 $8.000000000e+00, v15;
	[tilespmem:v8+s21+$0x0] =	vst.idx.msk $0xffff, v9;
	v9 =	vor.u32 s25, v1  }
0x111: {  	s26 =	simm.s32 $0x8680;
	v11 =	vmul.f32 $8.000000000e+00, v11;
	v8 =	vor.u32 s20, v3;
	[tilespmem:v7+s21+$0x0] =	vst.idx.msk $0xffff, v10;
	v5 =	vld [tilespmem:s0+$0x30]  }
0x112: {  	v13 =	vld [tilespmem:s26+$0x40];
	v15 =	vmul.f32 $8.000000000e+00, v61;
	v10 =	vor.u32 s29, v3;
	[tilespmem:v63+s21+$0x0] =	vst.idx.msk $0xffff, v16  }
0x113: {  	s28 =	simm.s32 $0x8;
	s29 =	simm.s32 $0xB;
	s0 =	simm.s32 $0xC;
	[tilespmem:v14+s21+$0x0] =	vst.idx.msk $0xffff, v11;
	v11 =	vor.u32 s30, v3;
	v14 =	vmul.f32 $8.000000000e+00, v62;
	v7 =	vld [tilespmem:s19+$0x60]  }
.LBB2_5:
0x114: {  	p0 =	slt.u32 s0, $0x7C;
	v16 =	vld [tilespmem:s26+$0xFFFFFFC0];
	v17 =	vor.u32 s29, v0;
	[tilespmem:v12+s21+$0x0] =	vst.idx.msk $0xffff, v15;
	v6 =	vmul.f32 $8.000000000e+00, v6  }
0x115: {  	s30 =	sadd.s32 $0x1, s28;
	v12 =	vld [tilespmem:s26+$0x0];
	[tilespmem:v9+s21+$0x0] =	vst.idx.msk $0xffff, v14;
	v9 =	vor.u32 s23, v2;
	v4 =	vmul.f32 $8.000000000e+00, v4  }
0x116: {  	s20 =	sadd.s32 $0x2, s28;
	v15 =	vor.u32 s30, v0;
	v14 =	vld [tilespmem:s26+$0xFFFFFF80];
	[tilespmem:v8+s21+$0x0] =	vst.idx.msk $0xffff, v6;
	v5 =	vmul.f32 $8.000000000e+00, v5  }
0x117: {  	v6 =	vor.u32 s20, v0;
	v8 =	vmul.f32 $8.000000000e+00, v13;
	v13 =	vld [tilespmem:s19+$0xFFFFFFA0];
	[tilespmem:v10+s21+$0x0] =	vst.idx.msk $0xffff, v4  }
0x118: {  	v4 =	vor.u32 s28, v0;
	v10 =	vld [tilespmem:s19+$0xFFFFFFE0];
	v7 =	vmul.f32 $8.000000000e+00, v7;
	[tilespmem:v11+s21+$0x0] =	vst.idx.msk $0xffff, v5  }
0x119: {  	v5 =	vmul.f32 $8.000000000e+00, v16;
	[tilespmem:v17+s21+$0x0] =	vst.idx.msk $0xffff, v8;
	v8 =	vor.u32 s25, v2;
	v11 =	vld [tilespmem:s19+$0x20]  }
0x11a: {  	v17 =	vor.u32 s22, v2;
	v12 =	vmul.f32 $8.000000000e+00, v12;
	v16 =	vld [tilespmem:s26+$0x50];
	[tilespmem:v9+s21+$0x0] =	vst.idx.msk $0xffff, v7  }
0x11b: {  	v7 =	vmul.f32 $8.000000000e+00, v14;
	[tilespmem:v15+s21+$0x0] =	vst.idx.msk $0xffff, v5;
	v5 =	vor.u32 s24, v2;
	v14 =	vld [tilespmem:s19+$0x70]  }
0x11c: {  	v18 =	vor.u32 s29, v1;
	v15 =	vld [tilespmem:s26+$0xFFFFFFD0];
	[tilespmem:v6+s21+$0x0] =	vst.idx.msk $0xffff, v12;
	v6 =	vmul.f32 $8.000000000e+00, v13  }
0x11d: {  	v19 =	vor.u32 s23, v3;
	s23 =	smov.u32 s29;
	[tilespmem:v4+s21+$0x0] =	vst.idx.msk $0xffff, v7;
	v7 =	vld [tilespmem:s26+$0x10];
	v4 =	vmul.f32 $8.000000000e+00, v10  }
0x11e: {  	v21 =	vor.u32 s30, v1;
	v20 =	vld [tilespmem:s26+$0xFFFFFF90];
	[tilespmem:v8+s21+$0x0] =	vst.idx.msk $0xffff, v6;
	v8 =	vmul.f32 $8.000000000e+00, v11  }
.Ltmp3:
0x11f: {  	v12 =	vor.u32 s20, v1;
	v10 =	vmul.f32 $8.000000000e+00, v16;
	v6 =	vld [tilespmem:s19+$0xFFFFFFB0];
	[tilespmem:v17+s21+$0x0] =	vst.idx.msk $0xffff, v4;
	(pc) =	sbr.rel @p0 .LBB2_5-.Ltmp3, $4  }
0x120: {  	v9 =	vor.u32 s28, v1;
	v4 =	vld [tilespmem:s19+$0xFFFFFFF0];
	[tilespmem:v5+s21+$0x0] =	vst.idx.msk $0xffff, v8;
	v11 =	vmul.f32 $8.000000000e+00, v14  }
0x121: {  	v8 =	vor.u32 s25, v3;
	s25 =	smov.u32 s28;
	v16 =	vmul.f32 $8.000000000e+00, v15;
	[tilespmem:v18+s21+$0x0] =	vst.idx.msk $0xffff, v10;
	v5 =	vld [tilespmem:s19+$0x30];
	s19 =	smov.u32 s26;
	s26 =	sadd.s32 $0x100, s26  }
0x122: {  	s28 =	smov.u32 s0;
	v10 =	vor.u32 s22, v3;
	s22 =	smov.u32 s30;
	v13 =	vld [tilespmem:s26+$0x40];
	v15 =	vmul.f32 $8.000000000e+00, v7;
	[tilespmem:v19+s21+$0x0] =	vst.idx.msk $0xffff, v11  }
0x123: {  	s0 =	sadd.s32 $0x4, s0;
	s29 =	sadd.s32 $0x3, s28;
	v11 =	vor.u32 s24, v3;
	s24 =	smov.u32 s20;
	v14 =	vmul.f32 $8.000000000e+00, v20;
	[tilespmem:v21+s21+$0x0] =	vst.idx.msk $0xffff, v16;
	v7 =	vld [tilespmem:s19+$0x60]  }
0x124: {  	v16 =	vld [tilespmem:s26+$0xFFFFFF80]  }
0x125: {  	v17 =	vld [tilespmem:s26+$0xFFFFFFC0];
	v18 =	vor.u32 s29, v0  }
0x126: {  	s0 =	sadd.s32 $0x1, s28;
	v19 =	vld [tilespmem:s26+$0x0];
	v20 =	vor.u32 s28, v0  }
0x127: {  	s31 =	sadd.s32 $0x2, s28;
	v21 =	vor.u32 s0, v0  }
0x128: {  	v22 =	vor.u32 s31, v0;
	v13 =	vmul.f32 $8.000000000e+00, v13  }
0x129: {  	[tilespmem:v12+s21+$0x0] =	vst.idx.msk $0xffff, v15;
	v12 =	vmul.f32 $8.000000000e+00, v16  }
0x12a: {  	[tilespmem:v18+s21+$0x0] =	vst.idx.msk $0xffff, v13;
	v13 =	vmul.f32 $8.000000000e+00, v17  }
0x12b: {  	v15 =	vld [tilespmem:s26+$0x50];
	[tilespmem:v20+s21+$0x0] =	vst.idx.msk $0xffff, v12;
	v12 =	vmul.f32 $8.000000000e+00, v19  }
0x12c: {  	[tilespmem:v21+s21+$0x0] =	vst.idx.msk $0xffff, v13;
	v13 =	vld [tilespmem:s26+$0xFFFFFF90]  }
0x12d: {  	v6 =	vmul.f32 $8.000000000e+00, v6;
	v16 =	vld [tilespmem:s26+$0xFFFFFFD0];
	[tilespmem:v22+s21+$0x0] =	vst.idx.msk $0xffff, v12;
	v12 =	vor.u32 s29, v1  }
0x12e: {  	[tilespmem:v9+s21+$0x0] =	vst.idx.msk $0xffff, v14;
	v4 =	vmul.f32 $8.000000000e+00, v4;
	v14 =	vor.u32 s28, v1;
	v9 =	vld [tilespmem:s26+$0x10]  }
0x12f: {  	[tilespmem:v8+s21+$0x0] =	vst.idx.msk $0xffff, v6;
	v5 =	vmul.f32 $8.000000000e+00, v5;
	v6 =	vor.u32 s0, v1  }
0x130: {  	v8 =	vld [tilespmem:s19+$0xFFFFFFA0];
	[tilespmem:v10+s21+$0x0] =	vst.idx.msk $0xffff, v4;
	v4 =	vor.u32 s31, v1;
	v10 =	vmul.f32 $8.000000000e+00, v15  }
0x131: {  	[tilespmem:v11+s21+$0x0] =	vst.idx.msk $0xffff, v5;
	v17 =	vld [tilespmem:s19+$0xFFFFFFE0];
	v15 =	vor.u32 s23, v2;
	v5 =	vmul.f32 $8.000000000e+00, v13  }
0x132: {  	v11 =	vor.u32 s25, v2;
	v13 =	vld [tilespmem:s19+$0x20];
	v16 =	vmul.f32 $8.000000000e+00, v16;
	[tilespmem:v12+s21+$0x0] =	vst.idx.msk $0xffff, v10  }
0x133: {  	v10 =	vor.u32 s22, v2;
	v9 =	vmul.f32 $8.000000000e+00, v9;
	v12 =	vld [tilespmem:s26+$0x60];
	[tilespmem:v14+s21+$0x0] =	vst.idx.msk $0xffff, v5  }
0x134: {  	v5 =	vmul.f32 $8.000000000e+00, v7;
	v7 =	vor.u32 s24, v2;
	[tilespmem:v6+s21+$0x0] =	vst.idx.msk $0xffff, v16;
	v6 =	vld [tilespmem:s26+$0xFFFFFFA0]  }
0x135: {  	v8 =	vmul.f32 $8.000000000e+00, v8;
	[tilespmem:v4+s21+$0x0] =	vst.idx.msk $0xffff, v9;
	v4 =	vor.u32 s29, v2;
	v9 =	vld [tilespmem:s26+$0xFFFFFFE0]  }
0x136: {  	v14 =	vor.u32 s28, v2;
	[tilespmem:v15+s21+$0x0] =	vst.idx.msk $0xffff, v5;
	v5 =	vmul.f32 $8.000000000e+00, v17;
	v15 =	vld [tilespmem:s26+$0x20]  }
0x137: {  	[tilespmem:v11+s21+$0x0] =	vst.idx.msk $0xffff, v8;
	v11 =	vor.u32 s0, v2;
	v16 =	vld [tilespmem:s19+$0x70];
	v8 =	vmul.f32 $8.000000000e+00, v13  }
0x138: {  	v13 =	vld [tilespmem:s19+$0xFFFFFFB0];
	[tilespmem:v10+s21+$0x0] =	vst.idx.msk $0xffff, v5;
	v10 =	vor.u32 s31, v2;
	v5 =	vmul.f32 $8.000000000e+00, v12  }
0x139: {  	v12 =	vor.u32 s23, v3;
	v17 =	vld [tilespmem:s19+$0xFFFFFFF0];
	[tilespmem:v7+s21+$0x0] =	vst.idx.msk $0xffff, v8;
	v6 =	vmul.f32 $8.000000000e+00, v6  }
0x13a: {  	v7 =	vor.u32 s25, v3;
	v8 =	vld [tilespmem:s19+$0x30];
	[tilespmem:v4+s21+$0x0] =	vst.idx.msk $0xffff, v5;
	v4 =	vmul.f32 $8.000000000e+00, v9  }
0x13b: {  	v5 =	vor.u32 s22, v3;
	v9 =	vld [tilespmem:s26+$0x70];
	[tilespmem:v14+s21+$0x0] =	vst.idx.msk $0xffff, v6;
	v6 =	vmul.f32 $8.000000000e+00, v15  }
0x13c: {  	v14 =	vmul.f32 $8.000000000e+00, v16;
	v15 =	vor.u32 s24, v3;
	v16 =	vld [tilespmem:s26+$0xFFFFFFB0];
	[tilespmem:v11+s21+$0x0] =	vst.idx.msk $0xffff, v4  }
0x13d: {  	v4 =	vmul.f32 $8.000000000e+00, v13;
	v11 =	vor.u32 s29, v3;
	v13 =	vld [tilespmem:s26+$0xFFFFFFF0];
	[tilespmem:v10+s21+$0x0] =	vst.idx.msk $0xffff, v6  }
0x13e: {  	[tilespmem:v12+s21+$0x0] =	vst.idx.msk $0xffff, v14;
	v6 =	vmul.f32 $8.000000000e+00, v17;
	v10 =	vor.u32 s28, v3;
	v12 =	vld [tilespmem:s26+$0x30]  }
0x13f: {  	[tilespmem:v7+s21+$0x0] =	vst.idx.msk $0xffff, v4;
	v4 =	vmul.f32 $8.000000000e+00, v8;
	v7 =	vor.u32 s0, v3  }
0x140: {  	[tilespmem:v5+s21+$0x0] =	vst.idx.msk $0xffff, v6;
	v6 =	vor.u32 s31, v3;
	v5 =	vmul.f32 $8.000000000e+00, v9  }
0x141: {  	[tilespmem:v15+s21+$0x0] =	vst.idx.msk $0xffff, v4;
	v4 =	vmul.f32 $8.000000000e+00, v16  }
0x142: {  	[tilespmem:v11+s21+$0x0] =	vst.idx.msk $0xffff, v5;
	v5 =	vmul.f32 $8.000000000e+00, v13  }
0x143: {  	[tilespmem:v10+s21+$0x0] =	vst.idx.msk $0xffff, v4;
	v4 =	vmul.f32 $8.000000000e+00, v12  }
0x144: {  	[tilespmem:v7+s21+$0x0] =	vst.idx.msk $0xffff, v5  }
0x145: {  	[tilespmem:v6+s21+$0x0] =	vst.idx.msk $0xffff, v4  }
0x146: {  	s30 =	rddreg [dreg:$0x4]  }
0x147: {  	s19 =	rddreg [dreg:$0x5];
	s0 =	sadd.s32 s18, s30  }
0x148: {  	[hbm4b:s0+s2] =	stream.linear.scatter [tilespmem:s21], [sflag:$0x6], $0x400, $0x38;
	[tilespmem:$0x12400] =	vst v63  }
0x149: {  	s20 =	simm.s32 $0x10800;
	s22 =	rddreg [dreg:$0x6];
	s0 =	sadd.s32 s18, s19  }
0x14a: {  	[hbm4b:s0+s2] =	stream.linear.scatter [tilespmem:s20], [sflag:$0x6], $0x400, $0x38;
	[tilespmem:$0x12400] =	vst v63  }
0x14b: {  	s23 =	simm.s32 $0x10C00;
	s24 =	rddreg [dreg:$0x7];
	s0 =	sadd.s32 s18, s22  }
0x14c: {  	[hbm4b:s0+s2] =	stream.linear.scatter [tilespmem:s23], [sflag:$0x6], $0x400, $0x38;
	[tilespmem:$0x12400] =	vst v63  }
0x14d: {  	s25 =	simm.s32 $0x11000;
	s26 =	rddreg [dreg:$0x8];
	s0 =	sadd.s32 s18, s24  }
0x14e: {  	[hbm4b:s0+s2] =	stream.linear.scatter [tilespmem:s25], [sflag:$0x6], $0x400, $0x38;
	[tilespmem:$0x12400] =	vst v63  }
0x14f: {  	s30 =	simm.s32 $0x11400;
	s20 =	rddreg [dreg:$0x9];
	s0 =	sadd.s32 s18, s26  }
0x150: {  	[hbm4b:s0+s2] =	stream.linear.scatter [tilespmem:s30], [sflag:$0x6], $0x400, $0x38;
	[tilespmem:$0x12400] =	vst v63  }
0x151: {  	s22 =	simm.s32 $0x11800;
	s23 =	rddreg [dreg:$0xa];
	s0 =	sadd.s32 s18, s20  }
0x152: {  	[hbm4b:s0+s2] =	stream.linear.scatter [tilespmem:s22], [sflag:$0x6], $0x400, $0x38;
	[tilespmem:$0x12400] =	vst v63  }
0x153: {  	s24 =	simm.s32 $0x11C00;
	s25 =	rddreg [dreg:$0xb];
	s0 =	sadd.s32 s18, s23  }
0x154: {  	[hbm4b:s0+s2] =	stream.linear.scatter [tilespmem:s24], [sflag:$0x6], $0x400, $0x38;
	[tilespmem:$0x12400] =	vst v63  }
0x155: {  	p0 =	seq.s32 s16, $0x31;
	s26 =	simm.s32 $0x12000;
	s0 =	sadd.s32 s18, s25  }
0x156: {  	[hbm4b:s0+s2] =	stream.linear.scatter [tilespmem:s26], [sflag:$0x6], $0x400, $0x38;
	[tilespmem:$0x12400] =	vst v63  }
0x157: {  	s0 =	sshll.u32 @!p0 s16, $0x9  }
0x158: {  	s20 =	simm.s32 @!p0 $0x80;
	s19 =	sand.u32 @!p0 $0x3FFFFE00, s0  }
0x159: {  	s30 =	simm.s32 $0x3;
	s22 =	simm.s32 @!p0 $0x6400;
	s0 =	sadd.s32 @!p0 $0x200, s19  }
0x15a: {  	[tilespmem:s22], [sflag:$0x1] =	stream.indirect.gather @!p0 [hbm4b:s3+s20], $0x40, s0, s20, $0xb8;
	[tilespmem:$0x12400] =	vst v63  }
0x15b: {  	_ =	swait.ge [sflag:s30], $0x2000  }
0x15c: {  	[sflag:s30] =	ssyncset.done $0x0  }
0x15d: {  	[sflag:s30] =	ssyncadd.s32 $0xFFFFE000  }
0x15e: {  	_ =	swait.ge [sflag:s5], $0x400  }
0x15f: {  	[sflag:s5] =	ssyncset.done $0x0  }
0x160: {  	[sflag:s5] =	ssyncadd.s32 $0xFFFFFC00  }
0x161: {  	_ =	swait.ge [sflag:s5], $0x400  }
0x162: {  	[sflag:s5] =	ssyncset.done $0x0  }
0x163: {  	[sflag:s5] =	ssyncadd.s32 $0xFFFFFC00  }
0x164: {  	_ =	swait.ge [sflag:s5], $0x400  }
0x165: {  	[sflag:s5] =	ssyncset.done $0x0  }
0x166: {  	[sflag:s5] =	ssyncadd.s32 $0xFFFFFC00  }
0x167: {  	_ =	swait.ge [sflag:s5], $0x400  }
0x168: {  	[sflag:s5] =	ssyncset.done $0x0  }
0x169: {  	[sflag:s5] =	ssyncadd.s32 $0xFFFFFC00  }
0x16a: {  	_ =	swait.ge [sflag:s5], $0x400  }
0x16b: {  	[sflag:s5] =	ssyncset.done $0x0  }
0x16c: {  	[sflag:s5] =	ssyncadd.s32 $0xFFFFFC00  }
0x16d: {  	_ =	swait.ge [sflag:s5], $0x400  }
0x16e: {  	[sflag:s5] =	ssyncset.done $0x0  }
0x16f: {  	[sflag:s5] =	ssyncadd.s32 $0xFFFFFC00  }
0x170: {  	_ =	swait.ge [sflag:s5], $0x400  }
0x171: {  	[sflag:s5] =	ssyncset.done $0x0  }
0x172: {  	[sflag:s5] =	ssyncadd.s32 $0xFFFFFC00  }
0x173: {  	_ =	swait.ge [sflag:s5], $0x400  }
0x174: {  	[sflag:s5] =	ssyncset.done $0x0  }
0x175: {  	s0 =	simm.s32 $0xA480;
	[sflag:s5] =	ssyncadd.s32 $0xFFFFFC00  }
0x176: {  	v4 =	vld [tilespmem:s0+$0x40]  }
0x177: {  	s28 =	simm.s32 $0x3  }
0x178: {  	v5 =	vor.u32 s28, v0  }
0x179: {  	v6 =	vld [tilespmem:s0+$0xFFFFFF80]  }
0x17a: {  	s20 =	simm.s32 $0x0  }
0x17b: {  	v9 =	vor.u32 s20, v0;
	v7 =	vld [tilespmem:s0+$0xFFFFFFC0];
	v4 =	vmul.f32 $8.000000000e+00, v4  }
0x17c: {  	s31 =	simm.s32 $0x1;
	v8 =	vld [tilespmem:s0+$0x0]  }
0x17d: {  	v10 =	vor.u32 s31, v0;
	s30 =	simm.s32 $0x2;
	[tilespmem:v5+s1+$0x0] =	vst.idx.msk $0xffff, v4  }
0x17e: {  	v6 =	vmul.f32 $8.000000000e+00, v6;
	v4 =	vor.u32 s30, v0;
	v5 =	vld [tilespmem:s0+$0x50];
	_ =	sdelay $0x1  }
0x17f: {  	v11 =	vor.u32 s28, v1;
	v7 =	vmul.f32 $8.000000000e+00, v7;
	[tilespmem:v9+s1+$0x0] =	vst.idx.msk $0xffff, v6  }
0x180: {  	v8 =	vmul.f32 $8.000000000e+00, v8;
	v6 =	vld [tilespmem:s0+$0xFFFFFF90]  }
0x181: {  	[tilespmem:v10+s1+$0x0] =	vst.idx.msk $0xffff, v7  }
0x182: {  	v7 =	vld [tilespmem:s0+$0xFFFFFFD0];
	[tilespmem:v4+s1+$0x0] =	vst.idx.msk $0xffff, v8;
	v8 =	vor.u32 s20, v1;
	v4 =	vmul.f32 $8.000000000e+00, v5  }
0x183: {  	s22 =	simm.s32 $0xA580;
	v5 =	vld [tilespmem:s0+$0x10]  }
0x184: {  	v9 =	vor.u32 s31, v1;
	[tilespmem:v11+s1+$0x0] =	vst.idx.msk $0xffff, v4;
	v4 =	vld [tilespmem:s22+$0x40]  }
0x185: {  	s24 =	simm.s32 $0x7;
	v12 =	vld [tilespmem:s22+$0xFFFFFFC0];
	v10 =	vor.u32 s30, v1;
	v6 =	vmul.f32 $8.000000000e+00, v6  }
0x186: {  	s23 =	simm.s32 $0x5;
	v13 =	vor.u32 s24, v0;
	v11 =	vld [tilespmem:s0+$0x60]  }
0x187: {  	v14 =	vld [tilespmem:s22+$0x0];
	v7 =	vmul.f32 $8.000000000e+00, v7;
	[tilespmem:v8+s1+$0x0] =	vst.idx.msk $0xffff, v6;
	v8 =	vor.u32 s23, v0  }
0x188: {  	v15 =	vor.u32 s28, v2;
	s25 =	simm.s32 $0x6;
	v6 =	vld [tilespmem:s22+$0xFFFFFF80];
	v5 =	vmul.f32 $8.000000000e+00, v5  }
0x189: {  	s26 =	simm.s32 $0x4;
	[tilespmem:v9+s1+$0x0] =	vst.idx.msk $0xffff, v7;
	v7 =	vor.u32 s25, v0;
	v9 =	vld [tilespmem:s0+$0xFFFFFFA0];
	v4 =	vmul.f32 $8.000000000e+00, v4  }
0x18a: {  	v12 =	vmul.f32 $8.000000000e+00, v12;
	[tilespmem:v10+s1+$0x0] =	vst.idx.msk $0xffff, v5;
	v5 =	vor.u32 s26, v0;
	v10 =	vld [tilespmem:s0+$0xFFFFFFE0]  }
0x18b: {  	v11 =	vmul.f32 $8.000000000e+00, v11;
	[tilespmem:v13+s1+$0x0] =	vst.idx.msk $0xffff, v4;
	v4 =	vor.u32 s20, v2;
	v13 =	vld [tilespmem:s0+$0x20]  }
0x18c: {  	v17 =	vor.u32 s31, v2;
	v14 =	vmul.f32 $8.000000000e+00, v14;
	[tilespmem:v8+s1+$0x0] =	vst.idx.msk $0xffff, v12;
	v16 =	vld [tilespmem:s22+$0x50]  }
0x18d: {  	v6 =	vmul.f32 $8.000000000e+00, v6;
	v8 =	vor.u32 s30, v2;
	[tilespmem:v15+s1+$0x0] =	vst.idx.msk $0xffff, v11;
	v15 =	vld [tilespmem:s22+$0xFFFFFFD0]  }
0x18e: {  	[tilespmem:v7+s1+$0x0] =	vst.idx.msk $0xffff, v14;
	v7 =	vor.u32 s24, v1;
	v9 =	vmul.f32 $8.000000000e+00, v9;
	v11 =	vld [tilespmem:s0+$0x70]  }
0x18f: {  	v63 =	vor.u32 s23, v1;
	v61 =	vld [tilespmem:s22+$0x10];
	[tilespmem:v5+s1+$0x0] =	vst.idx.msk $0xffff, v6;
	v5 =	vmul.f32 $8.000000000e+00, v10  }
0x190: {  	v14 =	vor.u32 s28, v3;
	v62 =	vld [tilespmem:s22+$0xFFFFFF90];
	[tilespmem:v4+s1+$0x0] =	vst.idx.msk $0xffff, v9;
	v9 =	vmul.f32 $8.000000000e+00, v13  }
0x191: {  	v12 =	vor.u32 s25, v1;
	[tilespmem:v17+s1+$0x0] =	vst.idx.msk $0xffff, v5;
	v10 =	vmul.f32 $8.000000000e+00, v16;
	v6 =	vld [tilespmem:s0+$0xFFFFFFB0]  }
0x192: {  	v4 =	vld [tilespmem:s0+$0xFFFFFFF0];
	v16 =	vmul.f32 $8.000000000e+00, v15;
	[tilespmem:v8+s1+$0x0] =	vst.idx.msk $0xffff, v9;
	v9 =	vor.u32 s26, v1  }
0x193: {  	s28 =	simm.s32 $0xA680;
	v11 =	vmul.f32 $8.000000000e+00, v11;
	v8 =	vor.u32 s20, v3;
	[tilespmem:v7+s1+$0x0] =	vst.idx.msk $0xffff, v10;
	v5 =	vld [tilespmem:s0+$0x30]  }
0x194: {  	v13 =	vld [tilespmem:s28+$0x40];
	v15 =	vmul.f32 $8.000000000e+00, v61;
	v10 =	vor.u32 s31, v3;
	[tilespmem:v63+s1+$0x0] =	vst.idx.msk $0xffff, v16  }
0x195: {  	s29 =	simm.s32 $0x8;
	s0 =	simm.s32 $0xB;
	s31 =	simm.s32 $0xC;
	[tilespmem:v14+s1+$0x0] =	vst.idx.msk $0xffff, v11;
	v11 =	vor.u32 s30, v3;
	v14 =	vmul.f32 $8.000000000e+00, v62;
	v7 =	vld [tilespmem:s22+$0x60]  }
.LBB2_7:
0x196: {  	p1 =	slt.u32 s31, $0x7C;
	v16 =	vld [tilespmem:s28+$0xFFFFFFC0];
	v17 =	vor.u32 s0, v0;
	[tilespmem:v12+s1+$0x0] =	vst.idx.msk $0xffff, v15;
	v6 =	vmul.f32 $8.000000000e+00, v6  }
0x197: {  	s30 =	sadd.s32 $0x1, s29;
	v12 =	vld [tilespmem:s28+$0x0];
	[tilespmem:v9+s1+$0x0] =	vst.idx.msk $0xffff, v14;
	v9 =	vor.u32 s24, v2;
	v4 =	vmul.f32 $8.000000000e+00, v4  }
0x198: {  	s20 =	sadd.s32 $0x2, s29;
	v15 =	vor.u32 s30, v0;
	v14 =	vld [tilespmem:s28+$0xFFFFFF80];
	[tilespmem:v8+s1+$0x0] =	vst.idx.msk $0xffff, v6;
	v5 =	vmul.f32 $8.000000000e+00, v5  }
0x199: {  	v6 =	vor.u32 s20, v0;
	v8 =	vmul.f32 $8.000000000e+00, v13;
	v13 =	vld [tilespmem:s22+$0xFFFFFFA0];
	[tilespmem:v10+s1+$0x0] =	vst.idx.msk $0xffff, v4  }
0x19a: {  	v4 =	vor.u32 s29, v0;
	v10 =	vld [tilespmem:s22+$0xFFFFFFE0];
	v7 =	vmul.f32 $8.000000000e+00, v7;
	[tilespmem:v11+s1+$0x0] =	vst.idx.msk $0xffff, v5  }
0x19b: {  	v5 =	vmul.f32 $8.000000000e+00, v16;
	[tilespmem:v17+s1+$0x0] =	vst.idx.msk $0xffff, v8;
	v8 =	vor.u32 s26, v2;
	v11 =	vld [tilespmem:s22+$0x20]  }
0x19c: {  	v17 =	vor.u32 s23, v2;
	v12 =	vmul.f32 $8.000000000e+00, v12;
	v16 =	vld [tilespmem:s28+$0x50];
	[tilespmem:v9+s1+$0x0] =	vst.idx.msk $0xffff, v7  }
0x19d: {  	v7 =	vmul.f32 $8.000000000e+00, v14;
	[tilespmem:v15+s1+$0x0] =	vst.idx.msk $0xffff, v5;
	v5 =	vor.u32 s25, v2;
	v14 =	vld [tilespmem:s22+$0x70]  }
0x19e: {  	v18 =	vor.u32 s0, v1;
	v15 =	vld [tilespmem:s28+$0xFFFFFFD0];
	[tilespmem:v6+s1+$0x0] =	vst.idx.msk $0xffff, v12;
	v6 =	vmul.f32 $8.000000000e+00, v13  }
0x19f: {  	v19 =	vor.u32 s24, v3;
	s24 =	smov.u32 s0;
	[tilespmem:v4+s1+$0x0] =	vst.idx.msk $0xffff, v7;
	v7 =	vld [tilespmem:s28+$0x10];
	v4 =	vmul.f32 $8.000000000e+00, v10  }
0x1a0: {  	v21 =	vor.u32 s30, v1;
	v20 =	vld [tilespmem:s28+$0xFFFFFF90];
	[tilespmem:v8+s1+$0x0] =	vst.idx.msk $0xffff, v6;
	v8 =	vmul.f32 $8.000000000e+00, v11  }
.Ltmp4:
0x1a1: {  	v12 =	vor.u32 s20, v1;
	v10 =	vmul.f32 $8.000000000e+00, v16;
	v6 =	vld [tilespmem:s22+$0xFFFFFFB0];
	[tilespmem:v17+s1+$0x0] =	vst.idx.msk $0xffff, v4;
	(pc) =	sbr.rel @p1 .LBB2_7-.Ltmp4, $4  }
0x1a2: {  	v9 =	vor.u32 s29, v1;
	v4 =	vld [tilespmem:s22+$0xFFFFFFF0];
	[tilespmem:v5+s1+$0x0] =	vst.idx.msk $0xffff, v8;
	v11 =	vmul.f32 $8.000000000e+00, v14  }
0x1a3: {  	v8 =	vor.u32 s26, v3;
	s26 =	smov.u32 s29;
	v16 =	vmul.f32 $8.000000000e+00, v15;
	[tilespmem:v18+s1+$0x0] =	vst.idx.msk $0xffff, v10;
	v5 =	vld [tilespmem:s22+$0x30];
	s22 =	smov.u32 s28;
	s28 =	sadd.s32 $0x100, s28  }
0x1a4: {  	s29 =	smov.u32 s31;
	v10 =	vor.u32 s23, v3;
	s23 =	smov.u32 s30;
	v13 =	vld [tilespmem:s28+$0x40];
	v15 =	vmul.f32 $8.000000000e+00, v7;
	[tilespmem:v19+s1+$0x0] =	vst.idx.msk $0xffff, v11  }
0x1a5: {  	s31 =	sadd.s32 $0x4, s31;
	s0 =	sadd.s32 $0x3, s29;
	v11 =	vor.u32 s25, v3;
	s25 =	smov.u32 s20;
	v14 =	vmul.f32 $8.000000000e+00, v20;
	[tilespmem:v21+s1+$0x0] =	vst.idx.msk $0xffff, v16;
	v7 =	vld [tilespmem:s22+$0x60]  }
0x1a6: {  	v16 =	vld [tilespmem:s28+$0xFFFFFF80]  }
0x1a7: {  	v17 =	vld [tilespmem:s28+$0xFFFFFFC0];
	v18 =	vor.u32 s0, v0  }
0x1a8: {  	s31 =	sadd.s32 $0x1, s29;
	v19 =	vld [tilespmem:s28+$0x0];
	v20 =	vor.u32 s29, v0  }
0x1a9: {  	s20 =	sadd.s32 $0x2, s29;
	v21 =	vor.u32 s31, v0  }
0x1aa: {  	v22 =	vor.u32 s20, v0;
	v13 =	vmul.f32 $8.000000000e+00, v13  }
0x1ab: {  	[tilespmem:v12+s1+$0x0] =	vst.idx.msk $0xffff, v15;
	v12 =	vmul.f32 $8.000000000e+00, v16  }
0x1ac: {  	[tilespmem:v18+s1+$0x0] =	vst.idx.msk $0xffff, v13;
	v13 =	vmul.f32 $8.000000000e+00, v17  }
0x1ad: {  	v15 =	vld [tilespmem:s28+$0x50];
	[tilespmem:v20+s1+$0x0] =	vst.idx.msk $0xffff, v12;
	v12 =	vmul.f32 $8.000000000e+00, v19  }
0x1ae: {  	[tilespmem:v21+s1+$0x0] =	vst.idx.msk $0xffff, v13;
	v13 =	vld [tilespmem:s28+$0xFFFFFF90]  }
0x1af: {  	v6 =	vmul.f32 $8.000000000e+00, v6;
	v16 =	vld [tilespmem:s28+$0xFFFFFFD0];
	[tilespmem:v22+s1+$0x0] =	vst.idx.msk $0xffff, v12;
	v12 =	vor.u32 s0, v1  }
0x1b0: {  	[tilespmem:v9+s1+$0x0] =	vst.idx.msk $0xffff, v14;
	v4 =	vmul.f32 $8.000000000e+00, v4;
	v14 =	vor.u32 s29, v1;
	v9 =	vld [tilespmem:s28+$0x10]  }
0x1b1: {  	[tilespmem:v8+s1+$0x0] =	vst.idx.msk $0xffff, v6;
	v5 =	vmul.f32 $8.000000000e+00, v5;
	v6 =	vor.u32 s31, v1  }
0x1b2: {  	v8 =	vld [tilespmem:s22+$0xFFFFFFA0];
	[tilespmem:v10+s1+$0x0] =	vst.idx.msk $0xffff, v4;
	v4 =	vor.u32 s20, v1;
	v10 =	vmul.f32 $8.000000000e+00, v15  }
0x1b3: {  	[tilespmem:v11+s1+$0x0] =	vst.idx.msk $0xffff, v5;
	v17 =	vld [tilespmem:s22+$0xFFFFFFE0];
	v15 =	vor.u32 s24, v2;
	v5 =	vmul.f32 $8.000000000e+00, v13  }
0x1b4: {  	v11 =	vor.u32 s26, v2;
	v13 =	vld [tilespmem:s22+$0x20];
	v16 =	vmul.f32 $8.000000000e+00, v16;
	[tilespmem:v12+s1+$0x0] =	vst.idx.msk $0xffff, v10  }
0x1b5: {  	v10 =	vor.u32 s23, v2;
	v9 =	vmul.f32 $8.000000000e+00, v9;
	v12 =	vld [tilespmem:s28+$0x60];
	[tilespmem:v14+s1+$0x0] =	vst.idx.msk $0xffff, v5  }
0x1b6: {  	v5 =	vmul.f32 $8.000000000e+00, v7;
	v7 =	vor.u32 s25, v2;
	[tilespmem:v6+s1+$0x0] =	vst.idx.msk $0xffff, v16;
	v6 =	vld [tilespmem:s28+$0xFFFFFFA0]  }
0x1b7: {  	v8 =	vmul.f32 $8.000000000e+00, v8;
	[tilespmem:v4+s1+$0x0] =	vst.idx.msk $0xffff, v9;
	v4 =	vor.u32 s0, v2;
	v9 =	vld [tilespmem:s28+$0xFFFFFFE0]  }
0x1b8: {  	v14 =	vor.u32 s29, v2;
	[tilespmem:v15+s1+$0x0] =	vst.idx.msk $0xffff, v5;
	v5 =	vmul.f32 $8.000000000e+00, v17;
	v15 =	vld [tilespmem:s28+$0x20]  }
0x1b9: {  	[tilespmem:v11+s1+$0x0] =	vst.idx.msk $0xffff, v8;
	v11 =	vor.u32 s31, v2;
	v16 =	vld [tilespmem:s22+$0x70];
	v8 =	vmul.f32 $8.000000000e+00, v13  }
0x1ba: {  	v13 =	vld [tilespmem:s22+$0xFFFFFFB0];
	[tilespmem:v10+s1+$0x0] =	vst.idx.msk $0xffff, v5;
	v10 =	vor.u32 s20, v2;
	v5 =	vmul.f32 $8.000000000e+00, v12  }
0x1bb: {  	v12 =	vor.u32 s24, v3;
	v17 =	vld [tilespmem:s22+$0xFFFFFFF0];
	[tilespmem:v7+s1+$0x0] =	vst.idx.msk $0xffff, v8;
	v6 =	vmul.f32 $8.000000000e+00, v6  }
0x1bc: {  	v7 =	vor.u32 s26, v3;
	v8 =	vld [tilespmem:s22+$0x30];
	[tilespmem:v4+s1+$0x0] =	vst.idx.msk $0xffff, v5;
	v4 =	vmul.f32 $8.000000000e+00, v9  }
0x1bd: {  	v5 =	vor.u32 s23, v3;
	v9 =	vld [tilespmem:s28+$0x70];
	[tilespmem:v14+s1+$0x0] =	vst.idx.msk $0xffff, v6;
	v6 =	vmul.f32 $8.000000000e+00, v15  }
0x1be: {  	v14 =	vmul.f32 $8.000000000e+00, v16;
	v15 =	vor.u32 s25, v3;
	v16 =	vld [tilespmem:s28+$0xFFFFFFB0];
	[tilespmem:v11+s1+$0x0] =	vst.idx.msk $0xffff, v4  }
0x1bf: {  	v4 =	vmul.f32 $8.000000000e+00, v13;
	v11 =	vor.u32 s0, v3;
	v13 =	vld [tilespmem:s28+$0xFFFFFFF0];
	[tilespmem:v10+s1+$0x0] =	vst.idx.msk $0xffff, v6  }
0x1c0: {  	[tilespmem:v12+s1+$0x0] =	vst.idx.msk $0xffff, v14;
	v6 =	vmul.f32 $8.000000000e+00, v17;
	v10 =	vor.u32 s29, v3;
	v12 =	vld [tilespmem:s28+$0x30]  }
0x1c1: {  	[tilespmem:v7+s1+$0x0] =	vst.idx.msk $0xffff, v4;
	v4 =	vmul.f32 $8.000000000e+00, v8;
	v7 =	vor.u32 s31, v3  }
0x1c2: {  	[tilespmem:v5+s1+$0x0] =	vst.idx.msk $0xffff, v6;
	v6 =	vor.u32 s20, v3;
	v5 =	vmul.f32 $8.000000000e+00, v9  }
0x1c3: {  	[tilespmem:v15+s1+$0x0] =	vst.idx.msk $0xffff, v4;
	v4 =	vmul.f32 $8.000000000e+00, v16  }
0x1c4: {  	[tilespmem:v11+s1+$0x0] =	vst.idx.msk $0xffff, v5;
	v5 =	vmul.f32 $8.000000000e+00, v13  }
0x1c5: {  	[tilespmem:v10+s1+$0x0] =	vst.idx.msk $0xffff, v4;
	v4 =	vmul.f32 $8.000000000e+00, v12  }
0x1c6: {  	[tilespmem:v7+s1+$0x0] =	vst.idx.msk $0xffff, v5  }
0x1c7: {  	[tilespmem:v6+s1+$0x0] =	vst.idx.msk $0xffff, v4  }
0x1c8: {  	s23 =	rddreg [dreg:$0xc]  }
0x1c9: {  	s24 =	rddreg [dreg:$0xd];
	s0 =	sadd.s32 s18, s23  }
0x1ca: {  	[hbm4b:s0+s2] =	stream.linear.scatter [tilespmem:s1], [sflag:$0x5], $0x400, $0x38;
	[tilespmem:$0x12400] =	vst v63  }
0x1cb: {  	s31 =	simm.s32 $0xE800;
	s25 =	rddreg [dreg:$0xe];
	s0 =	sadd.s32 s18, s24  }
0x1cc: {  	[hbm4b:s0+s2] =	stream.linear.scatter [tilespmem:s31], [sflag:$0x5], $0x400, $0x38;
	[tilespmem:$0x12400] =	vst v63  }
0x1cd: {  	s26 =	simm.s32 $0xEC00;
	s29 =	rddreg [dreg:$0xf];
	s0 =	sadd.s32 s18, s25  }
0x1ce: {  	[hbm4b:s0+s2] =	stream.linear.scatter [tilespmem:s26], [sflag:$0x5], $0x400, $0x38;
	[tilespmem:$0x12400] =	vst v63  }
0x1cf: {  	s30 =	simm.s32 $0xF000;
	s20 =	rddreg [dreg:$0x10];
	s0 =	sadd.s32 s18, s29  }
0x1d0: {  	[hbm4b:s0+s2] =	stream.linear.scatter [tilespmem:s30], [sflag:$0x5], $0x400, $0x38;
	[tilespmem:$0x12400] =	vst v63  }
0x1d1: {  	s22 =	simm.s32 $0xF400;
	s23 =	rddreg [dreg:$0x11];
	s0 =	sadd.s32 s18, s20  }
0x1d2: {  	[hbm4b:s0+s2] =	stream.linear.scatter [tilespmem:s22], [sflag:$0x5], $0x400, $0x38;
	[tilespmem:$0x12400] =	vst v63  }
0x1d3: {  	s24 =	simm.s32 $0xF800;
	s25 =	rddreg [dreg:$0x12];
	s0 =	sadd.s32 s18, s23  }
0x1d4: {  	[hbm4b:s0+s2] =	stream.linear.scatter [tilespmem:s24], [sflag:$0x5], $0x400, $0x38;
	[tilespmem:$0x12400] =	vst v63  }
0x1d5: {  	s26 =	simm.s32 $0xFC00;
	s29 =	rddreg [dreg:$0x13];
	s0 =	sadd.s32 s18, s25  }
0x1d6: {  	[hbm4b:s0+s2] =	stream.linear.scatter [tilespmem:s26], [sflag:$0x5], $0x400, $0x38;
	[tilespmem:$0x12400] =	vst v63  }
0x1d7: {  	s30 =	simm.s32 $0x10000;
	s0 =	sadd.s32 s18, s29  }
0x1d8: {  	[hbm4b:s0+s2] =	stream.linear.scatter [tilespmem:s30], [sflag:$0x5], $0x400, $0x38;
	[tilespmem:$0x12400] =	vst v63  }
0x1d9: {  	s18 =	simm.s32 @!p0 $0x80;
	s0 =	sadd.s32 @!p0 $0x280, s19;
	s19 =	simm.s32 @!p0 $0x8400  }
0x1da: {  	[tilespmem:s19], [sflag:$0x2] =	stream.indirect.gather @!p0 [hbm4b:s3+s18], $0x40, s0, s18, $0xb8;
	[tilespmem:$0x12400] =	vst v63  }
0x1db: {  	_ =	swait.ge [sflag:s14], $0x2000  }
0x1dc: {  	[sflag:s14] =	ssyncset.done $0x0  }
0x1dd: {  	[sflag:s14] =	ssyncadd.s32 $0xFFFFE000  }
0x1de: {  	_ =	swait.ge [sflag:s15], $0x400  }
0x1df: {  	[sflag:s15] =	ssyncset.done $0x0  }
0x1e0: {  	[sflag:s15] =	ssyncadd.s32 $0xFFFFFC00  }
0x1e1: {  	_ =	swait.ge [sflag:s15], $0x400  }
0x1e2: {  	[sflag:s15] =	ssyncset.done $0x0  }
0x1e3: {  	[sflag:s15] =	ssyncadd.s32 $0xFFFFFC00  }
0x1e4: {  	_ =	swait.ge [sflag:s15], $0x400  }
0x1e5: {  	[sflag:s15] =	ssyncset.done $0x0  }
0x1e6: {  	[sflag:s15] =	ssyncadd.s32 $0xFFFFFC00  }
0x1e7: {  	_ =	swait.ge [sflag:s15], $0x400  }
0x1e8: {  	[sflag:s15] =	ssyncset.done $0x0  }
0x1e9: {  	[sflag:s15] =	ssyncadd.s32 $0xFFFFFC00  }
0x1ea: {  	_ =	swait.ge [sflag:s15], $0x400  }
0x1eb: {  	[sflag:s15] =	ssyncset.done $0x0  }
0x1ec: {  	[sflag:s15] =	ssyncadd.s32 $0xFFFFFC00  }
0x1ed: {  	_ =	swait.ge [sflag:s15], $0x400  }
0x1ee: {  	[sflag:s15] =	ssyncset.done $0x0  }
0x1ef: {  	[sflag:s15] =	ssyncadd.s32 $0xFFFFFC00  }
0x1f0: {  	_ =	swait.ge [sflag:s15], $0x400  }
0x1f1: {  	[sflag:s15] =	ssyncset.done $0x0  }
0x1f2: {  	[sflag:s15] =	ssyncadd.s32 $0xFFFFFC00  }
0x1f3: {  	_ =	swait.ge [sflag:s15], $0x400  }
0x1f4: {  	[sflag:s15] =	ssyncset.done $0x0  }
0x1f5: {  	s0 =	simm.s32 $0xC480;
	[sflag:s15] =	ssyncadd.s32 $0xFFFFFC00  }
0x1f6: {  	v4 =	vld [tilespmem:s0+$0x40]  }
0x1f7: {  	s20 =	simm.s32 $0x3  }
0x1f8: {  	v5 =	vor.u32 s20, v0  }
0x1f9: {  	v6 =	vld [tilespmem:s0+$0xFFFFFF80]  }
0x1fa: {  	s26 =	simm.s32 $0x0  }
0x1fb: {  	v9 =	vor.u32 s26, v0;
	v7 =	vld [tilespmem:s0+$0xFFFFFFC0];
	v4 =	vmul.f32 $8.000000000e+00, v4  }
0x1fc: {  	s28 =	simm.s32 $0x1;
	v8 =	vld [tilespmem:s0+$0x0]  }
0x1fd: {  	v10 =	vor.u32 s28, v0;
	s30 =	simm.s32 $0x2;
	[tilespmem:v5+s21+$0x0] =	vst.idx.msk $0xffff, v4  }
0x1fe: {  	v6 =	vmul.f32 $8.000000000e+00, v6;
	v4 =	vor.u32 s30, v0;
	v5 =	vld [tilespmem:s0+$0x50];
	_ =	sdelay $0x1  }
0x1ff: {  	v11 =	vor.u32 s20, v1;
	v7 =	vmul.f32 $8.000000000e+00, v7;
	[tilespmem:v9+s21+$0x0] =	vst.idx.msk $0xffff, v6  }
0x200: {  	v8 =	vmul.f32 $8.000000000e+00, v8;
	v6 =	vld [tilespmem:s0+$0xFFFFFF90]  }
0x201: {  	[tilespmem:v10+s21+$0x0] =	vst.idx.msk $0xffff, v7  }
0x202: {  	v7 =	vld [tilespmem:s0+$0xFFFFFFD0];
	[tilespmem:v4+s21+$0x0] =	vst.idx.msk $0xffff, v8;
	v8 =	vor.u32 s26, v1;
	v4 =	vmul.f32 $8.000000000e+00, v5  }
0x203: {  	s18 =	simm.s32 $0xC580;
	v5 =	vld [tilespmem:s0+$0x10]  }
0x204: {  	v9 =	vor.u32 s28, v1;
	[tilespmem:v11+s21+$0x0] =	vst.idx.msk $0xffff, v4;
	v4 =	vld [tilespmem:s18+$0x40]  }
0x205: {  	s22 =	simm.s32 $0x7;
	v12 =	vld [tilespmem:s18+$0xFFFFFFC0];
	v10 =	vor.u32 s30, v1;
	v6 =	vmul.f32 $8.000000000e+00, v6  }
0x206: {  	v13 =	vor.u32 s22, v0;
	s19 =	simm.s32 $0x5;
	v11 =	vld [tilespmem:s0+$0x60]  }
0x207: {  	v14 =	vld [tilespmem:s18+$0x0];
	v7 =	vmul.f32 $8.000000000e+00, v7;
	[tilespmem:v8+s21+$0x0] =	vst.idx.msk $0xffff, v6;
	v8 =	vor.u32 s19, v0  }
0x208: {  	v15 =	vor.u32 s20, v2;
	s23 =	simm.s32 $0x6;
	v6 =	vld [tilespmem:s18+$0xFFFFFF80];
	v5 =	vmul.f32 $8.000000000e+00, v5  }
0x209: {  	s24 =	simm.s32 $0x4;
	[tilespmem:v9+s21+$0x0] =	vst.idx.msk $0xffff, v7;
	v7 =	vor.u32 s23, v0;
	v9 =	vld [tilespmem:s0+$0xFFFFFFA0];
	v4 =	vmul.f32 $8.000000000e+00, v4  }
0x20a: {  	v12 =	vmul.f32 $8.000000000e+00, v12;
	[tilespmem:v10+s21+$0x0] =	vst.idx.msk $0xffff, v5;
	v5 =	vor.u32 s24, v0;
	v10 =	vld [tilespmem:s0+$0xFFFFFFE0]  }
0x20b: {  	v11 =	vmul.f32 $8.000000000e+00, v11;
	[tilespmem:v13+s21+$0x0] =	vst.idx.msk $0xffff, v4;
	v4 =	vor.u32 s26, v2;
	v13 =	vld [tilespmem:s0+$0x20]  }
0x20c: {  	v17 =	vor.u32 s28, v2;
	v14 =	vmul.f32 $8.000000000e+00, v14;
	[tilespmem:v8+s21+$0x0] =	vst.idx.msk $0xffff, v12;
	v16 =	vld [tilespmem:s18+$0x50]  }
0x20d: {  	v6 =	vmul.f32 $8.000000000e+00, v6;
	v8 =	vor.u32 s30, v2;
	[tilespmem:v15+s21+$0x0] =	vst.idx.msk $0xffff, v11;
	v15 =	vld [tilespmem:s18+$0xFFFFFFD0]  }
0x20e: {  	[tilespmem:v7+s21+$0x0] =	vst.idx.msk $0xffff, v14;
	v7 =	vor.u32 s22, v1;
	v9 =	vmul.f32 $8.000000000e+00, v9;
	v11 =	vld [tilespmem:s0+$0x70]  }
0x20f: {  	v63 =	vor.u32 s19, v1;
	v61 =	vld [tilespmem:s18+$0x10];
	[tilespmem:v5+s21+$0x0] =	vst.idx.msk $0xffff, v6;
	v5 =	vmul.f32 $8.000000000e+00, v10  }
0x210: {  	v14 =	vor.u32 s20, v3;
	v62 =	vld [tilespmem:s18+$0xFFFFFF90];
	[tilespmem:v4+s21+$0x0] =	vst.idx.msk $0xffff, v9;
	v9 =	vmul.f32 $8.000000000e+00, v13  }
0x211: {  	v12 =	vor.u32 s23, v1;
	[tilespmem:v17+s21+$0x0] =	vst.idx.msk $0xffff, v5;
	v10 =	vmul.f32 $8.000000000e+00, v16;
	v6 =	vld [tilespmem:s0+$0xFFFFFFB0]  }
0x212: {  	v4 =	vld [tilespmem:s0+$0xFFFFFFF0];
	v16 =	vmul.f32 $8.000000000e+00, v15;
	[tilespmem:v8+s21+$0x0] =	vst.idx.msk $0xffff, v9;
	v9 =	vor.u32 s24, v1  }
0x213: {  	s25 =	simm.s32 $0xC680;
	v11 =	vmul.f32 $8.000000000e+00, v11;
	v8 =	vor.u32 s26, v3;
	[tilespmem:v7+s21+$0x0] =	vst.idx.msk $0xffff, v10;
	v5 =	vld [tilespmem:s0+$0x30]  }
0x214: {  	v13 =	vld [tilespmem:s25+$0x40];
	v15 =	vmul.f32 $8.000000000e+00, v61;
	v10 =	vor.u32 s28, v3;
	[tilespmem:v63+s21+$0x0] =	vst.idx.msk $0xffff, v16  }
0x215: {  	s26 =	simm.s32 $0x8;
	s0 =	simm.s32 $0xB;
	s28 =	simm.s32 $0xC;
	[tilespmem:v14+s21+$0x0] =	vst.idx.msk $0xffff, v11;
	v11 =	vor.u32 s30, v3;
	v14 =	vmul.f32 $8.000000000e+00, v62;
	v7 =	vld [tilespmem:s18+$0x60]  }
.LBB2_9:
0x216: {  	p1 =	slt.u32 s28, $0x7C;
	v16 =	vld [tilespmem:s25+$0xFFFFFFC0];
	v17 =	vor.u32 s0, v0;
	[tilespmem:v12+s21+$0x0] =	vst.idx.msk $0xffff, v15;
	v6 =	vmul.f32 $8.000000000e+00, v6  }
0x217: {  	s29 =	sadd.s32 $0x1, s26;
	v12 =	vld [tilespmem:s25+$0x0];
	[tilespmem:v9+s21+$0x0] =	vst.idx.msk $0xffff, v14;
	v9 =	vor.u32 s22, v2;
	v4 =	vmul.f32 $8.000000000e+00, v4  }
0x218: {  	s20 =	sadd.s32 $0x2, s26;
	v15 =	vor.u32 s29, v0;
	v14 =	vld [tilespmem:s25+$0xFFFFFF80];
	[tilespmem:v8+s21+$0x0] =	vst.idx.msk $0xffff, v6;
	v5 =	vmul.f32 $8.000000000e+00, v5  }
0x219: {  	v6 =	vor.u32 s20, v0;
	v8 =	vmul.f32 $8.000000000e+00, v13;
	v13 =	vld [tilespmem:s18+$0xFFFFFFA0];
	[tilespmem:v10+s21+$0x0] =	vst.idx.msk $0xffff, v4  }
0x21a: {  	v4 =	vor.u32 s26, v0;
	v10 =	vld [tilespmem:s18+$0xFFFFFFE0];
	v7 =	vmul.f32 $8.000000000e+00, v7;
	[tilespmem:v11+s21+$0x0] =	vst.idx.msk $0xffff, v5  }
0x21b: {  	v5 =	vmul.f32 $8.000000000e+00, v16;
	[tilespmem:v17+s21+$0x0] =	vst.idx.msk $0xffff, v8;
	v8 =	vor.u32 s24, v2;
	v11 =	vld [tilespmem:s18+$0x20]  }
0x21c: {  	v17 =	vor.u32 s19, v2;
	v12 =	vmul.f32 $8.000000000e+00, v12;
	v16 =	vld [tilespmem:s25+$0x50];
	[tilespmem:v9+s21+$0x0] =	vst.idx.msk $0xffff, v7  }
0x21d: {  	v7 =	vmul.f32 $8.000000000e+00, v14;
	[tilespmem:v15+s21+$0x0] =	vst.idx.msk $0xffff, v5;
	v5 =	vor.u32 s23, v2;
	v14 =	vld [tilespmem:s18+$0x70]  }
0x21e: {  	v18 =	vor.u32 s0, v1;
	v15 =	vld [tilespmem:s25+$0xFFFFFFD0];
	[tilespmem:v6+s21+$0x0] =	vst.idx.msk $0xffff, v12;
	v6 =	vmul.f32 $8.000000000e+00, v13  }
0x21f: {  	v19 =	vor.u32 s22, v3;
	s22 =	smov.u32 s0;
	[tilespmem:v4+s21+$0x0] =	vst.idx.msk $0xffff, v7;
	v7 =	vld [tilespmem:s25+$0x10];
	v4 =	vmul.f32 $8.000000000e+00, v10  }
0x220: {  	v21 =	vor.u32 s29, v1;
	v20 =	vld [tilespmem:s25+$0xFFFFFF90];
	[tilespmem:v8+s21+$0x0] =	vst.idx.msk $0xffff, v6;
	v8 =	vmul.f32 $8.000000000e+00, v11  }
.Ltmp5:
0x221: {  	v12 =	vor.u32 s20, v1;
	v10 =	vmul.f32 $8.000000000e+00, v16;
	v6 =	vld [tilespmem:s18+$0xFFFFFFB0];
	[tilespmem:v17+s21+$0x0] =	vst.idx.msk $0xffff, v4;
	(pc) =	sbr.rel @p1 .LBB2_9-.Ltmp5, $4  }
0x222: {  	v9 =	vor.u32 s26, v1;
	v4 =	vld [tilespmem:s18+$0xFFFFFFF0];
	[tilespmem:v5+s21+$0x0] =	vst.idx.msk $0xffff, v8;
	v11 =	vmul.f32 $8.000000000e+00, v14  }
0x223: {  	v8 =	vor.u32 s24, v3;
	s24 =	smov.u32 s26;
	v16 =	vmul.f32 $8.000000000e+00, v15;
	[tilespmem:v18+s21+$0x0] =	vst.idx.msk $0xffff, v10;
	v5 =	vld [tilespmem:s18+$0x30];
	s18 =	smov.u32 s25;
	s25 =	sadd.s32 $0x100, s25  }
0x224: {  	s26 =	smov.u32 s28;
	v10 =	vor.u32 s19, v3;
	s19 =	smov.u32 s29;
	v13 =	vld [tilespmem:s25+$0x40];
	v15 =	vmul.f32 $8.000000000e+00, v7;
	[tilespmem:v19+s21+$0x0] =	vst.idx.msk $0xffff, v11  }
0x225: {  	s28 =	sadd.s32 $0x4, s28;
	s0 =	sadd.s32 $0x3, s26;
	v11 =	vor.u32 s23, v3;
	s23 =	smov.u32 s20;
	v14 =	vmul.f32 $8.000000000e+00, v20;
	[tilespmem:v21+s21+$0x0] =	vst.idx.msk $0xffff, v16;
	v7 =	vld [tilespmem:s18+$0x60]  }
0x226: {  	v16 =	vld [tilespmem:s25+$0xFFFFFF80]  }
0x227: {  	v17 =	vld [tilespmem:s25+$0xFFFFFFC0];
	v18 =	vor.u32 s0, v0  }
0x228: {  	s28 =	sadd.s32 $0x1, s26;
	v19 =	vld [tilespmem:s25+$0x0];
	v20 =	vor.u32 s26, v0  }
0x229: {  	s20 =	sadd.s32 $0x2, s26;
	v21 =	vor.u32 s28, v0  }
0x22a: {  	[tilespmem:v12+s21+$0x0] =	vst.idx.msk $0xffff, v15;
	v22 =	vor.u32 s20, v0;
	v13 =	vmul.f32 $8.000000000e+00, v13  }
0x22b: {  	[tilespmem:v9+s21+$0x0] =	vst.idx.msk $0xffff, v14;
	v16 =	vmul.f32 $8.000000000e+00, v16  }
0x22c: {  	v36 =	vld [tilespmem:s18+$0x20];
	[tilespmem:v18+s21+$0x0] =	vst.idx.msk $0xffff, v13;
	v18 =	vmul.f32 $8.000000000e+00, v17  }
0x22d: {  	v23 =	vmul.f32 $8.000000000e+00, v19;
	v24 =	vld [tilespmem:s25+$0x50];
	[tilespmem:v20+s21+$0x0] =	vst.idx.msk $0xffff, v16  }
0x22e: {  	v6 =	vmul.f32 $8.000000000e+00, v6;
	v38 =	vor.u32 s23, v2;
	[tilespmem:v21+s21+$0x0] =	vst.idx.msk $0xffff, v18;
	v25 =	vld [tilespmem:s25+$0xFFFFFF90]  }
0x22f: {  	v27 =	vor.u32 s0, v1;
	v4 =	vmul.f32 $8.000000000e+00, v4;
	[tilespmem:v22+s21+$0x0] =	vst.idx.msk $0xffff, v23;
	v26 =	vld [tilespmem:s25+$0xFFFFFFD0]  }
0x230: {  	v29 =	vor.u32 s26, v1;
	[tilespmem:v8+s21+$0x0] =	vst.idx.msk $0xffff, v6;
	v5 =	vmul.f32 $8.000000000e+00, v5;
	v28 =	vld [tilespmem:s25+$0x10]  }
0x231: {  	v30 =	vor.u32 s28, v1;
	[tilespmem:v10+s21+$0x0] =	vst.idx.msk $0xffff, v4;
	v44 =	vmul.f32 $8.000000000e+00, v36  }
0x232: {  	v31 =	vld [tilespmem:s18+$0xFFFFFFA0];
	v4 =	vor.u32 s20, v1;
	[tilespmem:v11+s21+$0x0] =	vst.idx.msk $0xffff, v5;
	v32 =	vmul.f32 $8.000000000e+00, v24  }
0x233: {  	v33 =	vor.u32 s22, v2;
	v34 =	vld [tilespmem:s18+$0xFFFFFFE0];
	[tilespmem:v38+s21+$0x0] =	vst.idx.msk $0xffff, v44;
	v5 =	vmul.f32 $8.000000000e+00, v25  }
0x234: {  	v35 =	vor.u32 s24, v2;
	v16 =	vmul.f32 $8.000000000e+00, v26;
	[tilespmem:v27+s21+$0x0] =	vst.idx.msk $0xffff, v32  }
0x235: {  	v37 =	vor.u32 s19, v2;
	v9 =	vmul.f32 $8.000000000e+00, v28;
	v12 =	vld [tilespmem:s25+$0x60];
	[tilespmem:v29+s21+$0x0] =	vst.idx.msk $0xffff, v5  }
0x236: {  	v5 =	vmul.f32 $8.000000000e+00, v7;
	[tilespmem:v30+s21+$0x0] =	vst.idx.msk $0xffff, v16;
	v39 =	vld [tilespmem:s25+$0xFFFFFFA0]  }
0x237: {  	v8 =	vmul.f32 $8.000000000e+00, v31;
	[tilespmem:v4+s21+$0x0] =	vst.idx.msk $0xffff, v9;
	v4 =	vor.u32 s0, v2;
	v40 =	vld [tilespmem:s25+$0xFFFFFFE0]  }
0x238: {  	v41 =	vor.u32 s26, v2;
	v42 =	vld [tilespmem:s25+$0x20];
	[tilespmem:v33+s21+$0x0] =	vst.idx.msk $0xffff, v5;
	v5 =	vmul.f32 $8.000000000e+00, v34  }
0x239: {  	v45 =	vor.u32 s28, v2;
	[tilespmem:v35+s21+$0x0] =	vst.idx.msk $0xffff, v8;
	v8 =	vld [tilespmem:s18+$0x30]  }
0x23a: {  	v47 =	vor.u32 s20, v2;
	v46 =	vld [tilespmem:s18+$0xFFFFFFB0];
	[tilespmem:v37+s21+$0x0] =	vst.idx.msk $0xffff, v5;
	v5 =	vmul.f32 $8.000000000e+00, v12  }
0x23b: {  	v53 =	vor.u32 s23, v3;
	v49 =	vld [tilespmem:s18+$0xFFFFFFF0];
	v6 =	vmul.f32 $8.000000000e+00, v39  }
0x23c: {  	v50 =	vor.u32 s24, v3;
	v43 =	vld [tilespmem:s18+$0x70];
	[tilespmem:v4+s21+$0x0] =	vst.idx.msk $0xffff, v5;
	v4 =	vmul.f32 $8.000000000e+00, v40  }
0x23d: {  	v5 =	vor.u32 s19, v3;
	v52 =	vmul.f32 $8.000000000e+00, v42;
	v51 =	vld [tilespmem:s25+$0x70];
	[tilespmem:v41+s21+$0x0] =	vst.idx.msk $0xffff, v6  }
0x23e: {  	v48 =	vor.u32 s22, v3;
	v61 =	vmul.f32 $8.000000000e+00, v8;
	[tilespmem:v45+s21+$0x0] =	vst.idx.msk $0xffff, v4;
	v55 =	vld [tilespmem:s25+$0xFFFFFFB0]  }
0x23f: {  	v56 =	vmul.f32 $8.000000000e+00, v46;
	v4 =	vor.u32 s0, v3;
	[tilespmem:v47+s21+$0x0] =	vst.idx.msk $0xffff, v52;
	v57 =	vld [tilespmem:s25+$0xFFFFFFF0]  }
0x240: {  	v58 =	vor.u32 s26, v3;
	[tilespmem:v53+s21+$0x0] =	vst.idx.msk $0xffff, v61;
	v10 =	vld [tilespmem:s25+$0x30];
	v59 =	vmul.f32 $8.000000000e+00, v49  }
0x241: {  	v60 =	vor.u32 s28, v3;
	[tilespmem:v50+s21+$0x0] =	vst.idx.msk $0xffff, v56;
	v54 =	vmul.f32 $8.000000000e+00, v43  }
0x242: {  	v62 =	vor.u32 s20, v3;
	[tilespmem:v5+s21+$0x0] =	vst.idx.msk $0xffff, v59;
	v5 =	vmul.f32 $8.000000000e+00, v51  }
0x243: {  	[tilespmem:v48+s21+$0x0] =	vst.idx.msk $0xffff, v54;
	v63 =	vmul.f32 $8.000000000e+00, v55  }
0x244: {  	s23 =	sshll.u32 s17, $0x12;
	[tilespmem:v4+s21+$0x0] =	vst.idx.msk $0xffff, v5;
	v4 =	vmul.f32 $8.000000000e+00, v57  }
0x245: {  	s0 =	sor.u32 s6, s23;
	v5 =	vmul.f32 $8.000000000e+00, v10;
	[tilespmem:v58+s21+$0x0] =	vst.idx.msk $0xffff, v63  }
0x246: {  	s0 =	sshrl.u32 s0, $0x3;
	[tilespmem:v60+s21+$0x0] =	vst.idx.msk $0xffff, v4  }
0x247: {  	s24 =	sadd.s32 s4, s0;
	[tilespmem:v62+s21+$0x0] =	vst.idx.msk $0xffff, v5  }
0x248: {  	[hbm4b:s24+s2] =	stream.linear.scatter [tilespmem:s21], [sflag:$0x6], $0x400, $0x38;
	[tilespmem:$0x12400] =	vst v63  }
0x249: {  	s26 =	simm.s32 $0x10800;
	s25 =	sadd.s32 s0, s7  }
0x24a: {  	[hbm4b:s25+s2] =	stream.linear.scatter [tilespmem:s26], [sflag:$0x6], $0x400, $0x38;
	[tilespmem:$0x12400] =	vst v63  }
0x24b: {  	s29 =	simm.s32 $0x10C00;
	s28 =	sadd.s32 s0, s8  }
0x24c: {  	[hbm4b:s28+s2] =	stream.linear.scatter [tilespmem:s29], [sflag:$0x6], $0x400, $0x38;
	[tilespmem:$0x12400] =	vst v63  }
0x24d: {  	s20 =	simm.s32 $0x11000;
	s19 =	sadd.s32 s0, s9  }
0x24e: {  	[hbm4b:s19+s2] =	stream.linear.scatter [tilespmem:s20], [sflag:$0x6], $0x400, $0x38;
	[tilespmem:$0x12400] =	vst v63  }
0x24f: {  	s23 =	simm.s32 $0x11400;
	s22 =	sadd.s32 s0, s10  }
0x250: {  	[hbm4b:s22+s2] =	stream.linear.scatter [tilespmem:s23], [sflag:$0x6], $0x400, $0x38;
	[tilespmem:$0x12400] =	vst v63  }
0x251: {  	s24 =	sadd.s32 s0, s11;
	s25 =	simm.s32 $0x11800  }
0x252: {  	[hbm4b:s24+s2] =	stream.linear.scatter [tilespmem:s25], [sflag:$0x6], $0x400, $0x38;
	[tilespmem:$0x12400] =	vst v63  }
.Ltmp6:
0x253: {  	_ = 	snop;
	(pc) =	sbr.rel @p0 .LBB2_12-.Ltmp6, $4  }
0x254: {  	s26 =	sadd.s32 s0, s12;
	s28 =	simm.s32 $0x11C00  }
0x255: {  	[hbm4b:s26+s2] =	stream.linear.scatter [tilespmem:s28], [sflag:$0x6], $0x400, $0x38;
	[tilespmem:$0x12400] =	vst v63  }
0x256: {  	s30 =	simm.s32 $0x80;
	s0 =	sadd.s32 s0, s13;
	s29 =	simm.s32 $0x12000  }
0x257: {  	[hbm4b:s0+s2] =	stream.linear.scatter [tilespmem:s29], [sflag:$0x6], $0x400, $0x38;
	[tilespmem:$0x12400] =	vst v63  }
.Ltmp7:
0x258: {  	(pc) =	sbr.rel .LBB2_2-.Ltmp7, $4  }
0x259: {  	s0 =	sshll.u32 s16, $0x9  }
0x25a: {  	s0 =	sand.u32 $0x3FFFFE00, s0  }
0x25b: {  	s17 =	simm.s32 $0xA400;
	s16 =	sadd.s32 $0x1, s16;
	s0 =	sadd.s32 $0x300, s0  }
0x25c: {  	[tilespmem:s17], [sflag:$0x3] =	stream.indirect.gather [hbm4b:s3+s30], $0x40, s0, s30, $0xb8;
	[tilespmem:$0x12400] =	vst v63  }
.LBB2_13:
0x25d: {  	_ =	sfence.sel $0x180000  }
0x25e: {  	[bflag:$0x0] =	sbarrier.arrive $0xFFFF  }
0x25f: {  	_ =	strace $0x90000047  }
0x260: {  	s0 =	stileid.u32;
	[bflag:$0x2] =	sbarrier.arrive $0xFFFF  }
0x261: {  	p0 =	sne.s32 s0, $0x0;
	s0 =	rddreg [dreg:$0x2]  }
0x262: {  	s0 =	sadd.s32 @!p0 $0x100000, s0  }
0x263: {  	[sflag:s0] =	ssyncadd.tile.s32 @!p0 $0x1;
	_ =	shalt  }
.Lfunc_end2:
_tile_overlayer_lowered:
.L_overlay_start_2:
0x264: {  	(tag) =	ssettag $0x2  }
0x265: {  	s0 =	rddreg [dreg:$0x0];
	s2 =	stileid.u32  }
0x266: {  	s1 =	rddreg [dreg:$0x1];
	p0 =	sne.s32 s2, $0x0  }
0x267: {  	s3 =	rddreg [dreg:$0x2];
	[bflag:$0x3] =	sbarrier.arrive $0xFFFF;
	s2 =	simm.s32 @!p0 $0x1C07  }
0x268: {  	[timem:s3], [sflag:s2] =	dma.local @!p0 [hbm:s0], s1  }
0x269: {  	s0 =	simm.s32 @!p0 $0x7  }
0x26a: {  	_ =	swait.ge @!p0 [sflag:s0], s1  }
0x26b: {  	s1 =	ssub.s32 @!p0 $0x0, s1;
	[sflag:s0] =	ssyncset.done @!p0 $0x0  }
0x26c: {  	[sflag:s0] =	ssyncadd.s32 @!p0 s1  }
0x26d: {  	[bflag:$0x3] =	sbarrier.arrive $0xFFFF  }
0x26e: {  	_ =	shalt  }

</sc_bundles>
